<compile_context>
chip_gen: v7x
topology: tpu7x:2x2x1
jax: 0.10.2.dev20260603
libtpu: 0.0.44.dev20260713+nightly
codegen_flags: <defaults>
</compile_context>

<pallas_src>
import functools

import jax
import jax.numpy as jnp
from jax import lax
from jax.experimental import pallas as pl
from jax.experimental.pallas import tpu as pltpu
from jax.experimental.pallas import tpu_sc as plsc

LAMBDA1 = 0.1
LAMBDA2 = 0.1
TOP_K = 256

_NC = 2
_NS = 16
_NW = _NC * _NS
_L = 16

_CHUNK = 10240


def _sc_stage(ui, ii, ur, uc, uv, user_emb, item_emb, user_avg, movie_avg, gm16):
    B = ui.shape[0]
    NNZ = ur.shape[0]
    NU, D = user_emb.shape
    NI = item_emb.shape[0]
    QB = B // _NW
    assert B % (_L * _NW) == 0 and NI % _L == 0 and NU % _L == 0
    assert NNZ % _L == 0

    ch_main = (NNZ // _NW) & ~(_L - 1)
    tail = NNZ - _NW * ch_main
    assert tail % _L == 0 and tail <= _CHUNK
    chunks = [_CHUNK] * (ch_main // _CHUNK)
    if ch_main % _CHUNK:
        chunks.append(ch_main % _CHUNK)

    mesh = plsc.VectorSubcoreMesh(core_axis_name="c", subcore_axis_name="s",
                                  num_cores=_NC, num_subcores=_NS)

    @functools.partial(
        pl.kernel,
        mesh=mesh,
        compiler_params=pltpu.CompilerParams(needs_layout_passes=False),
        out_type=[
            jax.ShapeDtypeStruct((_NW, NI), jnp.float32),
            jax.ShapeDtypeStruct((B,), jnp.float32),
            jax.ShapeDtypeStruct((B,), jnp.float32),
            jax.ShapeDtypeStruct((B, D), jnp.float32),
            jax.ShapeDtypeStruct((B, D), jnp.float32),
        ],
        scratch_types=[
            pltpu.VMEM((NU,), jnp.float32),
            pltpu.VMEM((NI,), jnp.float32),
            pltpu.VMEM((NI,), jnp.float32),
            pltpu.VMEM((_L,), jnp.float32),
            pltpu.VMEM((QB,), jnp.int32),
            pltpu.VMEM((QB,), jnp.int32),
            pltpu.VMEM((QB, D), jnp.float32),
            pltpu.VMEM((QB, D), jnp.float32),
            pltpu.VMEM((QB,), jnp.float32),
            pltpu.VMEM((QB,), jnp.float32),
            pltpu.VMEM((_CHUNK,), jnp.int32),
            pltpu.VMEM((_CHUNK,), jnp.int32),
            pltpu.VMEM((_CHUNK,), jnp.int32),
            pltpu.VMEM((_CHUNK,), jnp.int32),
            pltpu.VMEM((_CHUNK,), jnp.float32),
            pltpu.VMEM((_CHUNK,), jnp.float32),
            pltpu.SemaphoreType.DMA,
            pltpu.SemaphoreType.DMA,
        ],
    )
    def sc_kernel(ui_h, ii_h, ur_h, uc_h, uv_h, ue_h, ie_h, ua_h, ma_h, gm_h,
                  colp_o, uq_o, mq_o, ulat_o, ilat_o,
                  uavg_t, mavg_t, colp_v, gm_v, uidx_v, iidx_v, ulat_v,
                  ilat_v, qa_v, qb_v, rows_a, rows_b, cols_a, cols_b, vals_a,
                  vals_b, sem, nsem):
        wid = lax.axis_index("s") * _NC + lax.axis_index("c")
        qbase = wid * QB
        nnz_off = wid * ch_main
        bufs = ((rows_a, cols_a, vals_a), (rows_b, cols_b, vals_b))

        d_ua = pltpu.async_copy(ua_h, uavg_t, sem)
        d_ma = pltpu.async_copy(ma_h, mavg_t, sem)
        d_gm = pltpu.async_copy(gm_h, gm_v, sem)
        d_ui = pltpu.async_copy(ui_h.at[pl.ds(qbase, QB)], uidx_v, sem)
        d_ii = pltpu.async_copy(ii_h.at[pl.ds(qbase, QB)], iidx_v, sem)
        n0 = chunks[0]
        d_r = pltpu.async_copy(ur_h.at[pl.ds(nnz_off, n0)],
                               rows_a.at[pl.ds(0, n0)], nsem)
        d_c = pltpu.async_copy(uc_h.at[pl.ds(nnz_off, n0)],
                               cols_a.at[pl.ds(0, n0)], nsem)
        d_v = pltpu.async_copy(uv_h.at[pl.ds(nnz_off, n0)],
                               vals_a.at[pl.ds(0, n0)], nsem)
        d_ua.wait()
        d_ma.wait()
        d_gm.wait()
        d_ui.wait()
        d_ii.wait()

        g_u = pltpu.async_copy(ue_h.at[uidx_v], ulat_v, sem)
        g_i = pltpu.async_copy(ie_h.at[iidx_v], ilat_v, sem)
        for j in range(QB // _L):
            sl = pl.ds(j * _L, _L)
            qa_v[sl] = plsc.load_gather(uavg_t, [uidx_v[sl]])
            qb_v[sl] = plsc.load_gather(mavg_t, [iidx_v[sl]])
        w_qa = pltpu.async_copy(qa_v, uq_o.at[pl.ds(qbase, QB)], sem)
        w_qb = pltpu.async_copy(qb_v, mq_o.at[pl.ds(qbase, QB)], sem)
        g_u.wait()
        g_i.wait()
        w_ul = pltpu.async_copy(ulat_v, ulat_o.at[pl.ds(qbase, QB)], sem)
        w_il = pltpu.async_copy(ilat_v, ilat_o.at[pl.ds(qbase, QB)], sem)

        def zero_body(j, carry):
            colp_v[pl.ds(j * _L, _L)] = jnp.zeros((_L,), jnp.float32)
            return carry
        lax.fori_loop(jnp.int32(0), jnp.int32(NI // _L), zero_body,
                      jnp.int32(0))

        gmv = gm_v[...]

        def accum(buf, nvec):
            unroll = 4

            rv, cv, vv = bufs[buf]

            def group(j):
                sl = pl.ds(j * _L, _L)
                r16 = rv[sl]
                c16 = cv[sl]
                v16 = vv[sl]
                ua16 = plsc.load_gather(uavg_t, [r16])
                ma16 = plsc.load_gather(mavg_t, [c16])
                plsc.addupdate_scatter(colp_v, [c16], v16 - ua16 - ma16 - gmv)

            def body(j, carry):
                for u in range(unroll):
                    group(j * unroll + jnp.int32(u))
                return carry

            def body1(j, carry):
                group(j)
                return carry

            lax.fori_loop(jnp.int32(0), jnp.int32(nvec // unroll), body,
                          jnp.int32(0))
            if nvec % unroll:
                lax.fori_loop(jnp.int32(nvec - nvec % unroll),
                              jnp.int32(nvec), body1, jnp.int32(0))

        descs = (d_r, d_c, d_v)
        done = chunks[0]
        for ci, n in enumerate(chunks):
            buf = ci % 2
            for d in descs:
                d.wait()
            if ci + 1 < len(chunks):
                nrv, ncv, nvv = bufs[(ci + 1) % 2]
                nn = chunks[ci + 1]
                noff = nnz_off + done
                done += nn
                descs = (
                    pltpu.async_copy(ur_h.at[pl.ds(noff, nn)],
                                     nrv.at[pl.ds(0, nn)], nsem),
                    pltpu.async_copy(uc_h.at[pl.ds(noff, nn)],
                                     ncv.at[pl.ds(0, nn)], nsem),
                    pltpu.async_copy(uv_h.at[pl.ds(noff, nn)],
                                     nvv.at[pl.ds(0, nn)], nsem),
                )
            accum(buf, n // _L)

        if tail > 0:
            @pl.when(wid == 0)
            def _():
                toff = _NW * ch_main
                pltpu.sync_copy(ur_h.at[pl.ds(toff, tail)],
                                rows_a.at[pl.ds(0, tail)])
                pltpu.sync_copy(uc_h.at[pl.ds(toff, tail)],
                                cols_a.at[pl.ds(0, tail)])
                pltpu.sync_copy(uv_h.at[pl.ds(toff, tail)],
                                vals_a.at[pl.ds(0, tail)])
                accum(0, tail // _L)

        pltpu.sync_copy(colp_v, colp_o.at[wid])
        w_qa.wait()
        w_qb.wait()
        w_ul.wait()
        w_il.wait()

    return sc_kernel(ui, ii, ur, uc, uv, user_emb, item_emb, user_avg,
                     movie_avg, gm16)


def _sortable_keys(x):
    b = lax.bitcast_convert_type(x, jnp.int32)
    return jnp.where(b < 0, b ^ jnp.int32(0x7FFFFFFF), b)


def _tc_body(ilat_ref, iemb_ref, colp_ref, ulat_ref, uq_ref, mq_ref, gm_ref,
             pred_ref, reg_ref, *, k):
    step = pl.program_id(0)
    cs = jnp.sum(colp_ref[...], axis=0, keepdims=True)
    il = ilat_ref[...]
    sim = lax.dot_general(il, iemb_ref[...], (((1,), (1,)), ((), ())),
                          preferred_element_type=jnp.float32)
    keys = _sortable_keys(sim)
    rb = sim.shape[0]
    kk = jnp.int32(k)

    def packed_count(ones):
        w = ones.shape[1]
        while w > 128:
            ones = ones[:, : w // 2] + ones[:, w // 2:]
            w //= 2
        return jnp.sum(ones.astype(jnp.int32), axis=1, keepdims=True,
                       dtype=jnp.int32)

    i16_1 = jnp.int16(1)
    i16_0 = jnp.int16(0)
    hk = lax.shift_right_arithmetic(keys, jnp.int32(16)).astype(jnp.int16)

    def hi_body(_, carry):
        t, bv, c = carry
        cand = t + bv
        cnt = packed_count(jnp.where(hk >= cand.astype(jnp.int16),
                                     i16_1, i16_0))
        acc = cnt >= kk
        return jnp.where(acc, cand, t), \
            lax.shift_right_arithmetic(bv, jnp.int32(1)), \
            jnp.where(acc, cnt, c)

    t0 = jnp.full((rb, 1), jnp.int32(-32768))
    bv0 = jnp.full((rb, 1), jnp.int32(32768))
    nrow = jnp.full((rb, 1), jnp.int32(sim.shape[1]))
    hstar, _, cnt_ge_h = lax.fori_loop(jnp.int32(0), jnp.int32(16), hi_body,
                                       (t0, bv0, nrow))

    lu = keys.astype(jnp.int16) ^ jnp.int16(-32768)
    h16 = hstar.astype(jnp.int16)
    emask = hk == h16
    cnt_gt_h = cnt_ge_h - packed_count(jnp.where(emask, i16_1, i16_0))
    lo_m = jnp.where(emask, lu, jnp.int16(-32768))

    def lo_body(_, carry):
        t, bv, c = carry
        cand = t + bv
        cnt = cnt_gt_h + packed_count(
            jnp.where(lo_m >= cand.astype(jnp.int16), i16_1, i16_0))
        acc = cnt >= kk
        return jnp.where(acc, cand, t), \
            lax.shift_right_arithmetic(bv, jnp.int32(1)), \
            jnp.where(acc, cnt, c)

    lstar, _, cnt_ge = lax.fori_loop(jnp.int32(0), jnp.int32(16), lo_body,
                                     (t0, bv0, cnt_ge_h))

    thr = lax.shift_left(hstar, jnp.int32(16)) | (
        (lstar ^ jnp.int32(0x8000)) & jnp.int32(0xFFFF))

    maskge = keys >= thr
    wcs = sim * cs
    contrib = jnp.sum(jnp.where(maskge, wcs, 0.0), axis=1)

    ul = ulat_ref[...]
    svd = jnp.sum(il * ul, axis=1)
    base = uq_ref[...] + mq_ref[...] - gm_ref[0, 0]
    pred_ref[...] = jnp.maximum(base + svd + contrib, 0.0)

    @pl.when(step == 0)
    def _():
        reg_ref[...] = jnp.zeros_like(reg_ref)
    reg_ref[...] = reg_ref[...] + (LAMBDA1 * jnp.sum(ul * ul) +
                                   LAMBDA2 * jnp.sum(il * il))

    @pl.when(jnp.max(cnt_ge) > kk)
    def _():
        ni = sim.shape[1]
        gt = keys > thr
        cnt_gt = jnp.sum(gt.astype(jnp.int32), axis=1, keepdims=True,
                         dtype=jnp.int32)
        needed = kk - cnt_gt
        tie = maskge & jnp.logical_not(gt)
        iota = lax.broadcasted_iota(jnp.int32, (1, ni), 1)
        nbits = max(1, (ni - 1).bit_length())

        def idx_body(_, carry):
            p, bv = carry
            cand = p + bv
            h = jnp.sum((tie & (iota < cand)).astype(jnp.int32), axis=1,
                        keepdims=True, dtype=jnp.int32)
            return jnp.where(h < needed, cand, p), lax.shift_right_logical(bv, jnp.int32(1))

        p0 = jnp.zeros((rb, 1), jnp.int32)
        bv0 = jnp.full((rb, 1), jnp.int32(1 << (nbits - 1)))
        pmax, _ = lax.fori_loop(jnp.int32(0), jnp.int32(nbits), idx_body,
                                (p0, bv0))
        sel = gt | (tie & (iota <= pmax))
        contrib2 = jnp.sum(jnp.where(sel, wcs, 0.0), axis=1)
        pred_ref[...] = jnp.maximum(base + svd + contrib2, 0.0)


def kernel(user_indices, item_indices, util_rows, util_cols, util_vals,
           user_emb, item_emb, user_avg, movie_avg, global_mean):
    B = user_indices.shape[0]
    NI, D = item_emb.shape
    D2 = ((D + 127) // 128) * 128
    uep = jnp.pad(user_emb.astype(jnp.float32), ((0, 0), (0, D2 - D)))
    iep = jnp.pad(item_emb.astype(jnp.float32), ((0, 0), (0, D2 - D)))
    ui = user_indices.astype(jnp.int32)
    ii = item_indices.astype(jnp.int32)
    ur = util_rows.astype(jnp.int32)
    uc = util_cols.astype(jnp.int32)
    uv = util_vals.astype(jnp.float32)
    gm = global_mean.astype(jnp.float32)
    gm16 = jnp.broadcast_to(gm.reshape(1), (_L,))

    colp, uq, mq, ulat, ilat = _sc_stage(
        ui, ii, ur, uc, uv, uep, iep, user_avg.astype(jnp.float32),
        movie_avg.astype(jnp.float32), gm16)

    RB = 512
    assert B % RB == 0
    z = lambda i: jnp.int32(0)
    preds, reg = pl.pallas_call(
        functools.partial(_tc_body, k=TOP_K),
        grid=(B // RB,),
        in_specs=[
            pl.BlockSpec((RB, D2), lambda i: (i, z(i))),
            pl.BlockSpec((NI, D2), lambda i: (z(i), z(i))),
            pl.BlockSpec((_NW, NI), lambda i: (z(i), z(i))),
            pl.BlockSpec((RB, D2), lambda i: (i, z(i))),
            pl.BlockSpec((RB,), lambda i: (i,)),
            pl.BlockSpec((RB,), lambda i: (i,)),
            pl.BlockSpec((1, 1), lambda i: (z(i), z(i))),
        ],
        out_specs=[
            pl.BlockSpec((RB,), lambda i: (i,)),
            pl.BlockSpec((1, 1), lambda i: (z(i), z(i))),
        ],
        out_shape=[
            jax.ShapeDtypeStruct((B,), jnp.float32),
            jax.ShapeDtypeStruct((1, 1), jnp.float32),
        ],
    )(ilat, iep, colp, ulat, uq, mq, gm.reshape(1, 1))

    return preds, reg.reshape(())

# --- scband reference (transcript-rebuilt; emitter-appended) ---
"""Pipeline reference for scband-matrix-factorization-5231270167003 (READ-ONLY COPY).

The authoritative reference and input builder live on the scoring server;
editing this copy changes nothing except your own understanding.
"""

import jax, jax.numpy as jnp
import numpy as np
jax.config.update("jax_enable_x64", True)

NUM_USERS = 16384
NUM_ITEMS = 4096
LATENT_DIM = 64
TOP_K = 256
LAMBDA1 = 0.1
LAMBDA2 = 0.1
B = 4096
NNZ = 1000000


def setup_inputs(seed: int = 0) -> dict:
    key = jax.random.key(seed)
    ks = jax.random.split(key, 7)
    user_indices = jax.random.randint(ks[0], (B,), 0, NUM_USERS, dtype=jnp.int64)
    item_indices = jax.random.randint(ks[1], (B,), 0, NUM_ITEMS, dtype=jnp.int64)
    util_rows = jax.random.randint(ks[2], (NNZ,), 0, NUM_USERS, dtype=jnp.int64)
    util_cols = jax.random.randint(ks[3], (NNZ,), 0, NUM_ITEMS, dtype=jnp.int64)
    util_vals = jax.random.uniform(ks[4], (NNZ,), dtype=jnp.float32) * 4.5 + 0.5
    user_emb = 0.1 * jax.random.normal(ks[5], (NUM_USERS, LATENT_DIM), dtype=jnp.float32)
    item_emb = 0.1 * jax.random.normal(ks[6], (NUM_ITEMS, LATENT_DIM), dtype=jnp.float32)
    # __init__-time statistics (index_add_ based averages over the rating data)
    global_mean = util_vals.mean()
    ones = jnp.ones((NNZ,), dtype=jnp.float32)
    user_sum = jnp.zeros((NUM_USERS,), dtype=jnp.float32).at[util_rows].add(util_vals)
    user_cnt = jnp.zeros((NUM_USERS,), dtype=jnp.float32).at[util_rows].add(ones)
    user_avg = user_sum / jnp.maximum(user_cnt, 1.0)
    movie_sum = jnp.zeros((NUM_ITEMS,), dtype=jnp.float32).at[util_cols].add(util_vals)
    movie_cnt = jnp.zeros((NUM_ITEMS,), dtype=jnp.float32).at[util_cols].add(ones)
    movie_avg = movie_sum / jnp.maximum(movie_cnt, 1.0)
    return {
        "user_indices": user_indices,
        "item_indices": item_indices,
        "util_rows": util_rows,
        "util_cols": util_cols,
        "util_vals": util_vals,
        "user_emb": user_emb,
        "item_emb": item_emb,
        "user_avg": user_avg,
        "movie_avg": movie_avg,
        "global_mean": global_mean,
    }


def reference(user_indices, item_indices, util_rows, util_cols, util_vals,
              user_emb, item_emb, user_avg, movie_avg, global_mean):
    # biases / baseline
    user_bias = user_avg[user_indices] - global_mean
    item_bias = movie_avg[item_indices] - global_mean
    baseline = global_mean + user_bias + item_bias
    # latent factors (embedding gathers)
    user_latent = user_emb[user_indices]
    item_latent = item_emb[item_indices]
    # full item-item similarity (compute_similarity on item_embedding.weight)
    similarity_matrix = item_emb @ item_emb.T
    # residual matrix densified from the sparse utility matrix (COO scatter-add)
    residual_values = util_vals - (global_mean + user_avg[util_rows] + movie_avg[util_cols])
    residual_matrix = jnp.zeros((NUM_USERS, NUM_ITEMS), dtype=jnp.float32).at[util_rows, util_cols].add(residual_values)
    # knn(): sum(top_k_values * residual_matrix[:, top_k_indices].sum(dim=0))
    # == dot(top_k_values, column_sums[top_k_indices]); vectorized over the batch
    col_sums = jnp.sum(residual_matrix, axis=0)
    sim_rows = similarity_matrix[item_indices]
    top_vals, top_idx = jax.lax.top_k(sim_rows, TOP_K)
    residual_contrib = jnp.sum(top_vals * col_sums[top_idx], axis=1)
    svd_score = jnp.sum(user_latent * item_latent, axis=1)
    predictions = jax.nn.relu(baseline + svd_score + residual_contrib)
    reg = LAMBDA1 * jnp.sum(user_latent ** 2) + LAMBDA2 * jnp.sum(item_latent ** 2)
    return predictions, reg

if __name__ == "__main__":
    import jax
    _d = setup_inputs()
    print(jax.jit(kernel)(*tuple(_d.values())))

</pallas_src>

<mosaic_0001>
#map = affine_map<(d0, d1) -> (0)>
#map1 = affine_map<(d0, d1) -> (0, 0)>
module attributes {stable_mosaic.version = 14 : i64} {
  func.func @sc_kernel(%arg0: i32, %arg1: i32, %arg2: memref<4096xi32, #tpu.memory_space<hbm>>, %arg3: memref<4096xi32, #tpu.memory_space<hbm>>, %arg4: memref<1000000xi32, #tpu.memory_space<hbm>>, %arg5: memref<1000000xi32, #tpu.memory_space<hbm>>, %arg6: memref<1000000xf32, #tpu.memory_space<hbm>>, %arg7: memref<16384x128xf32, #tpu.memory_space<hbm>>, %arg8: memref<4096x128xf32, #tpu.memory_space<hbm>>, %arg9: memref<16384xf32, #tpu.memory_space<hbm>>, %arg10: memref<4096xf32, #tpu.memory_space<hbm>>, %arg11: memref<16xf32, #tpu.memory_space<hbm>>, %arg12: memref<32x4096xf32, #tpu.memory_space<hbm>>, %arg13: memref<4096xf32, #tpu.memory_space<hbm>>, %arg14: memref<4096xf32, #tpu.memory_space<hbm>>, %arg15: memref<4096x128xf32, #tpu.memory_space<hbm>>, %arg16: memref<4096x128xf32, #tpu.memory_space<hbm>>, %arg17: memref<16384xf32, #tpu.memory_space<vmem>>, %arg18: memref<4096xf32, #tpu.memory_space<vmem>>, %arg19: memref<4096xf32, #tpu.memory_space<vmem>>, %arg20: memref<16xf32, #tpu.memory_space<vmem>>, %arg21: memref<128xi32, #tpu.memory_space<vmem>>, %arg22: memref<128xi32, #tpu.memory_space<vmem>>, %arg23: memref<128x128xf32, #tpu.memory_space<vmem>>, %arg24: memref<128x128xf32, #tpu.memory_space<vmem>>, %arg25: memref<128xf32, #tpu.memory_space<vmem>>, %arg26: memref<128xf32, #tpu.memory_space<vmem>>, %arg27: memref<10240xi32, #tpu.memory_space<vmem>>, %arg28: memref<10240xi32, #tpu.memory_space<vmem>>, %arg29: memref<10240xi32, #tpu.memory_space<vmem>>, %arg30: memref<10240xi32, #tpu.memory_space<vmem>>, %arg31: memref<10240xf32, #tpu.memory_space<vmem>>, %arg32: memref<10240xf32, #tpu.memory_space<vmem>>, %arg33: memref<!tpu.dma_semaphore, #tpu.memory_space<semaphore_mem>>, %arg34: memref<!tpu.dma_semaphore, #tpu.memory_space<semaphore_mem>>) attributes {dimension_semantics = [#tpu.dimension_semantics<core_parallel>, #tpu.dimension_semantics<subcore_parallel>], iteration_bounds = array<i64: 2, 16>, scalar_prefetch = 0 : i64, scratch_operands = 18 : i64, tpu.core_type = #tpu.core_type<sc_vector_subcore>, window_params = [{transform_indices = #map}, {transform_indices = #map}, {transform_indices = #map}, {transform_indices = #map}, {transform_indices = #map}, {transform_indices = #map1}, {transform_indices = #map1}, {transform_indices = #map}, {transform_indices = #map}, {transform_indices = #map}, {transform_indices = #map1}, {transform_indices = #map}, {transform_indices = #map}, {transform_indices = #map1}, {transform_indices = #map1}]} {
    %mul3A = arith.constant 2 : i32
    %mul3A_0 = arith.muli %arg1, %mul3A : i32
    %add3A = arith.addi %mul3A_0, %arg0 : i32
    %mul3A_1 = arith.constant 128 : i32
    %mul3A_2 = arith.muli %add3A, %mul3A_1 : i32
    %mul3A_3 = arith.constant 31248 : i32
    %mul3A_4 = arith.muli %add3A, %mul3A_3 : i32
    tpu.enqueue_dma source(%arg9 : memref<16384xf32, #tpu.memory_space<hbm>>) target(%arg17 : memref<16384xf32, #tpu.memory_space<vmem>>) target_semaphore(%arg33 : memref<!tpu.dma_semaphore, #tpu.memory_space<semaphore_mem>>)
    tpu.enqueue_dma source(%arg10 : memref<4096xf32, #tpu.memory_space<hbm>>) target(%arg18 : memref<4096xf32, #tpu.memory_space<vmem>>) target_semaphore(%arg33 : memref<!tpu.dma_semaphore, #tpu.memory_space<semaphore_mem>>)
    tpu.enqueue_dma source(%arg11 : memref<16xf32, #tpu.memory_space<hbm>>) target(%arg20 : memref<16xf32, #tpu.memory_space<vmem>>) target_semaphore(%arg33 : memref<!tpu.dma_semaphore, #tpu.memory_space<semaphore_mem>>)
    %dma_start3A = tpu.memref_slice %arg2[%mul3A_2] : memref<4096xi32, #tpu.memory_space<hbm>> -> memref<128xi32, #tpu.memory_space<hbm>>
    %dma_start3A_5 = tpu.memref_slice %arg2[%mul3A_2] : memref<4096xi32, #tpu.memory_space<hbm>> -> memref<128xi32, #tpu.memory_space<hbm>>
    tpu.enqueue_dma source(%dma_start3A_5 : memref<128xi32, #tpu.memory_space<hbm>>) target(%arg21 : memref<128xi32, #tpu.memory_space<vmem>>) target_semaphore(%arg33 : memref<!tpu.dma_semaphore, #tpu.memory_space<semaphore_mem>>)
    %dma_start3A_6 = tpu.memref_slice %arg3[%mul3A_2] : memref<4096xi32, #tpu.memory_space<hbm>> -> memref<128xi32, #tpu.memory_space<hbm>>
    %dma_start3A_7 = tpu.memref_slice %arg3[%mul3A_2] : memref<4096xi32, #tpu.memory_space<hbm>> -> memref<128xi32, #tpu.memory_space<hbm>>
    tpu.enqueue_dma source(%dma_start3A_7 : memref<128xi32, #tpu.memory_space<hbm>>) target(%arg22 : memref<128xi32, #tpu.memory_space<vmem>>) target_semaphore(%arg33 : memref<!tpu.dma_semaphore, #tpu.memory_space<semaphore_mem>>)
    %dma_start3A_8 = arith.constant 0 : i32
    %dma_start3A_9 = tpu.memref_slice %arg27[%dma_start3A_8] : memref<10240xi32, #tpu.memory_space<vmem>> -> memref<10240xi32, #tpu.memory_space<vmem>>
    %dma_start3A_10 = tpu.memref_slice %arg4[%mul3A_4] : memref<1000000xi32, #tpu.memory_space<hbm>> -> memref<10240xi32, #tpu.memory_space<hbm>>
    %dma_start3A_11 = arith.constant 0 : i32
    %dma_start3A_12 = tpu.memref_slice %arg27[%dma_start3A_11] : memref<10240xi32, #tpu.memory_space<vmem>> -> memref<10240xi32, #tpu.memory_space<vmem>>
    %dma_start3A_13 = tpu.memref_slice %arg4[%mul3A_4] : memref<1000000xi32, #tpu.memory_space<hbm>> -> memref<10240xi32, #tpu.memory_space<hbm>>
    tpu.enqueue_dma source(%dma_start3A_13 : memref<10240xi32, #tpu.memory_space<hbm>>) target(%dma_start3A_12 : memref<10240xi32, #tpu.memory_space<vmem>>) target_semaphore(%arg34 : memref<!tpu.dma_semaphore, #tpu.memory_space<semaphore_mem>>)
    %dma_start3A_14 = arith.constant 0 : i32
    %dma_start3A_15 = tpu.memref_slice %arg29[%dma_start3A_14] : memref<10240xi32, #tpu.memory_space<vmem>> -> memref<10240xi32, #tpu.memory_space<vmem>>
    %dma_start3A_16 = tpu.memref_slice %arg5[%mul3A_4] : memref<1000000xi32, #tpu.memory_space<hbm>> -> memref<10240xi32, #tpu.memory_space<hbm>>
    %dma_start3A_17 = arith.constant 0 : i32
    %dma_start3A_18 = tpu.memref_slice %arg29[%dma_start3A_17] : memref<10240xi32, #tpu.memory_space<vmem>> -> memref<10240xi32, #tpu.memory_space<vmem>>
    %dma_start3A_19 = tpu.memref_slice %arg5[%mul3A_4] : memref<1000000xi32, #tpu.memory_space<hbm>> -> memref<10240xi32, #tpu.memory_space<hbm>>
    tpu.enqueue_dma source(%dma_start3A_19 : memref<10240xi32, #tpu.memory_space<hbm>>) target(%dma_start3A_18 : memref<10240xi32, #tpu.memory_space<vmem>>) target_semaphore(%arg34 : memref<!tpu.dma_semaphore, #tpu.memory_space<semaphore_mem>>)
    %dma_start3A_20 = arith.constant 0 : i32
    %dma_start3A_21 = tpu.memref_slice %arg31[%dma_start3A_20] : memref<10240xf32, #tpu.memory_space<vmem>> -> memref<10240xf32, #tpu.memory_space<vmem>>
    %dma_start3A_22 = tpu.memref_slice %arg6[%mul3A_4] : memref<1000000xf32, #tpu.memory_space<hbm>> -> memref<10240xf32, #tpu.memory_space<hbm>>
    %dma_start3A_23 = arith.constant 0 : i32
    %dma_start3A_24 = tpu.memref_slice %arg31[%dma_start3A_23] : memref<10240xf32, #tpu.memory_space<vmem>> -> memref<10240xf32, #tpu.memory_space<vmem>>
    %dma_start3A_25 = tpu.memref_slice %arg6[%mul3A_4] : memref<1000000xf32, #tpu.memory_space<hbm>> -> memref<10240xf32, #tpu.memory_space<hbm>>
    tpu.enqueue_dma source(%dma_start3A_25 : memref<10240xf32, #tpu.memory_space<hbm>>) target(%dma_start3A_24 : memref<10240xf32, #tpu.memory_space<vmem>>) target_semaphore(%arg34 : memref<!tpu.dma_semaphore, #tpu.memory_space<semaphore_mem>>)
    tpu.wait_dma2 semaphore(%arg33 : memref<!tpu.dma_semaphore, #tpu.memory_space<semaphore_mem>>) src(%arg9 : memref<16384xf32, #tpu.memory_space<hbm>>) dst(%arg17 : memref<16384xf32, #tpu.memory_space<vmem>>)
    tpu.wait_dma2 semaphore(%arg33 : memref<!tpu.dma_semaphore, #tpu.memory_space<semaphore_mem>>) src(%arg10 : memref<4096xf32, #tpu.memory_space<hbm>>) dst(%arg18 : memref<4096xf32, #tpu.memory_space<vmem>>)
    tpu.wait_dma2 semaphore(%arg33 : memref<!tpu.dma_semaphore, #tpu.memory_space<semaphore_mem>>) src(%arg11 : memref<16xf32, #tpu.memory_space<hbm>>) dst(%arg20 : memref<16xf32, #tpu.memory_space<vmem>>)
    %dma_wait3A = tpu.memref_slice %arg2[%mul3A_2] : memref<4096xi32, #tpu.memory_space<hbm>> -> memref<128xi32, #tpu.memory_space<hbm>>
    %dma_wait3A_26 = tpu.memref_slice %arg2[%mul3A_2] : memref<4096xi32, #tpu.memory_space<hbm>> -> memref<128xi32, #tpu.memory_space<hbm>>
    tpu.wait_dma2 semaphore(%arg33 : memref<!tpu.dma_semaphore, #tpu.memory_space<semaphore_mem>>) src(%dma_wait3A_26 : memref<128xi32, #tpu.memory_space<hbm>>) dst(%arg21 : memref<128xi32, #tpu.memory_space<vmem>>)
    %dma_wait3A_27 = tpu.memref_slice %arg3[%mul3A_2] : memref<4096xi32, #tpu.memory_space<hbm>> -> memref<128xi32, #tpu.memory_space<hbm>>
    %dma_wait3A_28 = tpu.memref_slice %arg3[%mul3A_2] : memref<4096xi32, #tpu.memory_space<hbm>> -> memref<128xi32, #tpu.memory_space<hbm>>
    tpu.wait_dma2 semaphore(%arg33 : memref<!tpu.dma_semaphore, #tpu.memory_space<semaphore_mem>>) src(%dma_wait3A_28 : memref<128xi32, #tpu.memory_space<hbm>>) dst(%arg22 : memref<128xi32, #tpu.memory_space<vmem>>)
    %dma_start3A_29 = arith.constant 0 : i32
    %dma_start3A_30 = arith.constant 0 : i32
    %dma_start3A_31 = tpu.memref_slice %arg7[%dma_start3A_29, %dma_start3A_30] : memref<16384x128xf32, #tpu.memory_space<hbm>> -> memref<16384x128xf32, #tpu.memory_space<hbm>>
    tpu.enqueue_indirect_dma source(%dma_start3A_31 : memref<16384x128xf32, #tpu.memory_space<hbm>>) target(%arg23 : memref<128x128xf32, #tpu.memory_space<vmem>>) offsets(%arg21 : memref<128xi32, #tpu.memory_space<vmem>>) semaphore(%arg33 : memref<!tpu.dma_semaphore, #tpu.memory_space<semaphore_mem>>)
    %dma_start3A_32 = arith.constant 0 : i32
    %dma_start3A_33 = arith.constant 0 : i32
    %dma_start3A_34 = tpu.memref_slice %arg8[%dma_start3A_32, %dma_start3A_33] : memref<4096x128xf32, #tpu.memory_space<hbm>> -> memref<4096x128xf32, #tpu.memory_space<hbm>>
    tpu.enqueue_indirect_dma source(%dma_start3A_34 : memref<4096x128xf32, #tpu.memory_space<hbm>>) target(%arg24 : memref<128x128xf32, #tpu.memory_space<vmem>>) offsets(%arg22 : memref<128xi32, #tpu.memory_space<vmem>>) semaphore(%arg33 : memref<!tpu.dma_semaphore, #tpu.memory_space<semaphore_mem>>)
    %get3A = arith.constant 0 : index
    %get3A_35 = tpu.vector_load %arg21[%get3A] {strides = array<i32>} : memref<128xi32, #tpu.memory_space<vmem>>, vector<16xi32>,
    %gather3A = tpu.vector_load_idx %arg17[%get3A_35] : memref<16384xf32, #tpu.memory_space<vmem>>[vector<16xi32>], vector<16xf32>,
    %swap3A = arith.constant 0 : index
    %swap3A_36 = tpu.vector_load %arg25[%swap3A] {strides = array<i32>} : memref<128xf32, #tpu.memory_space<vmem>>, vector<16xf32>,
    tpu.vector_store %arg25[%swap3A], %gather3A {strides = array<i32>} : memref<128xf32, #tpu.memory_space<vmem>>, vector<16xf32>,
    %get3A_37 = arith.constant 0 : index
    %get3A_38 = tpu.vector_load %arg22[%get3A_37] {strides = array<i32>} : memref<128xi32, #tpu.memory_space<vmem>>, vector<16xi32>,
    %gather3A_39 = tpu.vector_load_idx %arg18[%get3A_38] : memref<4096xf32, #tpu.memory_space<vmem>>[vector<16xi32>], vector<16xf32>,
    %swap3A_40 = arith.constant 0 : index
    %swap3A_41 = tpu.vector_load %arg26[%swap3A_40] {strides = array<i32>} : memref<128xf32, #tpu.memory_space<vmem>>, vector<16xf32>,
    tpu.vector_store %arg26[%swap3A_40], %gather3A_39 {strides = array<i32>} : memref<128xf32, #tpu.memory_space<vmem>>, vector<16xf32>,
    %get3A_42 = arith.constant 16 : index
    %get3A_43 = tpu.vector_load %arg21[%get3A_42] {strides = array<i32>} : memref<128xi32, #tpu.memory_space<vmem>>, vector<16xi32>,
    %gather3A_44 = tpu.vector_load_idx %arg17[%get3A_43] : memref<16384xf32, #tpu.memory_space<vmem>>[vector<16xi32>], vector<16xf32>,
    %swap3A_45 = arith.constant 16 : index
    %swap3A_46 = tpu.vector_load %arg25[%swap3A_45] {strides = array<i32>} : memref<128xf32, #tpu.memory_space<vmem>>, vector<16xf32>,
    tpu.vector_store %arg25[%swap3A_45], %gather3A_44 {strides = array<i32>} : memref<128xf32, #tpu.memory_space<vmem>>, vector<16xf32>,
    %get3A_47 = arith.constant 16 : index
    %get3A_48 = tpu.vector_load %arg22[%get3A_47] {strides = array<i32>} : memref<128xi32, #tpu.memory_space<vmem>>, vector<16xi32>,
    %gather3A_49 = tpu.vector_load_idx %arg18[%get3A_48] : memref<4096xf32, #tpu.memory_space<vmem>>[vector<16xi32>], vector<16xf32>,
    %swap3A_50 = arith.constant 16 : index
    %swap3A_51 = tpu.vector_load %arg26[%swap3A_50] {strides = array<i32>} : memref<128xf32, #tpu.memory_space<vmem>>, vector<16xf32>,
    tpu.vector_store %arg26[%swap3A_50], %gather3A_49 {strides = array<i32>} : memref<128xf32, #tpu.memory_space<vmem>>, vector<16xf32>,
    %get3A_52 = arith.constant 32 : index
    %get3A_53 = tpu.vector_load %arg21[%get3A_52] {strides = array<i32>} : memref<128xi32, #tpu.memory_space<vmem>>, vector<16xi32>,
    %gather3A_54 = tpu.vector_load_idx %arg17[%get3A_53] : memref<16384xf32, #tpu.memory_space<vmem>>[vector<16xi32>], vector<16xf32>,
    %swap3A_55 = arith.constant 32 : index
    %swap3A_56 = tpu.vector_load %arg25[%swap3A_55] {strides = array<i32>} : memref<128xf32, #tpu.memory_space<vmem>>, vector<16xf32>,
    tpu.vector_store %arg25[%swap3A_55], %gather3A_54 {strides = array<i32>} : memref<128xf32, #tpu.memory_space<vmem>>, vector<16xf32>,
    %get3A_57 = arith.constant 32 : index
    %get3A_58 = tpu.vector_load %arg22[%get3A_57] {strides = array<i32>} : memref<128xi32, #tpu.memory_space<vmem>>, vector<16xi32>,
    %gather3A_59 = tpu.vector_load_idx %arg18[%get3A_58] : memref<4096xf32, #tpu.memory_space<vmem>>[vector<16xi32>], vector<16xf32>,
    %swap3A_60 = arith.constant 32 : index
    %swap3A_61 = tpu.vector_load %arg26[%swap3A_60] {strides = array<i32>} : memref<128xf32, #tpu.memory_space<vmem>>, vector<16xf32>,
    tpu.vector_store %arg26[%swap3A_60], %gather3A_59 {strides = array<i32>} : memref<128xf32, #tpu.memory_space<vmem>>, vector<16xf32>,
    %get3A_62 = arith.constant 48 : index
    %get3A_63 = tpu.vector_load %arg21[%get3A_62] {strides = array<i32>} : memref<128xi32, #tpu.memory_space<vmem>>, vector<16xi32>,
    %gather3A_64 = tpu.vector_load_idx %arg17[%get3A_63] : memref<16384xf32, #tpu.memory_space<vmem>>[vector<16xi32>], vector<16xf32>,
    %swap3A_65 = arith.constant 48 : index
    %swap3A_66 = tpu.vector_load %arg25[%swap3A_65] {strides = array<i32>} : memref<128xf32, #tpu.memory_space<vmem>>, vector<16xf32>,
    tpu.vector_store %arg25[%swap3A_65], %gather3A_64 {strides = array<i32>} : memref<128xf32, #tpu.memory_space<vmem>>, vector<16xf32>,
    %get3A_67 = arith.constant 48 : index
    %get3A_68 = tpu.vector_load %arg22[%get3A_67] {strides = array<i32>} : memref<128xi32, #tpu.memory_space<vmem>>, vector<16xi32>,
    %gather3A_69 = tpu.vector_load_idx %arg18[%get3A_68] : memref<4096xf32, #tpu.memory_space<vmem>>[vector<16xi32>], vector<16xf32>,
    %swap3A_70 = arith.constant 48 : index
    %swap3A_71 = tpu.vector_load %arg26[%swap3A_70] {strides = array<i32>} : memref<128xf32, #tpu.memory_space<vmem>>, vector<16xf32>,
    tpu.vector_store %arg26[%swap3A_70], %gather3A_69 {strides = array<i32>} : memref<128xf32, #tpu.memory_space<vmem>>, vector<16xf32>,
    %get3A_72 = arith.constant 64 : index
    %get3A_73 = tpu.vector_load %arg21[%get3A_72] {strides = array<i32>} : memref<128xi32, #tpu.memory_space<vmem>>, vector<16xi32>,
    %gather3A_74 = tpu.vector_load_idx %arg17[%get3A_73] : memref<16384xf32, #tpu.memory_space<vmem>>[vector<16xi32>], vector<16xf32>,
    %swap3A_75 = arith.constant 64 : index
    %swap3A_76 = tpu.vector_load %arg25[%swap3A_75] {strides = array<i32>} : memref<128xf32, #tpu.memory_space<vmem>>, vector<16xf32>,
    tpu.vector_store %arg25[%swap3A_75], %gather3A_74 {strides = array<i32>} : memref<128xf32, #tpu.memory_space<vmem>>, vector<16xf32>,
    %get3A_77 = arith.constant 64 : index
    %get3A_78 = tpu.vector_load %arg22[%get3A_77] {strides = array<i32>} : memref<128xi32, #tpu.memory_space<vmem>>, vector<16xi32>,
    %gather3A_79 = tpu.vector_load_idx %arg18[%get3A_78] : memref<4096xf32, #tpu.memory_space<vmem>>[vector<16xi32>], vector<16xf32>,
    %swap3A_80 = arith.constant 64 : index
    %swap3A_81 = tpu.vector_load %arg26[%swap3A_80] {strides = array<i32>} : memref<128xf32, #tpu.memory_space<vmem>>, vector<16xf32>,
    tpu.vector_store %arg26[%swap3A_80], %gather3A_79 {strides = array<i32>} : memref<128xf32, #tpu.memory_space<vmem>>, vector<16xf32>,
    %get3A_82 = arith.constant 80 : index
    %get3A_83 = tpu.vector_load %arg21[%get3A_82] {strides = array<i32>} : memref<128xi32, #tpu.memory_space<vmem>>, vector<16xi32>,
    %gather3A_84 = tpu.vector_load_idx %arg17[%get3A_83] : memref<16384xf32, #tpu.memory_space<vmem>>[vector<16xi32>], vector<16xf32>,
    %swap3A_85 = arith.constant 80 : index
    %swap3A_86 = tpu.vector_load %arg25[%swap3A_85] {strides = array<i32>} : memref<128xf32, #tpu.memory_space<vmem>>, vector<16xf32>,
    tpu.vector_store %arg25[%swap3A_85], %gather3A_84 {strides = array<i32>} : memref<128xf32, #tpu.memory_space<vmem>>, vector<16xf32>,
    %get3A_87 = arith.constant 80 : index
    %get3A_88 = tpu.vector_load %arg22[%get3A_87] {strides = array<i32>} : memref<128xi32, #tpu.memory_space<vmem>>, vector<16xi32>,
    %gather3A_89 = tpu.vector_load_idx %arg18[%get3A_88] : memref<4096xf32, #tpu.memory_space<vmem>>[vector<16xi32>], vector<16xf32>,
    %swap3A_90 = arith.constant 80 : index
    %swap3A_91 = tpu.vector_load %arg26[%swap3A_90] {strides = array<i32>} : memref<128xf32, #tpu.memory_space<vmem>>, vector<16xf32>,
    tpu.vector_store %arg26[%swap3A_90], %gather3A_89 {strides = array<i32>} : memref<128xf32, #tpu.memory_space<vmem>>, vector<16xf32>,
    %get3A_92 = arith.constant 96 : index
    %get3A_93 = tpu.vector_load %arg21[%get3A_92] {strides = array<i32>} : memref<128xi32, #tpu.memory_space<vmem>>, vector<16xi32>,
    %gather3A_94 = tpu.vector_load_idx %arg17[%get3A_93] : memref<16384xf32, #tpu.memory_space<vmem>>[vector<16xi32>], vector<16xf32>,
    %swap3A_95 = arith.constant 96 : index
    %swap3A_96 = tpu.vector_load %arg25[%swap3A_95] {strides = array<i32>} : memref<128xf32, #tpu.memory_space<vmem>>, vector<16xf32>,
    tpu.vector_store %arg25[%swap3A_95], %gather3A_94 {strides = array<i32>} : memref<128xf32, #tpu.memory_space<vmem>>, vector<16xf32>,
    %get3A_97 = arith.constant 96 : index
    %get3A_98 = tpu.vector_load %arg22[%get3A_97] {strides = array<i32>} : memref<128xi32, #tpu.memory_space<vmem>>, vector<16xi32>,
    %gather3A_99 = tpu.vector_load_idx %arg18[%get3A_98] : memref<4096xf32, #tpu.memory_space<vmem>>[vector<16xi32>], vector<16xf32>,
    %swap3A_100 = arith.constant 96 : index
    %swap3A_101 = tpu.vector_load %arg26[%swap3A_100] {strides = array<i32>} : memref<128xf32, #tpu.memory_space<vmem>>, vector<16xf32>,
    tpu.vector_store %arg26[%swap3A_100], %gather3A_99 {strides = array<i32>} : memref<128xf32, #tpu.memory_space<vmem>>, vector<16xf32>,
    %get3A_102 = arith.constant 112 : index
    %get3A_103 = tpu.vector_load %arg21[%get3A_102] {strides = array<i32>} : memref<128xi32, #tpu.memory_space<vmem>>, vector<16xi32>,
    %gather3A_104 = tpu.vector_load_idx %arg17[%get3A_103] : memref<16384xf32, #tpu.memory_space<vmem>>[vector<16xi32>], vector<16xf32>,
    %swap3A_105 = arith.constant 112 : index
    %swap3A_106 = tpu.vector_load %arg25[%swap3A_105] {strides = array<i32>} : memref<128xf32, #tpu.memory_space<vmem>>, vector<16xf32>,
    tpu.vector_store %arg25[%swap3A_105], %gather3A_104 {strides = array<i32>} : memref<128xf32, #tpu.memory_space<vmem>>, vector<16xf32>,
    %get3A_107 = arith.constant 112 : index
    %get3A_108 = tpu.vector_load %arg22[%get3A_107] {strides = array<i32>} : memref<128xi32, #tpu.memory_space<vmem>>, vector<16xi32>,
    %gather3A_109 = tpu.vector_load_idx %arg18[%get3A_108] : memref<4096xf32, #tpu.memory_space<vmem>>[vector<16xi32>], vector<16xf32>,
    %swap3A_110 = arith.constant 112 : index
    %swap3A_111 = tpu.vector_load %arg26[%swap3A_110] {strides = array<i32>} : memref<128xf32, #tpu.memory_space<vmem>>, vector<16xf32>,
    tpu.vector_store %arg26[%swap3A_110], %gather3A_109 {strides = array<i32>} : memref<128xf32, #tpu.memory_space<vmem>>, vector<16xf32>,
    %dma_start3A_112 = tpu.memref_slice %arg13[%mul3A_2] : memref<4096xf32, #tpu.memory_space<hbm>> -> memref<128xf32, #tpu.memory_space<hbm>>
    %dma_start3A_113 = tpu.memref_slice %arg13[%mul3A_2] : memref<4096xf32, #tpu.memory_space<hbm>> -> memref<128xf32, #tpu.memory_space<hbm>>
    tpu.enqueue_dma source(%arg25 : memref<128xf32, #tpu.memory_space<vmem>>) target(%dma_start3A_113 : memref<128xf32, #tpu.memory_space<hbm>>) target_semaphore(%arg33 : memref<!tpu.dma_semaphore, #tpu.memory_space<semaphore_mem>>)
    %dma_start3A_114 = tpu.memref_slice %arg14[%mul3A_2] : memref<4096xf32, #tpu.memory_space<hbm>> -> memref<128xf32, #tpu.memory_space<hbm>>
    %dma_start3A_115 = tpu.memref_slice %arg14[%mul3A_2] : memref<4096xf32, #tpu.memory_space<hbm>> -> memref<128xf32, #tpu.memory_space<hbm>>
    tpu.enqueue_dma source(%arg26 : memref<128xf32, #tpu.memory_space<vmem>>) target(%dma_start3A_115 : memref<128xf32, #tpu.memory_space<hbm>>) target_semaphore(%arg33 : memref<!tpu.dma_semaphore, #tpu.memory_space<semaphore_mem>>)
    %dma_wait3A_116 = arith.constant 0 : i32
    %dma_wait3A_117 = arith.constant 0 : i32
    %dma_wait3A_118 = tpu.memref_slice %arg7[%dma_wait3A_116, %dma_wait3A_117] : memref<16384x128xf32, #tpu.memory_space<hbm>> -> memref<16384x128xf32, #tpu.memory_space<hbm>>
    tpu.wait_indirect_dma semaphore(%arg33 : memref<!tpu.dma_semaphore, #tpu.memory_space<semaphore_mem>>) src(%dma_wait3A_118 : memref<16384x128xf32, #tpu.memory_space<hbm>>) dst(%arg23 : memref<128x128xf32, #tpu.memory_space<vmem>>)
    %dma_wait3A_119 = arith.constant 0 : i32
    %dma_wait3A_120 = arith.constant 0 : i32
    %dma_wait3A_121 = tpu.memref_slice %arg8[%dma_wait3A_119, %dma_wait3A_120] : memref<4096x128xf32, #tpu.memory_space<hbm>> -> memref<4096x128xf32, #tpu.memory_space<hbm>>
    tpu.wait_indirect_dma semaphore(%arg33 : memref<!tpu.dma_semaphore, #tpu.memory_space<semaphore_mem>>) src(%dma_wait3A_121 : memref<4096x128xf32, #tpu.memory_space<hbm>>) dst(%arg24 : memref<128x128xf32, #tpu.memory_space<vmem>>)
    %dma_start3A_122 = arith.constant 0 : i32
    %dma_start3A_123 = tpu.memref_slice %arg15[%mul3A_2, %dma_start3A_122] : memref<4096x128xf32, #tpu.memory_space<hbm>> -> memref<128x128xf32, #tpu.memory_space<hbm>>
    %dma_start3A_124 = arith.constant 0 : i32
    %dma_start3A_125 = tpu.memref_slice %arg15[%mul3A_2, %dma_start3A_124] : memref<4096x128xf32, #tpu.memory_space<hbm>> -> memref<128x128xf32, #tpu.memory_space<hbm>>
    tpu.enqueue_dma source(%arg23 : memref<128x128xf32, #tpu.memory_space<vmem>>) target(%dma_start3A_125 : memref<128x128xf32, #tpu.memory_space<hbm>>) target_semaphore(%arg33 : memref<!tpu.dma_semaphore, #tpu.memory_space<semaphore_mem>>)
    %dma_start3A_126 = arith.constant 0 : i32
    %dma_start3A_127 = tpu.memref_slice %arg16[%mul3A_2, %dma_start3A_126] : memref<4096x128xf32, #tpu.memory_space<hbm>> -> memref<128x128xf32, #tpu.memory_space<hbm>>
    %dma_start3A_128 = arith.constant 0 : i32
    %dma_start3A_129 = tpu.memref_slice %arg16[%mul3A_2, %dma_start3A_128] : memref<4096x128xf32, #tpu.memory_space<hbm>> -> memref<128x128xf32, #tpu.memory_space<hbm>>
    tpu.enqueue_dma source(%arg24 : memref<128x128xf32, #tpu.memory_space<vmem>>) target(%dma_start3A_129 : memref<128x128xf32, #tpu.memory_space<hbm>>) target_semaphore(%arg33 : memref<!tpu.dma_semaphore, #tpu.memory_space<semaphore_mem>>)
    %while3A = arith.constant 0 : i32
    %while3A_130 = arith.constant 0 : i32
    %while3A_131 = arith.constant 256 : i32
    %while3A_132 = arith.subi %while3A_131, %while3A_130 : i32
    %while3A_133 = arith.addi %while3A_130, %while3A_132 : i32
    %while3A_134 = arith.constant 1 : i32
    %while3A_135 = arith.divsi %while3A_132, %while3A_134 : i32
    %while3A_136 = arith.muli %while3A_135, %while3A_134 : i32
    %while3A_137 = arith.addi %while3A_130, %while3A_136 : i32
    %while3A_138 = arith.constant 1 : i32
    scf.for %while3A_343 = %while3A_130 to %while3A_137 step %while3A_138  : i32 {
      %broadcast_in_dim3A = arith.constant 0.000000e+00 : f32
      %broadcast_in_dim3A_344 = vector.broadcast %broadcast_in_dim3A : f32 to vector<16xf32>
      %mul3A_345 = arith.constant 16 : i32
      %mul3A_346 = arith.muli %while3A_343, %mul3A_345 : i32
      %swap3A_347 = arith.index_cast %mul3A_346 : i32 to index
      %swap3A_348 = tpu.vector_load %arg19[%swap3A_347] {strides = array<i32>} : memref<4096xf32, #tpu.memory_space<vmem>>, vector<16xf32>,
      tpu.vector_store %arg19[%swap3A_347], %broadcast_in_dim3A_344 {strides = array<i32>} : memref<4096xf32, #tpu.memory_space<vmem>>, vector<16xf32>,
    }
    %while3A_139 = arith.constant 1 : i32
    scf.for %while3A_343 = %while3A_137 to %while3A_133 step %while3A_139  : i32 {
      %broadcast_in_dim3A = arith.constant 0.000000e+00 : f32
      %broadcast_in_dim3A_344 = vector.broadcast %broadcast_in_dim3A : f32 to vector<16xf32>
      %mul3A_345 = arith.constant 16 : i32
      %mul3A_346 = arith.muli %while3A_343, %mul3A_345 : i32
      %swap3A_347 = arith.index_cast %mul3A_346 : i32 to index
      %swap3A_348 = tpu.vector_load %arg19[%swap3A_347] {strides = array<i32>} : memref<4096xf32, #tpu.memory_space<vmem>>, vector<16xf32>,
      tpu.vector_store %arg19[%swap3A_347], %broadcast_in_dim3A_344 {strides = array<i32>} : memref<4096xf32, #tpu.memory_space<vmem>>, vector<16xf32>,
    }
    %get3A_140 = arith.constant 0 : index
    %get3A_141 = tpu.vector_load %arg20[%get3A_140] {strides = array<i32>} : memref<16xf32, #tpu.memory_space<vmem>>, vector<16xf32>,
    %dma_wait3A_142 = arith.constant 0 : i32
    %dma_wait3A_143 = tpu.memref_slice %arg27[%dma_wait3A_142] : memref<10240xi32, #tpu.memory_space<vmem>> -> memref<10240xi32, #tpu.memory_space<vmem>>
    %dma_wait3A_144 = tpu.memref_slice %arg4[%mul3A_4] : memref<1000000xi32, #tpu.memory_space<hbm>> -> memref<10240xi32, #tpu.memory_space<hbm>>
    %dma_wait3A_145 = arith.constant 0 : i32
    %dma_wait3A_146 = tpu.memref_slice %arg27[%dma_wait3A_145] : memref<10240xi32, #tpu.memory_space<vmem>> -> memref<10240xi32, #tpu.memory_space<vmem>>
    %dma_wait3A_147 = tpu.memref_slice %arg4[%mul3A_4] : memref<1000000xi32, #tpu.memory_space<hbm>> -> memref<10240xi32, #tpu.memory_space<hbm>>
    tpu.wait_dma2 semaphore(%arg34 : memref<!tpu.dma_semaphore, #tpu.memory_space<semaphore_mem>>) src(%dma_wait3A_147 : memref<10240xi32, #tpu.memory_space<hbm>>) dst(%dma_wait3A_146 : memref<10240xi32, #tpu.memory_space<vmem>>)
    %dma_wait3A_148 = arith.constant 0 : i32
    %dma_wait3A_149 = tpu.memref_slice %arg29[%dma_wait3A_148] : memref<10240xi32, #tpu.memory_space<vmem>> -> memref<10240xi32, #tpu.memory_space<vmem>>
    %dma_wait3A_150 = tpu.memref_slice %arg5[%mul3A_4] : memref<1000000xi32, #tpu.memory_space<hbm>> -> memref<10240xi32, #tpu.memory_space<hbm>>
    %dma_wait3A_151 = arith.constant 0 : i32
    %dma_wait3A_152 = tpu.memref_slice %arg29[%dma_wait3A_151] : memref<10240xi32, #tpu.memory_space<vmem>> -> memref<10240xi32, #tpu.memory_space<vmem>>
    %dma_wait3A_153 = tpu.memref_slice %arg5[%mul3A_4] : memref<1000000xi32, #tpu.memory_space<hbm>> -> memref<10240xi32, #tpu.memory_space<hbm>>
    tpu.wait_dma2 semaphore(%arg34 : memref<!tpu.dma_semaphore, #tpu.memory_space<semaphore_mem>>) src(%dma_wait3A_153 : memref<10240xi32, #tpu.memory_space<hbm>>) dst(%dma_wait3A_152 : memref<10240xi32, #tpu.memory_space<vmem>>)
    %dma_wait3A_154 = arith.constant 0 : i32
    %dma_wait3A_155 = tpu.memref_slice %arg31[%dma_wait3A_154] : memref<10240xf32, #tpu.memory_space<vmem>> -> memref<10240xf32, #tpu.memory_space<vmem>>
    %dma_wait3A_156 = tpu.memref_slice %arg6[%mul3A_4] : memref<1000000xf32, #tpu.memory_space<hbm>> -> memref<10240xf32, #tpu.memory_space<hbm>>
    %dma_wait3A_157 = arith.constant 0 : i32
    %dma_wait3A_158 = tpu.memref_slice %arg31[%dma_wait3A_157] : memref<10240xf32, #tpu.memory_space<vmem>> -> memref<10240xf32, #tpu.memory_space<vmem>>
    %dma_wait3A_159 = tpu.memref_slice %arg6[%mul3A_4] : memref<1000000xf32, #tpu.memory_space<hbm>> -> memref<10240xf32, #tpu.memory_space<hbm>>
    tpu.wait_dma2 semaphore(%arg34 : memref<!tpu.dma_semaphore, #tpu.memory_space<semaphore_mem>>) src(%dma_wait3A_159 : memref<10240xf32, #tpu.memory_space<hbm>>) dst(%dma_wait3A_158 : memref<10240xf32, #tpu.memory_space<vmem>>)
    %add3A_160 = arith.constant 10240 : i32
    %add3A_161 = arith.addi %mul3A_4, %add3A_160 : i32
    %dma_start3A_162 = arith.constant 0 : i32
    %dma_start3A_163 = tpu.memref_slice %arg28[%dma_start3A_162] : memref<10240xi32, #tpu.memory_space<vmem>> -> memref<10240xi32, #tpu.memory_space<vmem>>
    %dma_start3A_164 = tpu.memref_slice %arg4[%add3A_161] : memref<1000000xi32, #tpu.memory_space<hbm>> -> memref<10240xi32, #tpu.memory_space<hbm>>
    %dma_start3A_165 = arith.constant 0 : i32
    %dma_start3A_166 = tpu.memref_slice %arg28[%dma_start3A_165] : memref<10240xi32, #tpu.memory_space<vmem>> -> memref<10240xi32, #tpu.memory_space<vmem>>
    %dma_start3A_167 = tpu.memref_slice %arg4[%add3A_161] : memref<1000000xi32, #tpu.memory_space<hbm>> -> memref<10240xi32, #tpu.memory_space<hbm>>
    tpu.enqueue_dma source(%dma_start3A_167 : memref<10240xi32, #tpu.memory_space<hbm>>) target(%dma_start3A_166 : memref<10240xi32, #tpu.memory_space<vmem>>) target_semaphore(%arg34 : memref<!tpu.dma_semaphore, #tpu.memory_space<semaphore_mem>>)
    %dma_start3A_168 = arith.constant 0 : i32
    %dma_start3A_169 = tpu.memref_slice %arg30[%dma_start3A_168] : memref<10240xi32, #tpu.memory_space<vmem>> -> memref<10240xi32, #tpu.memory_space<vmem>>
    %dma_start3A_170 = tpu.memref_slice %arg5[%add3A_161] : memref<1000000xi32, #tpu.memory_space<hbm>> -> memref<10240xi32, #tpu.memory_space<hbm>>
    %dma_start3A_171 = arith.constant 0 : i32
    %dma_start3A_172 = tpu.memref_slice %arg30[%dma_start3A_171] : memref<10240xi32, #tpu.memory_space<vmem>> -> memref<10240xi32, #tpu.memory_space<vmem>>
    %dma_start3A_173 = tpu.memref_slice %arg5[%add3A_161] : memref<1000000xi32, #tpu.memory_space<hbm>> -> memref<10240xi32, #tpu.memory_space<hbm>>
    tpu.enqueue_dma source(%dma_start3A_173 : memref<10240xi32, #tpu.memory_space<hbm>>) target(%dma_start3A_172 : memref<10240xi32, #tpu.memory_space<vmem>>) target_semaphore(%arg34 : memref<!tpu.dma_semaphore, #tpu.memory_space<semaphore_mem>>)
    %dma_start3A_174 = arith.constant 0 : i32
    %dma_start3A_175 = tpu.memref_slice %arg32[%dma_start3A_174] : memref<10240xf32, #tpu.memory_space<vmem>> -> memref<10240xf32, #tpu.memory_space<vmem>>
    %dma_start3A_176 = tpu.memref_slice %arg6[%add3A_161] : memref<1000000xf32, #tpu.memory_space<hbm>> -> memref<10240xf32, #tpu.memory_space<hbm>>
    %dma_start3A_177 = arith.constant 0 : i32
    %dma_start3A_178 = tpu.memref_slice %arg32[%dma_start3A_177] : memref<10240xf32, #tpu.memory_space<vmem>> -> memref<10240xf32, #tpu.memory_space<vmem>>
    %dma_start3A_179 = tpu.memref_slice %arg6[%add3A_161] : memref<1000000xf32, #tpu.memory_space<hbm>> -> memref<10240xf32, #tpu.memory_space<hbm>>
    tpu.enqueue_dma source(%dma_start3A_179 : memref<10240xf32, #tpu.memory_space<hbm>>) target(%dma_start3A_178 : memref<10240xf32, #tpu.memory_space<vmem>>) target_semaphore(%arg34 : memref<!tpu.dma_semaphore, #tpu.memory_space<semaphore_mem>>)
    %while3A_180 = arith.constant 0 : i32
    %while3A_181 = arith.constant 0 : i32
    %while3A_182 = arith.constant 160 : i32
    %while3A_183 = arith.subi %while3A_182, %while3A_181 : i32
    %while3A_184 = arith.addi %while3A_181, %while3A_183 : i32
    %while3A_185 = arith.constant 1 : i32
    %while3A_186 = arith.divsi %while3A_183, %while3A_185 : i32
    %while3A_187 = arith.muli %while3A_186, %while3A_185 : i32
    %while3A_188 = arith.addi %while3A_181, %while3A_187 : i32
    %while3A_189 = arith.constant 1 : i32
    scf.for %while3A_343 = %while3A_181 to %while3A_188 step %while3A_189  : i32 {
      %mul3A_344 = arith.constant 4 : i32
      %mul3A_345 = arith.muli %while3A_343, %mul3A_344 : i32
      %add3A_346 = arith.constant 0 : i32
      %add3A_347 = arith.addi %mul3A_345, %add3A_346 : i32
      %mul3A_348 = arith.constant 16 : i32
      %mul3A_349 = arith.muli %add3A_347, %mul3A_348 : i32
      %get3A_350 = arith.index_cast %mul3A_349 : i32 to index
      %get3A_351 = tpu.vector_load %arg27[%get3A_350] {strides = array<i32>} : memref<10240xi32, #tpu.memory_space<vmem>>, vector<16xi32>,
      %get3A_352 = arith.index_cast %mul3A_349 : i32 to index
      %get3A_353 = tpu.vector_load %arg29[%get3A_352] {strides = array<i32>} : memref<10240xi32, #tpu.memory_space<vmem>>, vector<16xi32>,
      %get3A_354 = arith.index_cast %mul3A_349 : i32 to index
      %get3A_355 = tpu.vector_load %arg31[%get3A_354] {strides = array<i32>} : memref<10240xf32, #tpu.memory_space<vmem>>, vector<16xf32>,
      %gather3A_356 = tpu.vector_load_idx %arg17[%get3A_351] : memref<16384xf32, #tpu.memory_space<vmem>>[vector<16xi32>], vector<16xf32>,
      %gather3A_357 = tpu.vector_load_idx %arg18[%get3A_353] : memref<4096xf32, #tpu.memory_space<vmem>>[vector<16xi32>], vector<16xf32>,
      %sub3A = arith.subf %get3A_355, %gather3A_356 : vector<16xf32>
      %sub3A_358 = arith.subf %sub3A, %gather3A_357 : vector<16xf32>
      %sub3A_359 = arith.subf %sub3A_358, %get3A_141 : vector<16xf32>
      tpu.vector_store_idx %arg19[%get3A_353], %sub3A_359 {add = true} : memref<4096xf32, #tpu.memory_space<vmem>>[vector<16xi32>], vector<16xf32>,
      %mul3A_360 = arith.constant 4 : i32
      %mul3A_361 = arith.muli %while3A_343, %mul3A_360 : i32
      %add3A_362 = arith.constant 1 : i32
      %add3A_363 = arith.addi %mul3A_361, %add3A_362 : i32
      %mul3A_364 = arith.constant 16 : i32
      %mul3A_365 = arith.muli %add3A_363, %mul3A_364 : i32
      %get3A_366 = arith.index_cast %mul3A_365 : i32 to index
      %get3A_367 = tpu.vector_load %arg27[%get3A_366] {strides = array<i32>} : memref<10240xi32, #tpu.memory_space<vmem>>, vector<16xi32>,
      %get3A_368 = arith.index_cast %mul3A_365 : i32 to index
      %get3A_369 = tpu.vector_load %arg29[%get3A_368] {strides = array<i32>} : memref<10240xi32, #tpu.memory_space<vmem>>, vector<16xi32>,
      %get3A_370 = arith.index_cast %mul3A_365 : i32 to index
      %get3A_371 = tpu.vector_load %arg31[%get3A_370] {strides = array<i32>} : memref<10240xf32, #tpu.memory_space<vmem>>, vector<16xf32>,
      %gather3A_372 = tpu.vector_load_idx %arg17[%get3A_367] : memref<16384xf32, #tpu.memory_space<vmem>>[vector<16xi32>], vector<16xf32>,
      %gather3A_373 = tpu.vector_load_idx %arg18[%get3A_369] : memref<4096xf32, #tpu.memory_space<vmem>>[vector<16xi32>], vector<16xf32>,
      %sub3A_374 = arith.subf %get3A_371, %gather3A_372 : vector<16xf32>
      %sub3A_375 = arith.subf %sub3A_374, %gather3A_373 : vector<16xf32>
      %sub3A_376 = arith.subf %sub3A_375, %get3A_141 : vector<16xf32>
      tpu.vector_store_idx %arg19[%get3A_369], %sub3A_376 {add = true} : memref<4096xf32, #tpu.memory_space<vmem>>[vector<16xi32>], vector<16xf32>,
      %mul3A_377 = arith.constant 4 : i32
      %mul3A_378 = arith.muli %while3A_343, %mul3A_377 : i32
      %add3A_379 = arith.constant 2 : i32
      %add3A_380 = arith.addi %mul3A_378, %add3A_379 : i32
      %mul3A_381 = arith.constant 16 : i32
      %mul3A_382 = arith.muli %add3A_380, %mul3A_381 : i32
      %get3A_383 = arith.index_cast %mul3A_382 : i32 to index
      %get3A_384 = tpu.vector_load %arg27[%get3A_383] {strides = array<i32>} : memref<10240xi32, #tpu.memory_space<vmem>>, vector<16xi32>,
      %get3A_385 = arith.index_cast %mul3A_382 : i32 to index
      %get3A_386 = tpu.vector_load %arg29[%get3A_385] {strides = array<i32>} : memref<10240xi32, #tpu.memory_space<vmem>>, vector<16xi32>,
      %get3A_387 = arith.index_cast %mul3A_382 : i32 to index
      %get3A_388 = tpu.vector_load %arg31[%get3A_387] {strides = array<i32>} : memref<10240xf32, #tpu.memory_space<vmem>>, vector<16xf32>,
      %gather3A_389 = tpu.vector_load_idx %arg17[%get3A_384] : memref<16384xf32, #tpu.memory_space<vmem>>[vector<16xi32>], vector<16xf32>,
      %gather3A_390 = tpu.vector_load_idx %arg18[%get3A_386] : memref<4096xf32, #tpu.memory_space<vmem>>[vector<16xi32>], vector<16xf32>,
      %sub3A_391 = arith.subf %get3A_388, %gather3A_389 : vector<16xf32>
      %sub3A_392 = arith.subf %sub3A_391, %gather3A_390 : vector<16xf32>
      %sub3A_393 = arith.subf %sub3A_392, %get3A_141 : vector<16xf32>
      tpu.vector_store_idx %arg19[%get3A_386], %sub3A_393 {add = true} : memref<4096xf32, #tpu.memory_space<vmem>>[vector<16xi32>], vector<16xf32>,
      %mul3A_394 = arith.constant 4 : i32
      %mul3A_395 = arith.muli %while3A_343, %mul3A_394 : i32
      %add3A_396 = arith.constant 3 : i32
      %add3A_397 = arith.addi %mul3A_395, %add3A_396 : i32
      %mul3A_398 = arith.constant 16 : i32
      %mul3A_399 = arith.muli %add3A_397, %mul3A_398 : i32
      %get3A_400 = arith.index_cast %mul3A_399 : i32 to index
      %get3A_401 = tpu.vector_load %arg27[%get3A_400] {strides = array<i32>} : memref<10240xi32, #tpu.memory_space<vmem>>, vector<16xi32>,
      %get3A_402 = arith.index_cast %mul3A_399 : i32 to index
      %get3A_403 = tpu.vector_load %arg29[%get3A_402] {strides = array<i32>} : memref<10240xi32, #tpu.memory_space<vmem>>, vector<16xi32>,
      %get3A_404 = arith.index_cast %mul3A_399 : i32 to index
      %get3A_405 = tpu.vector_load %arg31[%get3A_404] {strides = array<i32>} : memref<10240xf32, #tpu.memory_space<vmem>>, vector<16xf32>,
      %gather3A_406 = tpu.vector_load_idx %arg17[%get3A_401] : memref<16384xf32, #tpu.memory_space<vmem>>[vector<16xi32>], vector<16xf32>,
      %gather3A_407 = tpu.vector_load_idx %arg18[%get3A_403] : memref<4096xf32, #tpu.memory_space<vmem>>[vector<16xi32>], vector<16xf32>,
      %sub3A_408 = arith.subf %get3A_405, %gather3A_406 : vector<16xf32>
      %sub3A_409 = arith.subf %sub3A_408, %gather3A_407 : vector<16xf32>
      %sub3A_410 = arith.subf %sub3A_409, %get3A_141 : vector<16xf32>
      tpu.vector_store_idx %arg19[%get3A_403], %sub3A_410 {add = true} : memref<4096xf32, #tpu.memory_space<vmem>>[vector<16xi32>], vector<16xf32>,
    }
    %while3A_190 = arith.constant 1 : i32
    scf.for %while3A_343 = %while3A_188 to %while3A_184 step %while3A_190  : i32 {
      %mul3A_344 = arith.constant 4 : i32
      %mul3A_345 = arith.muli %while3A_343, %mul3A_344 : i32
      %add3A_346 = arith.constant 0 : i32
      %add3A_347 = arith.addi %mul3A_345, %add3A_346 : i32
      %mul3A_348 = arith.constant 16 : i32
      %mul3A_349 = arith.muli %add3A_347, %mul3A_348 : i32
      %get3A_350 = arith.index_cast %mul3A_349 : i32 to index
      %get3A_351 = tpu.vector_load %arg27[%get3A_350] {strides = array<i32>} : memref<10240xi32, #tpu.memory_space<vmem>>, vector<16xi32>,
      %get3A_352 = arith.index_cast %mul3A_349 : i32 to index
      %get3A_353 = tpu.vector_load %arg29[%get3A_352] {strides = array<i32>} : memref<10240xi32, #tpu.memory_space<vmem>>, vector<16xi32>,
      %get3A_354 = arith.index_cast %mul3A_349 : i32 to index
      %get3A_355 = tpu.vector_load %arg31[%get3A_354] {strides = array<i32>} : memref<10240xf32, #tpu.memory_space<vmem>>, vector<16xf32>,
      %gather3A_356 = tpu.vector_load_idx %arg17[%get3A_351] : memref<16384xf32, #tpu.memory_space<vmem>>[vector<16xi32>], vector<16xf32>,
      %gather3A_357 = tpu.vector_load_idx %arg18[%get3A_353] : memref<4096xf32, #tpu.memory_space<vmem>>[vector<16xi32>], vector<16xf32>,
      %sub3A = arith.subf %get3A_355, %gather3A_356 : vector<16xf32>
      %sub3A_358 = arith.subf %sub3A, %gather3A_357 : vector<16xf32>
      %sub3A_359 = arith.subf %sub3A_358, %get3A_141 : vector<16xf32>
      tpu.vector_store_idx %arg19[%get3A_353], %sub3A_359 {add = true} : memref<4096xf32, #tpu.memory_space<vmem>>[vector<16xi32>], vector<16xf32>,
      %mul3A_360 = arith.constant 4 : i32
      %mul3A_361 = arith.muli %while3A_343, %mul3A_360 : i32
      %add3A_362 = arith.constant 1 : i32
      %add3A_363 = arith.addi %mul3A_361, %add3A_362 : i32
      %mul3A_364 = arith.constant 16 : i32
      %mul3A_365 = arith.muli %add3A_363, %mul3A_364 : i32
      %get3A_366 = arith.index_cast %mul3A_365 : i32 to index
      %get3A_367 = tpu.vector_load %arg27[%get3A_366] {strides = array<i32>} : memref<10240xi32, #tpu.memory_space<vmem>>, vector<16xi32>,
      %get3A_368 = arith.index_cast %mul3A_365 : i32 to index
      %get3A_369 = tpu.vector_load %arg29[%get3A_368] {strides = array<i32>} : memref<10240xi32, #tpu.memory_space<vmem>>, vector<16xi32>,
      %get3A_370 = arith.index_cast %mul3A_365 : i32 to index
      %get3A_371 = tpu.vector_load %arg31[%get3A_370] {strides = array<i32>} : memref<10240xf32, #tpu.memory_space<vmem>>, vector<16xf32>,
      %gather3A_372 = tpu.vector_load_idx %arg17[%get3A_367] : memref<16384xf32, #tpu.memory_space<vmem>>[vector<16xi32>], vector<16xf32>,
      %gather3A_373 = tpu.vector_load_idx %arg18[%get3A_369] : memref<4096xf32, #tpu.memory_space<vmem>>[vector<16xi32>], vector<16xf32>,
      %sub3A_374 = arith.subf %get3A_371, %gather3A_372 : vector<16xf32>
      %sub3A_375 = arith.subf %sub3A_374, %gather3A_373 : vector<16xf32>
      %sub3A_376 = arith.subf %sub3A_375, %get3A_141 : vector<16xf32>
      tpu.vector_store_idx %arg19[%get3A_369], %sub3A_376 {add = true} : memref<4096xf32, #tpu.memory_space<vmem>>[vector<16xi32>], vector<16xf32>,
      %mul3A_377 = arith.constant 4 : i32
      %mul3A_378 = arith.muli %while3A_343, %mul3A_377 : i32
      %add3A_379 = arith.constant 2 : i32
      %add3A_380 = arith.addi %mul3A_378, %add3A_379 : i32
      %mul3A_381 = arith.constant 16 : i32
      %mul3A_382 = arith.muli %add3A_380, %mul3A_381 : i32
      %get3A_383 = arith.index_cast %mul3A_382 : i32 to index
      %get3A_384 = tpu.vector_load %arg27[%get3A_383] {strides = array<i32>} : memref<10240xi32, #tpu.memory_space<vmem>>, vector<16xi32>,
      %get3A_385 = arith.index_cast %mul3A_382 : i32 to index
      %get3A_386 = tpu.vector_load %arg29[%get3A_385] {strides = array<i32>} : memref<10240xi32, #tpu.memory_space<vmem>>, vector<16xi32>,
      %get3A_387 = arith.index_cast %mul3A_382 : i32 to index
      %get3A_388 = tpu.vector_load %arg31[%get3A_387] {strides = array<i32>} : memref<10240xf32, #tpu.memory_space<vmem>>, vector<16xf32>,
      %gather3A_389 = tpu.vector_load_idx %arg17[%get3A_384] : memref<16384xf32, #tpu.memory_space<vmem>>[vector<16xi32>], vector<16xf32>,
      %gather3A_390 = tpu.vector_load_idx %arg18[%get3A_386] : memref<4096xf32, #tpu.memory_space<vmem>>[vector<16xi32>], vector<16xf32>,
      %sub3A_391 = arith.subf %get3A_388, %gather3A_389 : vector<16xf32>
      %sub3A_392 = arith.subf %sub3A_391, %gather3A_390 : vector<16xf32>
      %sub3A_393 = arith.subf %sub3A_392, %get3A_141 : vector<16xf32>
      tpu.vector_store_idx %arg19[%get3A_386], %sub3A_393 {add = true} : memref<4096xf32, #tpu.memory_space<vmem>>[vector<16xi32>], vector<16xf32>,
      %mul3A_394 = arith.constant 4 : i32
      %mul3A_395 = arith.muli %while3A_343, %mul3A_394 : i32
      %add3A_396 = arith.constant 3 : i32
      %add3A_397 = arith.addi %mul3A_395, %add3A_396 : i32
      %mul3A_398 = arith.constant 16 : i32
      %mul3A_399 = arith.muli %add3A_397, %mul3A_398 : i32
      %get3A_400 = arith.index_cast %mul3A_399 : i32 to index
      %get3A_401 = tpu.vector_load %arg27[%get3A_400] {strides = array<i32>} : memref<10240xi32, #tpu.memory_space<vmem>>, vector<16xi32>,
      %get3A_402 = arith.index_cast %mul3A_399 : i32 to index
      %get3A_403 = tpu.vector_load %arg29[%get3A_402] {strides = array<i32>} : memref<10240xi32, #tpu.memory_space<vmem>>, vector<16xi32>,
      %get3A_404 = arith.index_cast %mul3A_399 : i32 to index
      %get3A_405 = tpu.vector_load %arg31[%get3A_404] {strides = array<i32>} : memref<10240xf32, #tpu.memory_space<vmem>>, vector<16xf32>,
      %gather3A_406 = tpu.vector_load_idx %arg17[%get3A_401] : memref<16384xf32, #tpu.memory_space<vmem>>[vector<16xi32>], vector<16xf32>,
      %gather3A_407 = tpu.vector_load_idx %arg18[%get3A_403] : memref<4096xf32, #tpu.memory_space<vmem>>[vector<16xi32>], vector<16xf32>,
      %sub3A_408 = arith.subf %get3A_405, %gather3A_406 : vector<16xf32>
      %sub3A_409 = arith.subf %sub3A_408, %gather3A_407 : vector<16xf32>
      %sub3A_410 = arith.subf %sub3A_409, %get3A_141 : vector<16xf32>
      tpu.vector_store_idx %arg19[%get3A_403], %sub3A_410 {add = true} : memref<4096xf32, #tpu.memory_space<vmem>>[vector<16xi32>], vector<16xf32>,
    }
    %dma_wait3A_191 = arith.constant 0 : i32
    %dma_wait3A_192 = tpu.memref_slice %arg28[%dma_wait3A_191] : memref<10240xi32, #tpu.memory_space<vmem>> -> memref<10240xi32, #tpu.memory_space<vmem>>
    %dma_wait3A_193 = tpu.memref_slice %arg4[%add3A_161] : memref<1000000xi32, #tpu.memory_space<hbm>> -> memref<10240xi32, #tpu.memory_space<hbm>>
    %dma_wait3A_194 = arith.constant 0 : i32
    %dma_wait3A_195 = tpu.memref_slice %arg28[%dma_wait3A_194] : memref<10240xi32, #tpu.memory_space<vmem>> -> memref<10240xi32, #tpu.memory_space<vmem>>
    %dma_wait3A_196 = tpu.memref_slice %arg4[%add3A_161] : memref<1000000xi32, #tpu.memory_space<hbm>> -> memref<10240xi32, #tpu.memory_space<hbm>>
    tpu.wait_dma2 semaphore(%arg34 : memref<!tpu.dma_semaphore, #tpu.memory_space<semaphore_mem>>) src(%dma_wait3A_196 : memref<10240xi32, #tpu.memory_space<hbm>>) dst(%dma_wait3A_195 : memref<10240xi32, #tpu.memory_space<vmem>>)
    %dma_wait3A_197 = arith.constant 0 : i32
    %dma_wait3A_198 = tpu.memref_slice %arg30[%dma_wait3A_197] : memref<10240xi32, #tpu.memory_space<vmem>> -> memref<10240xi32, #tpu.memory_space<vmem>>
    %dma_wait3A_199 = tpu.memref_slice %arg5[%add3A_161] : memref<1000000xi32, #tpu.memory_space<hbm>> -> memref<10240xi32, #tpu.memory_space<hbm>>
    %dma_wait3A_200 = arith.constant 0 : i32
    %dma_wait3A_201 = tpu.memref_slice %arg30[%dma_wait3A_200] : memref<10240xi32, #tpu.memory_space<vmem>> -> memref<10240xi32, #tpu.memory_space<vmem>>
    %dma_wait3A_202 = tpu.memref_slice %arg5[%add3A_161] : memref<1000000xi32, #tpu.memory_space<hbm>> -> memref<10240xi32, #tpu.memory_space<hbm>>
    tpu.wait_dma2 semaphore(%arg34 : memref<!tpu.dma_semaphore, #tpu.memory_space<semaphore_mem>>) src(%dma_wait3A_202 : memref<10240xi32, #tpu.memory_space<hbm>>) dst(%dma_wait3A_201 : memref<10240xi32, #tpu.memory_space<vmem>>)
    %dma_wait3A_203 = arith.constant 0 : i32
    %dma_wait3A_204 = tpu.memref_slice %arg32[%dma_wait3A_203] : memref<10240xf32, #tpu.memory_space<vmem>> -> memref<10240xf32, #tpu.memory_space<vmem>>
    %dma_wait3A_205 = tpu.memref_slice %arg6[%add3A_161] : memref<1000000xf32, #tpu.memory_space<hbm>> -> memref<10240xf32, #tpu.memory_space<hbm>>
    %dma_wait3A_206 = arith.constant 0 : i32
    %dma_wait3A_207 = tpu.memref_slice %arg32[%dma_wait3A_206] : memref<10240xf32, #tpu.memory_space<vmem>> -> memref<10240xf32, #tpu.memory_space<vmem>>
    %dma_wait3A_208 = tpu.memref_slice %arg6[%add3A_161] : memref<1000000xf32, #tpu.memory_space<hbm>> -> memref<10240xf32, #tpu.memory_space<hbm>>
    tpu.wait_dma2 semaphore(%arg34 : memref<!tpu.dma_semaphore, #tpu.memory_space<semaphore_mem>>) src(%dma_wait3A_208 : memref<10240xf32, #tpu.memory_space<hbm>>) dst(%dma_wait3A_207 : memref<10240xf32, #tpu.memory_space<vmem>>)
    %add3A_209 = arith.constant 20480 : i32
    %add3A_210 = arith.addi %mul3A_4, %add3A_209 : i32
    %dma_start3A_211 = arith.constant 0 : i32
    %dma_start3A_212 = tpu.memref_slice %arg27[%dma_start3A_211] : memref<10240xi32, #tpu.memory_space<vmem>> -> memref<10240xi32, #tpu.memory_space<vmem>>
    %dma_start3A_213 = tpu.memref_slice %arg4[%add3A_210] : memref<1000000xi32, #tpu.memory_space<hbm>> -> memref<10240xi32, #tpu.memory_space<hbm>>
    %dma_start3A_214 = arith.constant 0 : i32
    %dma_start3A_215 = tpu.memref_slice %arg27[%dma_start3A_214] : memref<10240xi32, #tpu.memory_space<vmem>> -> memref<10240xi32, #tpu.memory_space<vmem>>
    %dma_start3A_216 = tpu.memref_slice %arg4[%add3A_210] : memref<1000000xi32, #tpu.memory_space<hbm>> -> memref<10240xi32, #tpu.memory_space<hbm>>
    tpu.enqueue_dma source(%dma_start3A_216 : memref<10240xi32, #tpu.memory_space<hbm>>) target(%dma_start3A_215 : memref<10240xi32, #tpu.memory_space<vmem>>) target_semaphore(%arg34 : memref<!tpu.dma_semaphore, #tpu.memory_space<semaphore_mem>>)
    %dma_start3A_217 = arith.constant 0 : i32
    %dma_start3A_218 = tpu.memref_slice %arg29[%dma_start3A_217] : memref<10240xi32, #tpu.memory_space<vmem>> -> memref<10240xi32, #tpu.memory_space<vmem>>
    %dma_start3A_219 = tpu.memref_slice %arg5[%add3A_210] : memref<1000000xi32, #tpu.memory_space<hbm>> -> memref<10240xi32, #tpu.memory_space<hbm>>
    %dma_start3A_220 = arith.constant 0 : i32
    %dma_start3A_221 = tpu.memref_slice %arg29[%dma_start3A_220] : memref<10240xi32, #tpu.memory_space<vmem>> -> memref<10240xi32, #tpu.memory_space<vmem>>
    %dma_start3A_222 = tpu.memref_slice %arg5[%add3A_210] : memref<1000000xi32, #tpu.memory_space<hbm>> -> memref<10240xi32, #tpu.memory_space<hbm>>
    tpu.enqueue_dma source(%dma_start3A_222 : memref<10240xi32, #tpu.memory_space<hbm>>) target(%dma_start3A_221 : memref<10240xi32, #tpu.memory_space<vmem>>) target_semaphore(%arg34 : memref<!tpu.dma_semaphore, #tpu.memory_space<semaphore_mem>>)
    %dma_start3A_223 = arith.constant 0 : i32
    %dma_start3A_224 = tpu.memref_slice %arg31[%dma_start3A_223] : memref<10240xf32, #tpu.memory_space<vmem>> -> memref<10240xf32, #tpu.memory_space<vmem>>
    %dma_start3A_225 = tpu.memref_slice %arg6[%add3A_210] : memref<1000000xf32, #tpu.memory_space<hbm>> -> memref<10240xf32, #tpu.memory_space<hbm>>
    %dma_start3A_226 = arith.constant 0 : i32
    %dma_start3A_227 = tpu.memref_slice %arg31[%dma_start3A_226] : memref<10240xf32, #tpu.memory_space<vmem>> -> memref<10240xf32, #tpu.memory_space<vmem>>
    %dma_start3A_228 = tpu.memref_slice %arg6[%add3A_210] : memref<1000000xf32, #tpu.memory_space<hbm>> -> memref<10240xf32, #tpu.memory_space<hbm>>
    tpu.enqueue_dma source(%dma_start3A_228 : memref<10240xf32, #tpu.memory_space<hbm>>) target(%dma_start3A_227 : memref<10240xf32, #tpu.memory_space<vmem>>) target_semaphore(%arg34 : memref<!tpu.dma_semaphore, #tpu.memory_space<semaphore_mem>>)
    %while3A_229 = arith.constant 0 : i32
    %while3A_230 = arith.constant 0 : i32
    %while3A_231 = arith.constant 160 : i32
    %while3A_232 = arith.subi %while3A_231, %while3A_230 : i32
    %while3A_233 = arith.addi %while3A_230, %while3A_232 : i32
    %while3A_234 = arith.constant 1 : i32
    %while3A_235 = arith.divsi %while3A_232, %while3A_234 : i32
    %while3A_236 = arith.muli %while3A_235, %while3A_234 : i32
    %while3A_237 = arith.addi %while3A_230, %while3A_236 : i32
    %while3A_238 = arith.constant 1 : i32
    scf.for %while3A_343 = %while3A_230 to %while3A_237 step %while3A_238  : i32 {
      %mul3A_344 = arith.constant 4 : i32
      %mul3A_345 = arith.muli %while3A_343, %mul3A_344 : i32
      %add3A_346 = arith.constant 0 : i32
      %add3A_347 = arith.addi %mul3A_345, %add3A_346 : i32
      %mul3A_348 = arith.constant 16 : i32
      %mul3A_349 = arith.muli %add3A_347, %mul3A_348 : i32
      %get3A_350 = arith.index_cast %mul3A_349 : i32 to index
      %get3A_351 = tpu.vector_load %arg28[%get3A_350] {strides = array<i32>} : memref<10240xi32, #tpu.memory_space<vmem>>, vector<16xi32>,
      %get3A_352 = arith.index_cast %mul3A_349 : i32 to index
      %get3A_353 = tpu.vector_load %arg30[%get3A_352] {strides = array<i32>} : memref<10240xi32, #tpu.memory_space<vmem>>, vector<16xi32>,
      %get3A_354 = arith.index_cast %mul3A_349 : i32 to index
      %get3A_355 = tpu.vector_load %arg32[%get3A_354] {strides = array<i32>} : memref<10240xf32, #tpu.memory_space<vmem>>, vector<16xf32>,
      %gather3A_356 = tpu.vector_load_idx %arg17[%get3A_351] : memref<16384xf32, #tpu.memory_space<vmem>>[vector<16xi32>], vector<16xf32>,
      %gather3A_357 = tpu.vector_load_idx %arg18[%get3A_353] : memref<4096xf32, #tpu.memory_space<vmem>>[vector<16xi32>], vector<16xf32>,
      %sub3A = arith.subf %get3A_355, %gather3A_356 : vector<16xf32>
      %sub3A_358 = arith.subf %sub3A, %gather3A_357 : vector<16xf32>
      %sub3A_359 = arith.subf %sub3A_358, %get3A_141 : vector<16xf32>
      tpu.vector_store_idx %arg19[%get3A_353], %sub3A_359 {add = true} : memref<4096xf32, #tpu.memory_space<vmem>>[vector<16xi32>], vector<16xf32>,
      %mul3A_360 = arith.constant 4 : i32
      %mul3A_361 = arith.muli %while3A_343, %mul3A_360 : i32
      %add3A_362 = arith.constant 1 : i32
      %add3A_363 = arith.addi %mul3A_361, %add3A_362 : i32
      %mul3A_364 = arith.constant 16 : i32
      %mul3A_365 = arith.muli %add3A_363, %mul3A_364 : i32
      %get3A_366 = arith.index_cast %mul3A_365 : i32 to index
      %get3A_367 = tpu.vector_load %arg28[%get3A_366] {strides = array<i32>} : memref<10240xi32, #tpu.memory_space<vmem>>, vector<16xi32>,
      %get3A_368 = arith.index_cast %mul3A_365 : i32 to index
      %get3A_369 = tpu.vector_load %arg30[%get3A_368] {strides = array<i32>} : memref<10240xi32, #tpu.memory_space<vmem>>, vector<16xi32>,
      %get3A_370 = arith.index_cast %mul3A_365 : i32 to index
      %get3A_371 = tpu.vector_load %arg32[%get3A_370] {strides = array<i32>} : memref<10240xf32, #tpu.memory_space<vmem>>, vector<16xf32>,
      %gather3A_372 = tpu.vector_load_idx %arg17[%get3A_367] : memref<16384xf32, #tpu.memory_space<vmem>>[vector<16xi32>], vector<16xf32>,
      %gather3A_373 = tpu.vector_load_idx %arg18[%get3A_369] : memref<4096xf32, #tpu.memory_space<vmem>>[vector<16xi32>], vector<16xf32>,
      %sub3A_374 = arith.subf %get3A_371, %gather3A_372 : vector<16xf32>
      %sub3A_375 = arith.subf %sub3A_374, %gather3A_373 : vector<16xf32>
      %sub3A_376 = arith.subf %sub3A_375, %get3A_141 : vector<16xf32>
      tpu.vector_store_idx %arg19[%get3A_369], %sub3A_376 {add = true} : memref<4096xf32, #tpu.memory_space<vmem>>[vector<16xi32>], vector<16xf32>,
      %mul3A_377 = arith.constant 4 : i32
      %mul3A_378 = arith.muli %while3A_343, %mul3A_377 : i32
      %add3A_379 = arith.constant 2 : i32
      %add3A_380 = arith.addi %mul3A_378, %add3A_379 : i32
      %mul3A_381 = arith.constant 16 : i32
      %mul3A_382 = arith.muli %add3A_380, %mul3A_381 : i32
      %get3A_383 = arith.index_cast %mul3A_382 : i32 to index
      %get3A_384 = tpu.vector_load %arg28[%get3A_383] {strides = array<i32>} : memref<10240xi32, #tpu.memory_space<vmem>>, vector<16xi32>,
      %get3A_385 = arith.index_cast %mul3A_382 : i32 to index
      %get3A_386 = tpu.vector_load %arg30[%get3A_385] {strides = array<i32>} : memref<10240xi32, #tpu.memory_space<vmem>>, vector<16xi32>,
      %get3A_387 = arith.index_cast %mul3A_382 : i32 to index
      %get3A_388 = tpu.vector_load %arg32[%get3A_387] {strides = array<i32>} : memref<10240xf32, #tpu.memory_space<vmem>>, vector<16xf32>,
      %gather3A_389 = tpu.vector_load_idx %arg17[%get3A_384] : memref<16384xf32, #tpu.memory_space<vmem>>[vector<16xi32>], vector<16xf32>,
      %gather3A_390 = tpu.vector_load_idx %arg18[%get3A_386] : memref<4096xf32, #tpu.memory_space<vmem>>[vector<16xi32>], vector<16xf32>,
      %sub3A_391 = arith.subf %get3A_388, %gather3A_389 : vector<16xf32>
      %sub3A_392 = arith.subf %sub3A_391, %gather3A_390 : vector<16xf32>
      %sub3A_393 = arith.subf %sub3A_392, %get3A_141 : vector<16xf32>
      tpu.vector_store_idx %arg19[%get3A_386], %sub3A_393 {add = true} : memref<4096xf32, #tpu.memory_space<vmem>>[vector<16xi32>], vector<16xf32>,
      %mul3A_394 = arith.constant 4 : i32
      %mul3A_395 = arith.muli %while3A_343, %mul3A_394 : i32
      %add3A_396 = arith.constant 3 : i32
      %add3A_397 = arith.addi %mul3A_395, %add3A_396 : i32
      %mul3A_398 = arith.constant 16 : i32
      %mul3A_399 = arith.muli %add3A_397, %mul3A_398 : i32
      %get3A_400 = arith.index_cast %mul3A_399 : i32 to index
      %get3A_401 = tpu.vector_load %arg28[%get3A_400] {strides = array<i32>} : memref<10240xi32, #tpu.memory_space<vmem>>, vector<16xi32>,
      %get3A_402 = arith.index_cast %mul3A_399 : i32 to index
      %get3A_403 = tpu.vector_load %arg30[%get3A_402] {strides = array<i32>} : memref<10240xi32, #tpu.memory_space<vmem>>, vector<16xi32>,
      %get3A_404 = arith.index_cast %mul3A_399 : i32 to index
      %get3A_405 = tpu.vector_load %arg32[%get3A_404] {strides = array<i32>} : memref<10240xf32, #tpu.memory_space<vmem>>, vector<16xf32>,
      %gather3A_406 = tpu.vector_load_idx %arg17[%get3A_401] : memref<16384xf32, #tpu.memory_space<vmem>>[vector<16xi32>], vector<16xf32>,
      %gather3A_407 = tpu.vector_load_idx %arg18[%get3A_403] : memref<4096xf32, #tpu.memory_space<vmem>>[vector<16xi32>], vector<16xf32>,
      %sub3A_408 = arith.subf %get3A_405, %gather3A_406 : vector<16xf32>
      %sub3A_409 = arith.subf %sub3A_408, %gather3A_407 : vector<16xf32>
      %sub3A_410 = arith.subf %sub3A_409, %get3A_141 : vector<16xf32>
      tpu.vector_store_idx %arg19[%get3A_403], %sub3A_410 {add = true} : memref<4096xf32, #tpu.memory_space<vmem>>[vector<16xi32>], vector<16xf32>,
    }
    %while3A_239 = arith.constant 1 : i32
    scf.for %while3A_343 = %while3A_237 to %while3A_233 step %while3A_239  : i32 {
      %mul3A_344 = arith.constant 4 : i32
      %mul3A_345 = arith.muli %while3A_343, %mul3A_344 : i32
      %add3A_346 = arith.constant 0 : i32
      %add3A_347 = arith.addi %mul3A_345, %add3A_346 : i32
      %mul3A_348 = arith.constant 16 : i32
      %mul3A_349 = arith.muli %add3A_347, %mul3A_348 : i32
      %get3A_350 = arith.index_cast %mul3A_349 : i32 to index
      %get3A_351 = tpu.vector_load %arg28[%get3A_350] {strides = array<i32>} : memref<10240xi32, #tpu.memory_space<vmem>>, vector<16xi32>,
      %get3A_352 = arith.index_cast %mul3A_349 : i32 to index
      %get3A_353 = tpu.vector_load %arg30[%get3A_352] {strides = array<i32>} : memref<10240xi32, #tpu.memory_space<vmem>>, vector<16xi32>,
      %get3A_354 = arith.index_cast %mul3A_349 : i32 to index
      %get3A_355 = tpu.vector_load %arg32[%get3A_354] {strides = array<i32>} : memref<10240xf32, #tpu.memory_space<vmem>>, vector<16xf32>,
      %gather3A_356 = tpu.vector_load_idx %arg17[%get3A_351] : memref<16384xf32, #tpu.memory_space<vmem>>[vector<16xi32>], vector<16xf32>,
      %gather3A_357 = tpu.vector_load_idx %arg18[%get3A_353] : memref<4096xf32, #tpu.memory_space<vmem>>[vector<16xi32>], vector<16xf32>,
      %sub3A = arith.subf %get3A_355, %gather3A_356 : vector<16xf32>
      %sub3A_358 = arith.subf %sub3A, %gather3A_357 : vector<16xf32>
      %sub3A_359 = arith.subf %sub3A_358, %get3A_141 : vector<16xf32>
      tpu.vector_store_idx %arg19[%get3A_353], %sub3A_359 {add = true} : memref<4096xf32, #tpu.memory_space<vmem>>[vector<16xi32>], vector<16xf32>,
      %mul3A_360 = arith.constant 4 : i32
      %mul3A_361 = arith.muli %while3A_343, %mul3A_360 : i32
      %add3A_362 = arith.constant 1 : i32
      %add3A_363 = arith.addi %mul3A_361, %add3A_362 : i32
      %mul3A_364 = arith.constant 16 : i32
      %mul3A_365 = arith.muli %add3A_363, %mul3A_364 : i32
      %get3A_366 = arith.index_cast %mul3A_365 : i32 to index
      %get3A_367 = tpu.vector_load %arg28[%get3A_366] {strides = array<i32>} : memref<10240xi32, #tpu.memory_space<vmem>>, vector<16xi32>,
      %get3A_368 = arith.index_cast %mul3A_365 : i32 to index
      %get3A_369 = tpu.vector_load %arg30[%get3A_368] {strides = array<i32>} : memref<10240xi32, #tpu.memory_space<vmem>>, vector<16xi32>,
      %get3A_370 = arith.index_cast %mul3A_365 : i32 to index
      %get3A_371 = tpu.vector_load %arg32[%get3A_370] {strides = array<i32>} : memref<10240xf32, #tpu.memory_space<vmem>>, vector<16xf32>,
      %gather3A_372 = tpu.vector_load_idx %arg17[%get3A_367] : memref<16384xf32, #tpu.memory_space<vmem>>[vector<16xi32>], vector<16xf32>,
      %gather3A_373 = tpu.vector_load_idx %arg18[%get3A_369] : memref<4096xf32, #tpu.memory_space<vmem>>[vector<16xi32>], vector<16xf32>,
      %sub3A_374 = arith.subf %get3A_371, %gather3A_372 : vector<16xf32>
      %sub3A_375 = arith.subf %sub3A_374, %gather3A_373 : vector<16xf32>
      %sub3A_376 = arith.subf %sub3A_375, %get3A_141 : vector<16xf32>
      tpu.vector_store_idx %arg19[%get3A_369], %sub3A_376 {add = true} : memref<4096xf32, #tpu.memory_space<vmem>>[vector<16xi32>], vector<16xf32>,
      %mul3A_377 = arith.constant 4 : i32
      %mul3A_378 = arith.muli %while3A_343, %mul3A_377 : i32
      %add3A_379 = arith.constant 2 : i32
      %add3A_380 = arith.addi %mul3A_378, %add3A_379 : i32
      %mul3A_381 = arith.constant 16 : i32
      %mul3A_382 = arith.muli %add3A_380, %mul3A_381 : i32
      %get3A_383 = arith.index_cast %mul3A_382 : i32 to index
      %get3A_384 = tpu.vector_load %arg28[%get3A_383] {strides = array<i32>} : memref<10240xi32, #tpu.memory_space<vmem>>, vector<16xi32>,
      %get3A_385 = arith.index_cast %mul3A_382 : i32 to index
      %get3A_386 = tpu.vector_load %arg30[%get3A_385] {strides = array<i32>} : memref<10240xi32, #tpu.memory_space<vmem>>, vector<16xi32>,
      %get3A_387 = arith.index_cast %mul3A_382 : i32 to index
      %get3A_388 = tpu.vector_load %arg32[%get3A_387] {strides = array<i32>} : memref<10240xf32, #tpu.memory_space<vmem>>, vector<16xf32>,
      %gather3A_389 = tpu.vector_load_idx %arg17[%get3A_384] : memref<16384xf32, #tpu.memory_space<vmem>>[vector<16xi32>], vector<16xf32>,
      %gather3A_390 = tpu.vector_load_idx %arg18[%get3A_386] : memref<4096xf32, #tpu.memory_space<vmem>>[vector<16xi32>], vector<16xf32>,
      %sub3A_391 = arith.subf %get3A_388, %gather3A_389 : vector<16xf32>
      %sub3A_392 = arith.subf %sub3A_391, %gather3A_390 : vector<16xf32>
      %sub3A_393 = arith.subf %sub3A_392, %get3A_141 : vector<16xf32>
      tpu.vector_store_idx %arg19[%get3A_386], %sub3A_393 {add = true} : memref<4096xf32, #tpu.memory_space<vmem>>[vector<16xi32>], vector<16xf32>,
      %mul3A_394 = arith.constant 4 : i32
      %mul3A_395 = arith.muli %while3A_343, %mul3A_394 : i32
      %add3A_396 = arith.constant 3 : i32
      %add3A_397 = arith.addi %mul3A_395, %add3A_396 : i32
      %mul3A_398 = arith.constant 16 : i32
      %mul3A_399 = arith.muli %add3A_397, %mul3A_398 : i32
      %get3A_400 = arith.index_cast %mul3A_399 : i32 to index
      %get3A_401 = tpu.vector_load %arg28[%get3A_400] {strides = array<i32>} : memref<10240xi32, #tpu.memory_space<vmem>>, vector<16xi32>,
      %get3A_402 = arith.index_cast %mul3A_399 : i32 to index
      %get3A_403 = tpu.vector_load %arg30[%get3A_402] {strides = array<i32>} : memref<10240xi32, #tpu.memory_space<vmem>>, vector<16xi32>,
      %get3A_404 = arith.index_cast %mul3A_399 : i32 to index
      %get3A_405 = tpu.vector_load %arg32[%get3A_404] {strides = array<i32>} : memref<10240xf32, #tpu.memory_space<vmem>>, vector<16xf32>,
      %gather3A_406 = tpu.vector_load_idx %arg17[%get3A_401] : memref<16384xf32, #tpu.memory_space<vmem>>[vector<16xi32>], vector<16xf32>,
      %gather3A_407 = tpu.vector_load_idx %arg18[%get3A_403] : memref<4096xf32, #tpu.memory_space<vmem>>[vector<16xi32>], vector<16xf32>,
      %sub3A_408 = arith.subf %get3A_405, %gather3A_406 : vector<16xf32>
      %sub3A_409 = arith.subf %sub3A_408, %gather3A_407 : vector<16xf32>
      %sub3A_410 = arith.subf %sub3A_409, %get3A_141 : vector<16xf32>
      tpu.vector_store_idx %arg19[%get3A_403], %sub3A_410 {add = true} : memref<4096xf32, #tpu.memory_space<vmem>>[vector<16xi32>], vector<16xf32>,
    }
    %dma_wait3A_240 = arith.constant 0 : i32
    %dma_wait3A_241 = tpu.memref_slice %arg27[%dma_wait3A_240] : memref<10240xi32, #tpu.memory_space<vmem>> -> memref<10240xi32, #tpu.memory_space<vmem>>
    %dma_wait3A_242 = tpu.memref_slice %arg4[%add3A_210] : memref<1000000xi32, #tpu.memory_space<hbm>> -> memref<10240xi32, #tpu.memory_space<hbm>>
    %dma_wait3A_243 = arith.constant 0 : i32
    %dma_wait3A_244 = tpu.memref_slice %arg27[%dma_wait3A_243] : memref<10240xi32, #tpu.memory_space<vmem>> -> memref<10240xi32, #tpu.memory_space<vmem>>
    %dma_wait3A_245 = tpu.memref_slice %arg4[%add3A_210] : memref<1000000xi32, #tpu.memory_space<hbm>> -> memref<10240xi32, #tpu.memory_space<hbm>>
    tpu.wait_dma2 semaphore(%arg34 : memref<!tpu.dma_semaphore, #tpu.memory_space<semaphore_mem>>) src(%dma_wait3A_245 : memref<10240xi32, #tpu.memory_space<hbm>>) dst(%dma_wait3A_244 : memref<10240xi32, #tpu.memory_space<vmem>>)
    %dma_wait3A_246 = arith.constant 0 : i32
    %dma_wait3A_247 = tpu.memref_slice %arg29[%dma_wait3A_246] : memref<10240xi32, #tpu.memory_space<vmem>> -> memref<10240xi32, #tpu.memory_space<vmem>>
    %dma_wait3A_248 = tpu.memref_slice %arg5[%add3A_210] : memref<1000000xi32, #tpu.memory_space<hbm>> -> memref<10240xi32, #tpu.memory_space<hbm>>
    %dma_wait3A_249 = arith.constant 0 : i32
    %dma_wait3A_250 = tpu.memref_slice %arg29[%dma_wait3A_249] : memref<10240xi32, #tpu.memory_space<vmem>> -> memref<10240xi32, #tpu.memory_space<vmem>>
    %dma_wait3A_251 = tpu.memref_slice %arg5[%add3A_210] : memref<1000000xi32, #tpu.memory_space<hbm>> -> memref<10240xi32, #tpu.memory_space<hbm>>
    tpu.wait_dma2 semaphore(%arg34 : memref<!tpu.dma_semaphore, #tpu.memory_space<semaphore_mem>>) src(%dma_wait3A_251 : memref<10240xi32, #tpu.memory_space<hbm>>) dst(%dma_wait3A_250 : memref<10240xi32, #tpu.memory_space<vmem>>)
    %dma_wait3A_252 = arith.constant 0 : i32
    %dma_wait3A_253 = tpu.memref_slice %arg31[%dma_wait3A_252] : memref<10240xf32, #tpu.memory_space<vmem>> -> memref<10240xf32, #tpu.memory_space<vmem>>
    %dma_wait3A_254 = tpu.memref_slice %arg6[%add3A_210] : memref<1000000xf32, #tpu.memory_space<hbm>> -> memref<10240xf32, #tpu.memory_space<hbm>>
    %dma_wait3A_255 = arith.constant 0 : i32
    %dma_wait3A_256 = tpu.memref_slice %arg31[%dma_wait3A_255] : memref<10240xf32, #tpu.memory_space<vmem>> -> memref<10240xf32, #tpu.memory_space<vmem>>
    %dma_wait3A_257 = tpu.memref_slice %arg6[%add3A_210] : memref<1000000xf32, #tpu.memory_space<hbm>> -> memref<10240xf32, #tpu.memory_space<hbm>>
    tpu.wait_dma2 semaphore(%arg34 : memref<!tpu.dma_semaphore, #tpu.memory_space<semaphore_mem>>) src(%dma_wait3A_257 : memref<10240xf32, #tpu.memory_space<hbm>>) dst(%dma_wait3A_256 : memref<10240xf32, #tpu.memory_space<vmem>>)
    %add3A_258 = arith.constant 30720 : i32
    %add3A_259 = arith.addi %mul3A_4, %add3A_258 : i32
    %dma_start3A_260 = arith.constant 0 : i32
    %dma_start3A_261 = tpu.memref_slice %arg28[%dma_start3A_260] : memref<10240xi32, #tpu.memory_space<vmem>> -> memref<528xi32, #tpu.memory_space<vmem>>
    %dma_start3A_262 = tpu.memref_slice %arg4[%add3A_259] : memref<1000000xi32, #tpu.memory_space<hbm>> -> memref<528xi32, #tpu.memory_space<hbm>>
    %dma_start3A_263 = arith.constant 0 : i32
    %dma_start3A_264 = tpu.memref_slice %arg28[%dma_start3A_263] : memref<10240xi32, #tpu.memory_space<vmem>> -> memref<528xi32, #tpu.memory_space<vmem>>
    %dma_start3A_265 = tpu.memref_slice %arg4[%add3A_259] : memref<1000000xi32, #tpu.memory_space<hbm>> -> memref<528xi32, #tpu.memory_space<hbm>>
    tpu.enqueue_dma source(%dma_start3A_265 : memref<528xi32, #tpu.memory_space<hbm>>) target(%dma_start3A_264 : memref<528xi32, #tpu.memory_space<vmem>>) target_semaphore(%arg34 : memref<!tpu.dma_semaphore, #tpu.memory_space<semaphore_mem>>)
    %dma_start3A_266 = arith.constant 0 : i32
    %dma_start3A_267 = tpu.memref_slice %arg30[%dma_start3A_266] : memref<10240xi32, #tpu.memory_space<vmem>> -> memref<528xi32, #tpu.memory_space<vmem>>
    %dma_start3A_268 = tpu.memref_slice %arg5[%add3A_259] : memref<1000000xi32, #tpu.memory_space<hbm>> -> memref<528xi32, #tpu.memory_space<hbm>>
    %dma_start3A_269 = arith.constant 0 : i32
    %dma_start3A_270 = tpu.memref_slice %arg30[%dma_start3A_269] : memref<10240xi32, #tpu.memory_space<vmem>> -> memref<528xi32, #tpu.memory_space<vmem>>
    %dma_start3A_271 = tpu.memref_slice %arg5[%add3A_259] : memref<1000000xi32, #tpu.memory_space<hbm>> -> memref<528xi32, #tpu.memory_space<hbm>>
    tpu.enqueue_dma source(%dma_start3A_271 : memref<528xi32, #tpu.memory_space<hbm>>) target(%dma_start3A_270 : memref<528xi32, #tpu.memory_space<vmem>>) target_semaphore(%arg34 : memref<!tpu.dma_semaphore, #tpu.memory_space<semaphore_mem>>)
    %dma_start3A_272 = arith.constant 0 : i32
    %dma_start3A_273 = tpu.memref_slice %arg32[%dma_start3A_272] : memref<10240xf32, #tpu.memory_space<vmem>> -> memref<528xf32, #tpu.memory_space<vmem>>
    %dma_start3A_274 = tpu.memref_slice %arg6[%add3A_259] : memref<1000000xf32, #tpu.memory_space<hbm>> -> memref<528xf32, #tpu.memory_space<hbm>>
    %dma_start3A_275 = arith.constant 0 : i32
    %dma_start3A_276 = tpu.memref_slice %arg32[%dma_start3A_275] : memref<10240xf32, #tpu.memory_space<vmem>> -> memref<528xf32, #tpu.memory_space<vmem>>
    %dma_start3A_277 = tpu.memref_slice %arg6[%add3A_259] : memref<1000000xf32, #tpu.memory_space<hbm>> -> memref<528xf32, #tpu.memory_space<hbm>>
    tpu.enqueue_dma source(%dma_start3A_277 : memref<528xf32, #tpu.memory_space<hbm>>) target(%dma_start3A_276 : memref<528xf32, #tpu.memory_space<vmem>>) target_semaphore(%arg34 : memref<!tpu.dma_semaphore, #tpu.memory_space<semaphore_mem>>)
    %while3A_278 = arith.constant 0 : i32
    %while3A_279 = arith.constant 0 : i32
    %while3A_280 = arith.constant 160 : i32
    %while3A_281 = arith.subi %while3A_280, %while3A_279 : i32
    %while3A_282 = arith.addi %while3A_279, %while3A_281 : i32
    %while3A_283 = arith.constant 1 : i32
    %while3A_284 = arith.divsi %while3A_281, %while3A_283 : i32
    %while3A_285 = arith.muli %while3A_284, %while3A_283 : i32
    %while3A_286 = arith.addi %while3A_279, %while3A_285 : i32
    %while3A_287 = arith.constant 1 : i32
    scf.for %while3A_343 = %while3A_279 to %while3A_286 step %while3A_287  : i32 {
      %mul3A_344 = arith.constant 4 : i32
      %mul3A_345 = arith.muli %while3A_343, %mul3A_344 : i32
      %add3A_346 = arith.constant 0 : i32
      %add3A_347 = arith.addi %mul3A_345, %add3A_346 : i32
      %mul3A_348 = arith.constant 16 : i32
      %mul3A_349 = arith.muli %add3A_347, %mul3A_348 : i32
      %get3A_350 = arith.index_cast %mul3A_349 : i32 to index
      %get3A_351 = tpu.vector_load %arg27[%get3A_350] {strides = array<i32>} : memref<10240xi32, #tpu.memory_space<vmem>>, vector<16xi32>,
      %get3A_352 = arith.index_cast %mul3A_349 : i32 to index
      %get3A_353 = tpu.vector_load %arg29[%get3A_352] {strides = array<i32>} : memref<10240xi32, #tpu.memory_space<vmem>>, vector<16xi32>,
      %get3A_354 = arith.index_cast %mul3A_349 : i32 to index
      %get3A_355 = tpu.vector_load %arg31[%get3A_354] {strides = array<i32>} : memref<10240xf32, #tpu.memory_space<vmem>>, vector<16xf32>,
      %gather3A_356 = tpu.vector_load_idx %arg17[%get3A_351] : memref<16384xf32, #tpu.memory_space<vmem>>[vector<16xi32>], vector<16xf32>,
      %gather3A_357 = tpu.vector_load_idx %arg18[%get3A_353] : memref<4096xf32, #tpu.memory_space<vmem>>[vector<16xi32>], vector<16xf32>,
      %sub3A = arith.subf %get3A_355, %gather3A_356 : vector<16xf32>
      %sub3A_358 = arith.subf %sub3A, %gather3A_357 : vector<16xf32>
      %sub3A_359 = arith.subf %sub3A_358, %get3A_141 : vector<16xf32>
      tpu.vector_store_idx %arg19[%get3A_353], %sub3A_359 {add = true} : memref<4096xf32, #tpu.memory_space<vmem>>[vector<16xi32>], vector<16xf32>,
      %mul3A_360 = arith.constant 4 : i32
      %mul3A_361 = arith.muli %while3A_343, %mul3A_360 : i32
      %add3A_362 = arith.constant 1 : i32
      %add3A_363 = arith.addi %mul3A_361, %add3A_362 : i32
      %mul3A_364 = arith.constant 16 : i32
      %mul3A_365 = arith.muli %add3A_363, %mul3A_364 : i32
      %get3A_366 = arith.index_cast %mul3A_365 : i32 to index
      %get3A_367 = tpu.vector_load %arg27[%get3A_366] {strides = array<i32>} : memref<10240xi32, #tpu.memory_space<vmem>>, vector<16xi32>,
      %get3A_368 = arith.index_cast %mul3A_365 : i32 to index
      %get3A_369 = tpu.vector_load %arg29[%get3A_368] {strides = array<i32>} : memref<10240xi32, #tpu.memory_space<vmem>>, vector<16xi32>,
      %get3A_370 = arith.index_cast %mul3A_365 : i32 to index
      %get3A_371 = tpu.vector_load %arg31[%get3A_370] {strides = array<i32>} : memref<10240xf32, #tpu.memory_space<vmem>>, vector<16xf32>,
      %gather3A_372 = tpu.vector_load_idx %arg17[%get3A_367] : memref<16384xf32, #tpu.memory_space<vmem>>[vector<16xi32>], vector<16xf32>,
      %gather3A_373 = tpu.vector_load_idx %arg18[%get3A_369] : memref<4096xf32, #tpu.memory_space<vmem>>[vector<16xi32>], vector<16xf32>,
      %sub3A_374 = arith.subf %get3A_371, %gather3A_372 : vector<16xf32>
      %sub3A_375 = arith.subf %sub3A_374, %gather3A_373 : vector<16xf32>
      %sub3A_376 = arith.subf %sub3A_375, %get3A_141 : vector<16xf32>
      tpu.vector_store_idx %arg19[%get3A_369], %sub3A_376 {add = true} : memref<4096xf32, #tpu.memory_space<vmem>>[vector<16xi32>], vector<16xf32>,
      %mul3A_377 = arith.constant 4 : i32
      %mul3A_378 = arith.muli %while3A_343, %mul3A_377 : i32
      %add3A_379 = arith.constant 2 : i32
      %add3A_380 = arith.addi %mul3A_378, %add3A_379 : i32
      %mul3A_381 = arith.constant 16 : i32
      %mul3A_382 = arith.muli %add3A_380, %mul3A_381 : i32
      %get3A_383 = arith.index_cast %mul3A_382 : i32 to index
      %get3A_384 = tpu.vector_load %arg27[%get3A_383] {strides = array<i32>} : memref<10240xi32, #tpu.memory_space<vmem>>, vector<16xi32>,
      %get3A_385 = arith.index_cast %mul3A_382 : i32 to index
      %get3A_386 = tpu.vector_load %arg29[%get3A_385] {strides = array<i32>} : memref<10240xi32, #tpu.memory_space<vmem>>, vector<16xi32>,
      %get3A_387 = arith.index_cast %mul3A_382 : i32 to index
      %get3A_388 = tpu.vector_load %arg31[%get3A_387] {strides = array<i32>} : memref<10240xf32, #tpu.memory_space<vmem>>, vector<16xf32>,
      %gather3A_389 = tpu.vector_load_idx %arg17[%get3A_384] : memref<16384xf32, #tpu.memory_space<vmem>>[vector<16xi32>], vector<16xf32>,
      %gather3A_390 = tpu.vector_load_idx %arg18[%get3A_386] : memref<4096xf32, #tpu.memory_space<vmem>>[vector<16xi32>], vector<16xf32>,
      %sub3A_391 = arith.subf %get3A_388, %gather3A_389 : vector<16xf32>
      %sub3A_392 = arith.subf %sub3A_391, %gather3A_390 : vector<16xf32>
      %sub3A_393 = arith.subf %sub3A_392, %get3A_141 : vector<16xf32>
      tpu.vector_store_idx %arg19[%get3A_386], %sub3A_393 {add = true} : memref<4096xf32, #tpu.memory_space<vmem>>[vector<16xi32>], vector<16xf32>,
      %mul3A_394 = arith.constant 4 : i32
      %mul3A_395 = arith.muli %while3A_343, %mul3A_394 : i32
      %add3A_396 = arith.constant 3 : i32
      %add3A_397 = arith.addi %mul3A_395, %add3A_396 : i32
      %mul3A_398 = arith.constant 16 : i32
      %mul3A_399 = arith.muli %add3A_397, %mul3A_398 : i32
      %get3A_400 = arith.index_cast %mul3A_399 : i32 to index
      %get3A_401 = tpu.vector_load %arg27[%get3A_400] {strides = array<i32>} : memref<10240xi32, #tpu.memory_space<vmem>>, vector<16xi32>,
      %get3A_402 = arith.index_cast %mul3A_399 : i32 to index
      %get3A_403 = tpu.vector_load %arg29[%get3A_402] {strides = array<i32>} : memref<10240xi32, #tpu.memory_space<vmem>>, vector<16xi32>,
      %get3A_404 = arith.index_cast %mul3A_399 : i32 to index
      %get3A_405 = tpu.vector_load %arg31[%get3A_404] {strides = array<i32>} : memref<10240xf32, #tpu.memory_space<vmem>>, vector<16xf32>,
      %gather3A_406 = tpu.vector_load_idx %arg17[%get3A_401] : memref<16384xf32, #tpu.memory_space<vmem>>[vector<16xi32>], vector<16xf32>,
      %gather3A_407 = tpu.vector_load_idx %arg18[%get3A_403] : memref<4096xf32, #tpu.memory_space<vmem>>[vector<16xi32>], vector<16xf32>,
      %sub3A_408 = arith.subf %get3A_405, %gather3A_406 : vector<16xf32>
      %sub3A_409 = arith.subf %sub3A_408, %gather3A_407 : vector<16xf32>
      %sub3A_410 = arith.subf %sub3A_409, %get3A_141 : vector<16xf32>
      tpu.vector_store_idx %arg19[%get3A_403], %sub3A_410 {add = true} : memref<4096xf32, #tpu.memory_space<vmem>>[vector<16xi32>], vector<16xf32>,
    }
    %while3A_288 = arith.constant 1 : i32
    scf.for %while3A_343 = %while3A_286 to %while3A_282 step %while3A_288  : i32 {
      %mul3A_344 = arith.constant 4 : i32
      %mul3A_345 = arith.muli %while3A_343, %mul3A_344 : i32
      %add3A_346 = arith.constant 0 : i32
      %add3A_347 = arith.addi %mul3A_345, %add3A_346 : i32
      %mul3A_348 = arith.constant 16 : i32
      %mul3A_349 = arith.muli %add3A_347, %mul3A_348 : i32
      %get3A_350 = arith.index_cast %mul3A_349 : i32 to index
      %get3A_351 = tpu.vector_load %arg27[%get3A_350] {strides = array<i32>} : memref<10240xi32, #tpu.memory_space<vmem>>, vector<16xi32>,
      %get3A_352 = arith.index_cast %mul3A_349 : i32 to index
      %get3A_353 = tpu.vector_load %arg29[%get3A_352] {strides = array<i32>} : memref<10240xi32, #tpu.memory_space<vmem>>, vector<16xi32>,
      %get3A_354 = arith.index_cast %mul3A_349 : i32 to index
      %get3A_355 = tpu.vector_load %arg31[%get3A_354] {strides = array<i32>} : memref<10240xf32, #tpu.memory_space<vmem>>, vector<16xf32>,
      %gather3A_356 = tpu.vector_load_idx %arg17[%get3A_351] : memref<16384xf32, #tpu.memory_space<vmem>>[vector<16xi32>], vector<16xf32>,
      %gather3A_357 = tpu.vector_load_idx %arg18[%get3A_353] : memref<4096xf32, #tpu.memory_space<vmem>>[vector<16xi32>], vector<16xf32>,
      %sub3A = arith.subf %get3A_355, %gather3A_356 : vector<16xf32>
      %sub3A_358 = arith.subf %sub3A, %gather3A_357 : vector<16xf32>
      %sub3A_359 = arith.subf %sub3A_358, %get3A_141 : vector<16xf32>
      tpu.vector_store_idx %arg19[%get3A_353], %sub3A_359 {add = true} : memref<4096xf32, #tpu.memory_space<vmem>>[vector<16xi32>], vector<16xf32>,
      %mul3A_360 = arith.constant 4 : i32
      %mul3A_361 = arith.muli %while3A_343, %mul3A_360 : i32
      %add3A_362 = arith.constant 1 : i32
      %add3A_363 = arith.addi %mul3A_361, %add3A_362 : i32
      %mul3A_364 = arith.constant 16 : i32
      %mul3A_365 = arith.muli %add3A_363, %mul3A_364 : i32
      %get3A_366 = arith.index_cast %mul3A_365 : i32 to index
      %get3A_367 = tpu.vector_load %arg27[%get3A_366] {strides = array<i32>} : memref<10240xi32, #tpu.memory_space<vmem>>, vector<16xi32>,
      %get3A_368 = arith.index_cast %mul3A_365 : i32 to index
      %get3A_369 = tpu.vector_load %arg29[%get3A_368] {strides = array<i32>} : memref<10240xi32, #tpu.memory_space<vmem>>, vector<16xi32>,
      %get3A_370 = arith.index_cast %mul3A_365 : i32 to index
      %get3A_371 = tpu.vector_load %arg31[%get3A_370] {strides = array<i32>} : memref<10240xf32, #tpu.memory_space<vmem>>, vector<16xf32>,
      %gather3A_372 = tpu.vector_load_idx %arg17[%get3A_367] : memref<16384xf32, #tpu.memory_space<vmem>>[vector<16xi32>], vector<16xf32>,
      %gather3A_373 = tpu.vector_load_idx %arg18[%get3A_369] : memref<4096xf32, #tpu.memory_space<vmem>>[vector<16xi32>], vector<16xf32>,
      %sub3A_374 = arith.subf %get3A_371, %gather3A_372 : vector<16xf32>
      %sub3A_375 = arith.subf %sub3A_374, %gather3A_373 : vector<16xf32>
      %sub3A_376 = arith.subf %sub3A_375, %get3A_141 : vector<16xf32>
      tpu.vector_store_idx %arg19[%get3A_369], %sub3A_376 {add = true} : memref<4096xf32, #tpu.memory_space<vmem>>[vector<16xi32>], vector<16xf32>,
      %mul3A_377 = arith.constant 4 : i32
      %mul3A_378 = arith.muli %while3A_343, %mul3A_377 : i32
      %add3A_379 = arith.constant 2 : i32
      %add3A_380 = arith.addi %mul3A_378, %add3A_379 : i32
      %mul3A_381 = arith.constant 16 : i32
      %mul3A_382 = arith.muli %add3A_380, %mul3A_381 : i32
      %get3A_383 = arith.index_cast %mul3A_382 : i32 to index
      %get3A_384 = tpu.vector_load %arg27[%get3A_383] {strides = array<i32>} : memref<10240xi32, #tpu.memory_space<vmem>>, vector<16xi32>,
      %get3A_385 = arith.index_cast %mul3A_382 : i32 to index
      %get3A_386 = tpu.vector_load %arg29[%get3A_385] {strides = array<i32>} : memref<10240xi32, #tpu.memory_space<vmem>>, vector<16xi32>,
      %get3A_387 = arith.index_cast %mul3A_382 : i32 to index
      %get3A_388 = tpu.vector_load %arg31[%get3A_387] {strides = array<i32>} : memref<10240xf32, #tpu.memory_space<vmem>>, vector<16xf32>,
      %gather3A_389 = tpu.vector_load_idx %arg17[%get3A_384] : memref<16384xf32, #tpu.memory_space<vmem>>[vector<16xi32>], vector<16xf32>,
      %gather3A_390 = tpu.vector_load_idx %arg18[%get3A_386] : memref<4096xf32, #tpu.memory_space<vmem>>[vector<16xi32>], vector<16xf32>,
      %sub3A_391 = arith.subf %get3A_388, %gather3A_389 : vector<16xf32>
      %sub3A_392 = arith.subf %sub3A_391, %gather3A_390 : vector<16xf32>
      %sub3A_393 = arith.subf %sub3A_392, %get3A_141 : vector<16xf32>
      tpu.vector_store_idx %arg19[%get3A_386], %sub3A_393 {add = true} : memref<4096xf32, #tpu.memory_space<vmem>>[vector<16xi32>], vector<16xf32>,
      %mul3A_394 = arith.constant 4 : i32
      %mul3A_395 = arith.muli %while3A_343, %mul3A_394 : i32
      %add3A_396 = arith.constant 3 : i32
      %add3A_397 = arith.addi %mul3A_395, %add3A_396 : i32
      %mul3A_398 = arith.constant 16 : i32
      %mul3A_399 = arith.muli %add3A_397, %mul3A_398 : i32
      %get3A_400 = arith.index_cast %mul3A_399 : i32 to index
      %get3A_401 = tpu.vector_load %arg27[%get3A_400] {strides = array<i32>} : memref<10240xi32, #tpu.memory_space<vmem>>, vector<16xi32>,
      %get3A_402 = arith.index_cast %mul3A_399 : i32 to index
      %get3A_403 = tpu.vector_load %arg29[%get3A_402] {strides = array<i32>} : memref<10240xi32, #tpu.memory_space<vmem>>, vector<16xi32>,
      %get3A_404 = arith.index_cast %mul3A_399 : i32 to index
      %get3A_405 = tpu.vector_load %arg31[%get3A_404] {strides = array<i32>} : memref<10240xf32, #tpu.memory_space<vmem>>, vector<16xf32>,
      %gather3A_406 = tpu.vector_load_idx %arg17[%get3A_401] : memref<16384xf32, #tpu.memory_space<vmem>>[vector<16xi32>], vector<16xf32>,
      %gather3A_407 = tpu.vector_load_idx %arg18[%get3A_403] : memref<4096xf32, #tpu.memory_space<vmem>>[vector<16xi32>], vector<16xf32>,
      %sub3A_408 = arith.subf %get3A_405, %gather3A_406 : vector<16xf32>
      %sub3A_409 = arith.subf %sub3A_408, %gather3A_407 : vector<16xf32>
      %sub3A_410 = arith.subf %sub3A_409, %get3A_141 : vector<16xf32>
      tpu.vector_store_idx %arg19[%get3A_403], %sub3A_410 {add = true} : memref<4096xf32, #tpu.memory_space<vmem>>[vector<16xi32>], vector<16xf32>,
    }
    %dma_wait3A_289 = arith.constant 0 : i32
    %dma_wait3A_290 = tpu.memref_slice %arg28[%dma_wait3A_289] : memref<10240xi32, #tpu.memory_space<vmem>> -> memref<528xi32, #tpu.memory_space<vmem>>
    %dma_wait3A_291 = tpu.memref_slice %arg4[%add3A_259] : memref<1000000xi32, #tpu.memory_space<hbm>> -> memref<528xi32, #tpu.memory_space<hbm>>
    %dma_wait3A_292 = arith.constant 0 : i32
    %dma_wait3A_293 = tpu.memref_slice %arg28[%dma_wait3A_292] : memref<10240xi32, #tpu.memory_space<vmem>> -> memref<528xi32, #tpu.memory_space<vmem>>
    %dma_wait3A_294 = tpu.memref_slice %arg4[%add3A_259] : memref<1000000xi32, #tpu.memory_space<hbm>> -> memref<528xi32, #tpu.memory_space<hbm>>
    tpu.wait_dma2 semaphore(%arg34 : memref<!tpu.dma_semaphore, #tpu.memory_space<semaphore_mem>>) src(%dma_wait3A_294 : memref<528xi32, #tpu.memory_space<hbm>>) dst(%dma_wait3A_293 : memref<528xi32, #tpu.memory_space<vmem>>)
    %dma_wait3A_295 = arith.constant 0 : i32
    %dma_wait3A_296 = tpu.memref_slice %arg30[%dma_wait3A_295] : memref<10240xi32, #tpu.memory_space<vmem>> -> memref<528xi32, #tpu.memory_space<vmem>>
    %dma_wait3A_297 = tpu.memref_slice %arg5[%add3A_259] : memref<1000000xi32, #tpu.memory_space<hbm>> -> memref<528xi32, #tpu.memory_space<hbm>>
    %dma_wait3A_298 = arith.constant 0 : i32
    %dma_wait3A_299 = tpu.memref_slice %arg30[%dma_wait3A_298] : memref<10240xi32, #tpu.memory_space<vmem>> -> memref<528xi32, #tpu.memory_space<vmem>>
    %dma_wait3A_300 = tpu.memref_slice %arg5[%add3A_259] : memref<1000000xi32, #tpu.memory_space<hbm>> -> memref<528xi32, #tpu.memory_space<hbm>>
    tpu.wait_dma2 semaphore(%arg34 : memref<!tpu.dma_semaphore, #tpu.memory_space<semaphore_mem>>) src(%dma_wait3A_300 : memref<528xi32, #tpu.memory_space<hbm>>) dst(%dma_wait3A_299 : memref<528xi32, #tpu.memory_space<vmem>>)
    %dma_wait3A_301 = arith.constant 0 : i32
    %dma_wait3A_302 = tpu.memref_slice %arg32[%dma_wait3A_301] : memref<10240xf32, #tpu.memory_space<vmem>> -> memref<528xf32, #tpu.memory_space<vmem>>
    %dma_wait3A_303 = tpu.memref_slice %arg6[%add3A_259] : memref<1000000xf32, #tpu.memory_space<hbm>> -> memref<528xf32, #tpu.memory_space<hbm>>
    %dma_wait3A_304 = arith.constant 0 : i32
    %dma_wait3A_305 = tpu.memref_slice %arg32[%dma_wait3A_304] : memref<10240xf32, #tpu.memory_space<vmem>> -> memref<528xf32, #tpu.memory_space<vmem>>
    %dma_wait3A_306 = tpu.memref_slice %arg6[%add3A_259] : memref<1000000xf32, #tpu.memory_space<hbm>> -> memref<528xf32, #tpu.memory_space<hbm>>
    tpu.wait_dma2 semaphore(%arg34 : memref<!tpu.dma_semaphore, #tpu.memory_space<semaphore_mem>>) src(%dma_wait3A_306 : memref<528xf32, #tpu.memory_space<hbm>>) dst(%dma_wait3A_305 : memref<528xf32, #tpu.memory_space<vmem>>)
    %while3A_307 = arith.constant 0 : i32
    %while3A_308 = arith.constant 0 : i32
    %while3A_309 = arith.constant 8 : i32
    %while3A_310 = arith.subi %while3A_309, %while3A_308 : i32
    %while3A_311 = arith.addi %while3A_308, %while3A_310 : i32
    %while3A_312 = arith.constant 1 : i32
    %while3A_313 = arith.divsi %while3A_310, %while3A_312 : i32
    %while3A_314 = arith.muli %while3A_313, %while3A_312 : i32
    %while3A_315 = arith.addi %while3A_308, %while3A_314 : i32
    %while3A_316 = arith.constant 1 : i32
    scf.for %while3A_343 = %while3A_308 to %while3A_315 step %while3A_316  : i32 {
      %mul3A_344 = arith.constant 4 : i32
      %mul3A_345 = arith.muli %while3A_343, %mul3A_344 : i32
      %add3A_346 = arith.constant 0 : i32
      %add3A_347 = arith.addi %mul3A_345, %add3A_346 : i32
      %mul3A_348 = arith.constant 16 : i32
      %mul3A_349 = arith.muli %add3A_347, %mul3A_348 : i32
      %get3A_350 = arith.index_cast %mul3A_349 : i32 to index
      %get3A_351 = tpu.vector_load %arg28[%get3A_350] {strides = array<i32>} : memref<10240xi32, #tpu.memory_space<vmem>>, vector<16xi32>,
      %get3A_352 = arith.index_cast %mul3A_349 : i32 to index
      %get3A_353 = tpu.vector_load %arg30[%get3A_352] {strides = array<i32>} : memref<10240xi32, #tpu.memory_space<vmem>>, vector<16xi32>,
      %get3A_354 = arith.index_cast %mul3A_349 : i32 to index
      %get3A_355 = tpu.vector_load %arg32[%get3A_354] {strides = array<i32>} : memref<10240xf32, #tpu.memory_space<vmem>>, vector<16xf32>,
      %gather3A_356 = tpu.vector_load_idx %arg17[%get3A_351] : memref<16384xf32, #tpu.memory_space<vmem>>[vector<16xi32>], vector<16xf32>,
      %gather3A_357 = tpu.vector_load_idx %arg18[%get3A_353] : memref<4096xf32, #tpu.memory_space<vmem>>[vector<16xi32>], vector<16xf32>,
      %sub3A = arith.subf %get3A_355, %gather3A_356 : vector<16xf32>
      %sub3A_358 = arith.subf %sub3A, %gather3A_357 : vector<16xf32>
      %sub3A_359 = arith.subf %sub3A_358, %get3A_141 : vector<16xf32>
      tpu.vector_store_idx %arg19[%get3A_353], %sub3A_359 {add = true} : memref<4096xf32, #tpu.memory_space<vmem>>[vector<16xi32>], vector<16xf32>,
      %mul3A_360 = arith.constant 4 : i32
      %mul3A_361 = arith.muli %while3A_343, %mul3A_360 : i32
      %add3A_362 = arith.constant 1 : i32
      %add3A_363 = arith.addi %mul3A_361, %add3A_362 : i32
      %mul3A_364 = arith.constant 16 : i32
      %mul3A_365 = arith.muli %add3A_363, %mul3A_364 : i32
      %get3A_366 = arith.index_cast %mul3A_365 : i32 to index
      %get3A_367 = tpu.vector_load %arg28[%get3A_366] {strides = array<i32>} : memref<10240xi32, #tpu.memory_space<vmem>>, vector<16xi32>,
      %get3A_368 = arith.index_cast %mul3A_365 : i32 to index
      %get3A_369 = tpu.vector_load %arg30[%get3A_368] {strides = array<i32>} : memref<10240xi32, #tpu.memory_space<vmem>>, vector<16xi32>,
      %get3A_370 = arith.index_cast %mul3A_365 : i32 to index
      %get3A_371 = tpu.vector_load %arg32[%get3A_370] {strides = array<i32>} : memref<10240xf32, #tpu.memory_space<vmem>>, vector<16xf32>,
      %gather3A_372 = tpu.vector_load_idx %arg17[%get3A_367] : memref<16384xf32, #tpu.memory_space<vmem>>[vector<16xi32>], vector<16xf32>,
      %gather3A_373 = tpu.vector_load_idx %arg18[%get3A_369] : memref<4096xf32, #tpu.memory_space<vmem>>[vector<16xi32>], vector<16xf32>,
      %sub3A_374 = arith.subf %get3A_371, %gather3A_372 : vector<16xf32>
      %sub3A_375 = arith.subf %sub3A_374, %gather3A_373 : vector<16xf32>
      %sub3A_376 = arith.subf %sub3A_375, %get3A_141 : vector<16xf32>
      tpu.vector_store_idx %arg19[%get3A_369], %sub3A_376 {add = true} : memref<4096xf32, #tpu.memory_space<vmem>>[vector<16xi32>], vector<16xf32>,
      %mul3A_377 = arith.constant 4 : i32
      %mul3A_378 = arith.muli %while3A_343, %mul3A_377 : i32
      %add3A_379 = arith.constant 2 : i32
      %add3A_380 = arith.addi %mul3A_378, %add3A_379 : i32
      %mul3A_381 = arith.constant 16 : i32
      %mul3A_382 = arith.muli %add3A_380, %mul3A_381 : i32
      %get3A_383 = arith.index_cast %mul3A_382 : i32 to index
      %get3A_384 = tpu.vector_load %arg28[%get3A_383] {strides = array<i32>} : memref<10240xi32, #tpu.memory_space<vmem>>, vector<16xi32>,
      %get3A_385 = arith.index_cast %mul3A_382 : i32 to index
      %get3A_386 = tpu.vector_load %arg30[%get3A_385] {strides = array<i32>} : memref<10240xi32, #tpu.memory_space<vmem>>, vector<16xi32>,
      %get3A_387 = arith.index_cast %mul3A_382 : i32 to index
      %get3A_388 = tpu.vector_load %arg32[%get3A_387] {strides = array<i32>} : memref<10240xf32, #tpu.memory_space<vmem>>, vector<16xf32>,
      %gather3A_389 = tpu.vector_load_idx %arg17[%get3A_384] : memref<16384xf32, #tpu.memory_space<vmem>>[vector<16xi32>], vector<16xf32>,
      %gather3A_390 = tpu.vector_load_idx %arg18[%get3A_386] : memref<4096xf32, #tpu.memory_space<vmem>>[vector<16xi32>], vector<16xf32>,
      %sub3A_391 = arith.subf %get3A_388, %gather3A_389 : vector<16xf32>
      %sub3A_392 = arith.subf %sub3A_391, %gather3A_390 : vector<16xf32>
      %sub3A_393 = arith.subf %sub3A_392, %get3A_141 : vector<16xf32>
      tpu.vector_store_idx %arg19[%get3A_386], %sub3A_393 {add = true} : memref<4096xf32, #tpu.memory_space<vmem>>[vector<16xi32>], vector<16xf32>,
      %mul3A_394 = arith.constant 4 : i32
      %mul3A_395 = arith.muli %while3A_343, %mul3A_394 : i32
      %add3A_396 = arith.constant 3 : i32
      %add3A_397 = arith.addi %mul3A_395, %add3A_396 : i32
      %mul3A_398 = arith.constant 16 : i32
      %mul3A_399 = arith.muli %add3A_397, %mul3A_398 : i32
      %get3A_400 = arith.index_cast %mul3A_399 : i32 to index
      %get3A_401 = tpu.vector_load %arg28[%get3A_400] {strides = array<i32>} : memref<10240xi32, #tpu.memory_space<vmem>>, vector<16xi32>,
      %get3A_402 = arith.index_cast %mul3A_399 : i32 to index
      %get3A_403 = tpu.vector_load %arg30[%get3A_402] {strides = array<i32>} : memref<10240xi32, #tpu.memory_space<vmem>>, vector<16xi32>,
      %get3A_404 = arith.index_cast %mul3A_399 : i32 to index
      %get3A_405 = tpu.vector_load %arg32[%get3A_404] {strides = array<i32>} : memref<10240xf32, #tpu.memory_space<vmem>>, vector<16xf32>,
      %gather3A_406 = tpu.vector_load_idx %arg17[%get3A_401] : memref<16384xf32, #tpu.memory_space<vmem>>[vector<16xi32>], vector<16xf32>,
      %gather3A_407 = tpu.vector_load_idx %arg18[%get3A_403] : memref<4096xf32, #tpu.memory_space<vmem>>[vector<16xi32>], vector<16xf32>,
      %sub3A_408 = arith.subf %get3A_405, %gather3A_406 : vector<16xf32>
      %sub3A_409 = arith.subf %sub3A_408, %gather3A_407 : vector<16xf32>
      %sub3A_410 = arith.subf %sub3A_409, %get3A_141 : vector<16xf32>
      tpu.vector_store_idx %arg19[%get3A_403], %sub3A_410 {add = true} : memref<4096xf32, #tpu.memory_space<vmem>>[vector<16xi32>], vector<16xf32>,
    }
    %while3A_317 = arith.constant 1 : i32
    scf.for %while3A_343 = %while3A_315 to %while3A_311 step %while3A_317  : i32 {
      %mul3A_344 = arith.constant 4 : i32
      %mul3A_345 = arith.muli %while3A_343, %mul3A_344 : i32
      %add3A_346 = arith.constant 0 : i32
      %add3A_347 = arith.addi %mul3A_345, %add3A_346 : i32
      %mul3A_348 = arith.constant 16 : i32
      %mul3A_349 = arith.muli %add3A_347, %mul3A_348 : i32
      %get3A_350 = arith.index_cast %mul3A_349 : i32 to index
      %get3A_351 = tpu.vector_load %arg28[%get3A_350] {strides = array<i32>} : memref<10240xi32, #tpu.memory_space<vmem>>, vector<16xi32>,
      %get3A_352 = arith.index_cast %mul3A_349 : i32 to index
      %get3A_353 = tpu.vector_load %arg30[%get3A_352] {strides = array<i32>} : memref<10240xi32, #tpu.memory_space<vmem>>, vector<16xi32>,
      %get3A_354 = arith.index_cast %mul3A_349 : i32 to index
      %get3A_355 = tpu.vector_load %arg32[%get3A_354] {strides = array<i32>} : memref<10240xf32, #tpu.memory_space<vmem>>, vector<16xf32>,
      %gather3A_356 = tpu.vector_load_idx %arg17[%get3A_351] : memref<16384xf32, #tpu.memory_space<vmem>>[vector<16xi32>], vector<16xf32>,
      %gather3A_357 = tpu.vector_load_idx %arg18[%get3A_353] : memref<4096xf32, #tpu.memory_space<vmem>>[vector<16xi32>], vector<16xf32>,
      %sub3A = arith.subf %get3A_355, %gather3A_356 : vector<16xf32>
      %sub3A_358 = arith.subf %sub3A, %gather3A_357 : vector<16xf32>
      %sub3A_359 = arith.subf %sub3A_358, %get3A_141 : vector<16xf32>
      tpu.vector_store_idx %arg19[%get3A_353], %sub3A_359 {add = true} : memref<4096xf32, #tpu.memory_space<vmem>>[vector<16xi32>], vector<16xf32>,
      %mul3A_360 = arith.constant 4 : i32
      %mul3A_361 = arith.muli %while3A_343, %mul3A_360 : i32
      %add3A_362 = arith.constant 1 : i32
      %add3A_363 = arith.addi %mul3A_361, %add3A_362 : i32
      %mul3A_364 = arith.constant 16 : i32
      %mul3A_365 = arith.muli %add3A_363, %mul3A_364 : i32
      %get3A_366 = arith.index_cast %mul3A_365 : i32 to index
      %get3A_367 = tpu.vector_load %arg28[%get3A_366] {strides = array<i32>} : memref<10240xi32, #tpu.memory_space<vmem>>, vector<16xi32>,
      %get3A_368 = arith.index_cast %mul3A_365 : i32 to index
      %get3A_369 = tpu.vector_load %arg30[%get3A_368] {strides = array<i32>} : memref<10240xi32, #tpu.memory_space<vmem>>, vector<16xi32>,
      %get3A_370 = arith.index_cast %mul3A_365 : i32 to index
      %get3A_371 = tpu.vector_load %arg32[%get3A_370] {strides = array<i32>} : memref<10240xf32, #tpu.memory_space<vmem>>, vector<16xf32>,
      %gather3A_372 = tpu.vector_load_idx %arg17[%get3A_367] : memref<16384xf32, #tpu.memory_space<vmem>>[vector<16xi32>], vector<16xf32>,
      %gather3A_373 = tpu.vector_load_idx %arg18[%get3A_369] : memref<4096xf32, #tpu.memory_space<vmem>>[vector<16xi32>], vector<16xf32>,
      %sub3A_374 = arith.subf %get3A_371, %gather3A_372 : vector<16xf32>
      %sub3A_375 = arith.subf %sub3A_374, %gather3A_373 : vector<16xf32>
      %sub3A_376 = arith.subf %sub3A_375, %get3A_141 : vector<16xf32>
      tpu.vector_store_idx %arg19[%get3A_369], %sub3A_376 {add = true} : memref<4096xf32, #tpu.memory_space<vmem>>[vector<16xi32>], vector<16xf32>,
      %mul3A_377 = arith.constant 4 : i32
      %mul3A_378 = arith.muli %while3A_343, %mul3A_377 : i32
      %add3A_379 = arith.constant 2 : i32
      %add3A_380 = arith.addi %mul3A_378, %add3A_379 : i32
      %mul3A_381 = arith.constant 16 : i32
      %mul3A_382 = arith.muli %add3A_380, %mul3A_381 : i32
      %get3A_383 = arith.index_cast %mul3A_382 : i32 to index
      %get3A_384 = tpu.vector_load %arg28[%get3A_383] {strides = array<i32>} : memref<10240xi32, #tpu.memory_space<vmem>>, vector<16xi32>,
      %get3A_385 = arith.index_cast %mul3A_382 : i32 to index
      %get3A_386 = tpu.vector_load %arg30[%get3A_385] {strides = array<i32>} : memref<10240xi32, #tpu.memory_space<vmem>>, vector<16xi32>,
      %get3A_387 = arith.index_cast %mul3A_382 : i32 to index
      %get3A_388 = tpu.vector_load %arg32[%get3A_387] {strides = array<i32>} : memref<10240xf32, #tpu.memory_space<vmem>>, vector<16xf32>,
      %gather3A_389 = tpu.vector_load_idx %arg17[%get3A_384] : memref<16384xf32, #tpu.memory_space<vmem>>[vector<16xi32>], vector<16xf32>,
      %gather3A_390 = tpu.vector_load_idx %arg18[%get3A_386] : memref<4096xf32, #tpu.memory_space<vmem>>[vector<16xi32>], vector<16xf32>,
      %sub3A_391 = arith.subf %get3A_388, %gather3A_389 : vector<16xf32>
      %sub3A_392 = arith.subf %sub3A_391, %gather3A_390 : vector<16xf32>
      %sub3A_393 = arith.subf %sub3A_392, %get3A_141 : vector<16xf32>
      tpu.vector_store_idx %arg19[%get3A_386], %sub3A_393 {add = true} : memref<4096xf32, #tpu.memory_space<vmem>>[vector<16xi32>], vector<16xf32>,
      %mul3A_394 = arith.constant 4 : i32
      %mul3A_395 = arith.muli %while3A_343, %mul3A_394 : i32
      %add3A_396 = arith.constant 3 : i32
      %add3A_397 = arith.addi %mul3A_395, %add3A_396 : i32
      %mul3A_398 = arith.constant 16 : i32
      %mul3A_399 = arith.muli %add3A_397, %mul3A_398 : i32
      %get3A_400 = arith.index_cast %mul3A_399 : i32 to index
      %get3A_401 = tpu.vector_load %arg28[%get3A_400] {strides = array<i32>} : memref<10240xi32, #tpu.memory_space<vmem>>, vector<16xi32>,
      %get3A_402 = arith.index_cast %mul3A_399 : i32 to index
      %get3A_403 = tpu.vector_load %arg30[%get3A_402] {strides = array<i32>} : memref<10240xi32, #tpu.memory_space<vmem>>, vector<16xi32>,
      %get3A_404 = arith.index_cast %mul3A_399 : i32 to index
      %get3A_405 = tpu.vector_load %arg32[%get3A_404] {strides = array<i32>} : memref<10240xf32, #tpu.memory_space<vmem>>, vector<16xf32>,
      %gather3A_406 = tpu.vector_load_idx %arg17[%get3A_401] : memref<16384xf32, #tpu.memory_space<vmem>>[vector<16xi32>], vector<16xf32>,
      %gather3A_407 = tpu.vector_load_idx %arg18[%get3A_403] : memref<4096xf32, #tpu.memory_space<vmem>>[vector<16xi32>], vector<16xf32>,
      %sub3A_408 = arith.subf %get3A_405, %gather3A_406 : vector<16xf32>
      %sub3A_409 = arith.subf %sub3A_408, %gather3A_407 : vector<16xf32>
      %sub3A_410 = arith.subf %sub3A_409, %get3A_141 : vector<16xf32>
      tpu.vector_store_idx %arg19[%get3A_403], %sub3A_410 {add = true} : memref<4096xf32, #tpu.memory_space<vmem>>[vector<16xi32>], vector<16xf32>,
    }
    %while3A_318 = arith.constant 0 : i32
    %while3A_319 = arith.constant 32 : i32
    %while3A_320 = arith.constant 33 : i32
    %while3A_321 = arith.subi %while3A_320, %while3A_319 : i32
    %while3A_322 = arith.addi %while3A_319, %while3A_321 : i32
    %while3A_323 = arith.constant 1 : i32
    %while3A_324 = arith.divsi %while3A_321, %while3A_323 : i32
    %while3A_325 = arith.muli %while3A_324, %while3A_323 : i32
    %while3A_326 = arith.addi %while3A_319, %while3A_325 : i32
    %while3A_327 = arith.constant 1 : i32
    scf.for %while3A_343 = %while3A_319 to %while3A_326 step %while3A_327  : i32 {
      %mul3A_344 = arith.constant 16 : i32
      %mul3A_345 = arith.muli %while3A_343, %mul3A_344 : i32
      %get3A_346 = arith.index_cast %mul3A_345 : i32 to index
      %get3A_347 = tpu.vector_load %arg28[%get3A_346] {strides = array<i32>} : memref<10240xi32, #tpu.memory_space<vmem>>, vector<16xi32>,
      %get3A_348 = arith.index_cast %mul3A_345 : i32 to index
      %get3A_349 = tpu.vector_load %arg30[%get3A_348] {strides = array<i32>} : memref<10240xi32, #tpu.memory_space<vmem>>, vector<16xi32>,
      %get3A_350 = arith.index_cast %mul3A_345 : i32 to index
      %get3A_351 = tpu.vector_load %arg32[%get3A_350] {strides = array<i32>} : memref<10240xf32, #tpu.memory_space<vmem>>, vector<16xf32>,
      %gather3A_352 = tpu.vector_load_idx %arg17[%get3A_347] : memref<16384xf32, #tpu.memory_space<vmem>>[vector<16xi32>], vector<16xf32>,
      %gather3A_353 = tpu.vector_load_idx %arg18[%get3A_349] : memref<4096xf32, #tpu.memory_space<vmem>>[vector<16xi32>], vector<16xf32>,
      %sub3A = arith.subf %get3A_351, %gather3A_352 : vector<16xf32>
      %sub3A_354 = arith.subf %sub3A, %gather3A_353 : vector<16xf32>
      %sub3A_355 = arith.subf %sub3A_354, %get3A_141 : vector<16xf32>
      tpu.vector_store_idx %arg19[%get3A_349], %sub3A_355 {add = true} : memref<4096xf32, #tpu.memory_space<vmem>>[vector<16xi32>], vector<16xf32>,
    }
    %while3A_328 = arith.constant 1 : i32
    scf.for %while3A_343 = %while3A_326 to %while3A_322 step %while3A_328  : i32 {
      %mul3A_344 = arith.constant 16 : i32
      %mul3A_345 = arith.muli %while3A_343, %mul3A_344 : i32
      %get3A_346 = arith.index_cast %mul3A_345 : i32 to index
      %get3A_347 = tpu.vector_load %arg28[%get3A_346] {strides = array<i32>} : memref<10240xi32, #tpu.memory_space<vmem>>, vector<16xi32>,
      %get3A_348 = arith.index_cast %mul3A_345 : i32 to index
      %get3A_349 = tpu.vector_load %arg30[%get3A_348] {strides = array<i32>} : memref<10240xi32, #tpu.memory_space<vmem>>, vector<16xi32>,
      %get3A_350 = arith.index_cast %mul3A_345 : i32 to index
      %get3A_351 = tpu.vector_load %arg32[%get3A_350] {strides = array<i32>} : memref<10240xf32, #tpu.memory_space<vmem>>, vector<16xf32>,
      %gather3A_352 = tpu.vector_load_idx %arg17[%get3A_347] : memref<16384xf32, #tpu.memory_space<vmem>>[vector<16xi32>], vector<16xf32>,
      %gather3A_353 = tpu.vector_load_idx %arg18[%get3A_349] : memref<4096xf32, #tpu.memory_space<vmem>>[vector<16xi32>], vector<16xf32>,
      %sub3A = arith.subf %get3A_351, %gather3A_352 : vector<16xf32>
      %sub3A_354 = arith.subf %sub3A, %gather3A_353 : vector<16xf32>
      %sub3A_355 = arith.subf %sub3A_354, %get3A_141 : vector<16xf32>
      tpu.vector_store_idx %arg19[%get3A_349], %sub3A_355 {add = true} : memref<4096xf32, #tpu.memory_space<vmem>>[vector<16xi32>], vector<16xf32>,
    }
    %eq3A = arith.constant 0 : i32
    %eq3A_329 = arith.cmpi eq, %add3A, %eq3A : i32
    %convert_element_type3A = arith.extui %eq3A_329 : i1 to i32
    %cond3A = arith.constant 0 : i32
    %cond3A_330 = arith.cmpi ne, %convert_element_type3A, %cond3A : i32
    scf.if %cond3A_330 {
      "tpu.region"() ({
        %run_scoped3A = tpu.sem_alloc : memref<!tpu.dma_semaphore, #tpu.memory_space<semaphore_mem>>
        %dma_start3A_354 = arith.constant 0 : i32
        %dma_start3A_355 = tpu.memref_slice %arg27[%dma_start3A_354] : memref<10240xi32, #tpu.memory_space<vmem>> -> memref<64xi32, #tpu.memory_space<vmem>>
        %dma_start3A_356 = arith.constant 999936 : i32
        %dma_start3A_357 = tpu.memref_slice %arg4[%dma_start3A_356] : memref<1000000xi32, #tpu.memory_space<hbm>> -> memref<64xi32, #tpu.memory_space<hbm>>
        %dma_start3A_358 = arith.constant 0 : i32
        %dma_start3A_359 = tpu.memref_slice %arg27[%dma_start3A_358] : memref<10240xi32, #tpu.memory_space<vmem>> -> memref<64xi32, #tpu.memory_space<vmem>>
        %dma_start3A_360 = arith.constant 999936 : i32
        %dma_start3A_361 = tpu.memref_slice %arg4[%dma_start3A_360] : memref<1000000xi32, #tpu.memory_space<hbm>> -> memref<64xi32, #tpu.memory_space<hbm>>
        tpu.enqueue_dma source(%dma_start3A_361 : memref<64xi32, #tpu.memory_space<hbm>>) target(%dma_start3A_359 : memref<64xi32, #tpu.memory_space<vmem>>) target_semaphore(%run_scoped3A : memref<!tpu.dma_semaphore, #tpu.memory_space<semaphore_mem>>)
        %dma_wait3A_362 = arith.constant 0 : i32
        %dma_wait3A_363 = tpu.memref_slice %arg27[%dma_wait3A_362] : memref<10240xi32, #tpu.memory_space<vmem>> -> memref<64xi32, #tpu.memory_space<vmem>>
        %dma_wait3A_364 = arith.constant 999936 : i32
        %dma_wait3A_365 = tpu.memref_slice %arg4[%dma_wait3A_364] : memref<1000000xi32, #tpu.memory_space<hbm>> -> memref<64xi32, #tpu.memory_space<hbm>>
        %dma_wait3A_366 = arith.constant 0 : i32
        %dma_wait3A_367 = tpu.memref_slice %arg27[%dma_wait3A_366] : memref<10240xi32, #tpu.memory_space<vmem>> -> memref<64xi32, #tpu.memory_space<vmem>>
        %dma_wait3A_368 = arith.constant 999936 : i32
        %dma_wait3A_369 = tpu.memref_slice %arg4[%dma_wait3A_368] : memref<1000000xi32, #tpu.memory_space<hbm>> -> memref<64xi32, #tpu.memory_space<hbm>>
        tpu.wait_dma2 semaphore(%run_scoped3A : memref<!tpu.dma_semaphore, #tpu.memory_space<semaphore_mem>>) src(%dma_wait3A_369 : memref<64xi32, #tpu.memory_space<hbm>>) dst(%dma_wait3A_367 : memref<64xi32, #tpu.memory_space<vmem>>)
        tpu.yield
      }) : () -> ()
      "tpu.region"() ({
        %run_scoped3A = tpu.sem_alloc : memref<!tpu.dma_semaphore, #tpu.memory_space<semaphore_mem>>
        %dma_start3A_354 = arith.constant 0 : i32
        %dma_start3A_355 = tpu.memref_slice %arg29[%dma_start3A_354] : memref<10240xi32, #tpu.memory_space<vmem>> -> memref<64xi32, #tpu.memory_space<vmem>>
        %dma_start3A_356 = arith.constant 999936 : i32
        %dma_start3A_357 = tpu.memref_slice %arg5[%dma_start3A_356] : memref<1000000xi32, #tpu.memory_space<hbm>> -> memref<64xi32, #tpu.memory_space<hbm>>
        %dma_start3A_358 = arith.constant 0 : i32
        %dma_start3A_359 = tpu.memref_slice %arg29[%dma_start3A_358] : memref<10240xi32, #tpu.memory_space<vmem>> -> memref<64xi32, #tpu.memory_space<vmem>>
        %dma_start3A_360 = arith.constant 999936 : i32
        %dma_start3A_361 = tpu.memref_slice %arg5[%dma_start3A_360] : memref<1000000xi32, #tpu.memory_space<hbm>> -> memref<64xi32, #tpu.memory_space<hbm>>
        tpu.enqueue_dma source(%dma_start3A_361 : memref<64xi32, #tpu.memory_space<hbm>>) target(%dma_start3A_359 : memref<64xi32, #tpu.memory_space<vmem>>) target_semaphore(%run_scoped3A : memref<!tpu.dma_semaphore, #tpu.memory_space<semaphore_mem>>)
        %dma_wait3A_362 = arith.constant 0 : i32
        %dma_wait3A_363 = tpu.memref_slice %arg29[%dma_wait3A_362] : memref<10240xi32, #tpu.memory_space<vmem>> -> memref<64xi32, #tpu.memory_space<vmem>>
        %dma_wait3A_364 = arith.constant 999936 : i32
        %dma_wait3A_365 = tpu.memref_slice %arg5[%dma_wait3A_364] : memref<1000000xi32, #tpu.memory_space<hbm>> -> memref<64xi32, #tpu.memory_space<hbm>>
        %dma_wait3A_366 = arith.constant 0 : i32
        %dma_wait3A_367 = tpu.memref_slice %arg29[%dma_wait3A_366] : memref<10240xi32, #tpu.memory_space<vmem>> -> memref<64xi32, #tpu.memory_space<vmem>>
        %dma_wait3A_368 = arith.constant 999936 : i32
        %dma_wait3A_369 = tpu.memref_slice %arg5[%dma_wait3A_368] : memref<1000000xi32, #tpu.memory_space<hbm>> -> memref<64xi32, #tpu.memory_space<hbm>>
        tpu.wait_dma2 semaphore(%run_scoped3A : memref<!tpu.dma_semaphore, #tpu.memory_space<semaphore_mem>>) src(%dma_wait3A_369 : memref<64xi32, #tpu.memory_space<hbm>>) dst(%dma_wait3A_367 : memref<64xi32, #tpu.memory_space<vmem>>)
        tpu.yield
      }) : () -> ()
      "tpu.region"() ({
        %run_scoped3A = tpu.sem_alloc : memref<!tpu.dma_semaphore, #tpu.memory_space<semaphore_mem>>
        %dma_start3A_354 = arith.constant 0 : i32
        %dma_start3A_355 = tpu.memref_slice %arg31[%dma_start3A_354] : memref<10240xf32, #tpu.memory_space<vmem>> -> memref<64xf32, #tpu.memory_space<vmem>>
        %dma_start3A_356 = arith.constant 999936 : i32
        %dma_start3A_357 = tpu.memref_slice %arg6[%dma_start3A_356] : memref<1000000xf32, #tpu.memory_space<hbm>> -> memref<64xf32, #tpu.memory_space<hbm>>
        %dma_start3A_358 = arith.constant 0 : i32
        %dma_start3A_359 = tpu.memref_slice %arg31[%dma_start3A_358] : memref<10240xf32, #tpu.memory_space<vmem>> -> memref<64xf32, #tpu.memory_space<vmem>>
        %dma_start3A_360 = arith.constant 999936 : i32
        %dma_start3A_361 = tpu.memref_slice %arg6[%dma_start3A_360] : memref<1000000xf32, #tpu.memory_space<hbm>> -> memref<64xf32, #tpu.memory_space<hbm>>
        tpu.enqueue_dma source(%dma_start3A_361 : memref<64xf32, #tpu.memory_space<hbm>>) target(%dma_start3A_359 : memref<64xf32, #tpu.memory_space<vmem>>) target_semaphore(%run_scoped3A : memref<!tpu.dma_semaphore, #tpu.memory_space<semaphore_mem>>)
        %dma_wait3A_362 = arith.constant 0 : i32
        %dma_wait3A_363 = tpu.memref_slice %arg31[%dma_wait3A_362] : memref<10240xf32, #tpu.memory_space<vmem>> -> memref<64xf32, #tpu.memory_space<vmem>>
        %dma_wait3A_364 = arith.constant 999936 : i32
        %dma_wait3A_365 = tpu.memref_slice %arg6[%dma_wait3A_364] : memref<1000000xf32, #tpu.memory_space<hbm>> -> memref<64xf32, #tpu.memory_space<hbm>>
        %dma_wait3A_366 = arith.constant 0 : i32
        %dma_wait3A_367 = tpu.memref_slice %arg31[%dma_wait3A_366] : memref<10240xf32, #tpu.memory_space<vmem>> -> memref<64xf32, #tpu.memory_space<vmem>>
        %dma_wait3A_368 = arith.constant 999936 : i32
        %dma_wait3A_369 = tpu.memref_slice %arg6[%dma_wait3A_368] : memref<1000000xf32, #tpu.memory_space<hbm>> -> memref<64xf32, #tpu.memory_space<hbm>>
        tpu.wait_dma2 semaphore(%run_scoped3A : memref<!tpu.dma_semaphore, #tpu.memory_space<semaphore_mem>>) src(%dma_wait3A_369 : memref<64xf32, #tpu.memory_space<hbm>>) dst(%dma_wait3A_367 : memref<64xf32, #tpu.memory_space<vmem>>)
        tpu.yield
      }) : () -> ()
      %while3A_343 = arith.constant 0 : i32
      %while3A_344 = arith.constant 0 : i32
      %while3A_345 = arith.constant 1 : i32
      %while3A_346 = arith.subi %while3A_345, %while3A_344 : i32
      %while3A_347 = arith.addi %while3A_344, %while3A_346 : i32
      %while3A_348 = arith.constant 1 : i32
      %while3A_349 = arith.divsi %while3A_346, %while3A_348 : i32
      %while3A_350 = arith.muli %while3A_349, %while3A_348 : i32
      %while3A_351 = arith.addi %while3A_344, %while3A_350 : i32
      %while3A_352 = arith.constant 1 : i32
      scf.for %while3A_354 = %while3A_344 to %while3A_351 step %while3A_352  : i32 {
        %mul3A_355 = arith.constant 4 : i32
        %mul3A_356 = arith.muli %while3A_354, %mul3A_355 : i32
        %add3A_357 = arith.constant 0 : i32
        %add3A_358 = arith.addi %mul3A_356, %add3A_357 : i32
        %mul3A_359 = arith.constant 16 : i32
        %mul3A_360 = arith.muli %add3A_358, %mul3A_359 : i32
        %get3A_361 = arith.index_cast %mul3A_360 : i32 to index
        %get3A_362 = tpu.vector_load %arg27[%get3A_361] {strides = array<i32>} : memref<10240xi32, #tpu.memory_space<vmem>>, vector<16xi32>,
        %get3A_363 = arith.index_cast %mul3A_360 : i32 to index
        %get3A_364 = tpu.vector_load %arg29[%get3A_363] {strides = array<i32>} : memref<10240xi32, #tpu.memory_space<vmem>>, vector<16xi32>,
        %get3A_365 = arith.index_cast %mul3A_360 : i32 to index
        %get3A_366 = tpu.vector_load %arg31[%get3A_365] {strides = array<i32>} : memref<10240xf32, #tpu.memory_space<vmem>>, vector<16xf32>,
        %gather3A_367 = tpu.vector_load_idx %arg17[%get3A_362] : memref<16384xf32, #tpu.memory_space<vmem>>[vector<16xi32>], vector<16xf32>,
        %gather3A_368 = tpu.vector_load_idx %arg18[%get3A_364] : memref<4096xf32, #tpu.memory_space<vmem>>[vector<16xi32>], vector<16xf32>,
        %sub3A = arith.subf %get3A_366, %gather3A_367 : vector<16xf32>
        %sub3A_369 = arith.subf %sub3A, %gather3A_368 : vector<16xf32>
        %sub3A_370 = arith.subf %sub3A_369, %get3A_141 : vector<16xf32>
        tpu.vector_store_idx %arg19[%get3A_364], %sub3A_370 {add = true} : memref<4096xf32, #tpu.memory_space<vmem>>[vector<16xi32>], vector<16xf32>,
        %mul3A_371 = arith.constant 4 : i32
        %mul3A_372 = arith.muli %while3A_354, %mul3A_371 : i32
        %add3A_373 = arith.constant 1 : i32
        %add3A_374 = arith.addi %mul3A_372, %add3A_373 : i32
        %mul3A_375 = arith.constant 16 : i32
        %mul3A_376 = arith.muli %add3A_374, %mul3A_375 : i32
        %get3A_377 = arith.index_cast %mul3A_376 : i32 to index
        %get3A_378 = tpu.vector_load %arg27[%get3A_377] {strides = array<i32>} : memref<10240xi32, #tpu.memory_space<vmem>>, vector<16xi32>,
        %get3A_379 = arith.index_cast %mul3A_376 : i32 to index
        %get3A_380 = tpu.vector_load %arg29[%get3A_379] {strides = array<i32>} : memref<10240xi32, #tpu.memory_space<vmem>>, vector<16xi32>,
        %get3A_381 = arith.index_cast %mul3A_376 : i32 to index
        %get3A_382 = tpu.vector_load %arg31[%get3A_381] {strides = array<i32>} : memref<10240xf32, #tpu.memory_space<vmem>>, vector<16xf32>,
        %gather3A_383 = tpu.vector_load_idx %arg17[%get3A_378] : memref<16384xf32, #tpu.memory_space<vmem>>[vector<16xi32>], vector<16xf32>,
        %gather3A_384 = tpu.vector_load_idx %arg18[%get3A_380] : memref<4096xf32, #tpu.memory_space<vmem>>[vector<16xi32>], vector<16xf32>,
        %sub3A_385 = arith.subf %get3A_382, %gather3A_383 : vector<16xf32>
        %sub3A_386 = arith.subf %sub3A_385, %gather3A_384 : vector<16xf32>
        %sub3A_387 = arith.subf %sub3A_386, %get3A_141 : vector<16xf32>
        tpu.vector_store_idx %arg19[%get3A_380], %sub3A_387 {add = true} : memref<4096xf32, #tpu.memory_space<vmem>>[vector<16xi32>], vector<16xf32>,
        %mul3A_388 = arith.constant 4 : i32
        %mul3A_389 = arith.muli %while3A_354, %mul3A_388 : i32
        %add3A_390 = arith.constant 2 : i32
        %add3A_391 = arith.addi %mul3A_389, %add3A_390 : i32
        %mul3A_392 = arith.constant 16 : i32
        %mul3A_393 = arith.muli %add3A_391, %mul3A_392 : i32
        %get3A_394 = arith.index_cast %mul3A_393 : i32 to index
        %get3A_395 = tpu.vector_load %arg27[%get3A_394] {strides = array<i32>} : memref<10240xi32, #tpu.memory_space<vmem>>, vector<16xi32>,
        %get3A_396 = arith.index_cast %mul3A_393 : i32 to index
        %get3A_397 = tpu.vector_load %arg29[%get3A_396] {strides = array<i32>} : memref<10240xi32, #tpu.memory_space<vmem>>, vector<16xi32>,
        %get3A_398 = arith.index_cast %mul3A_393 : i32 to index
        %get3A_399 = tpu.vector_load %arg31[%get3A_398] {strides = array<i32>} : memref<10240xf32, #tpu.memory_space<vmem>>, vector<16xf32>,
        %gather3A_400 = tpu.vector_load_idx %arg17[%get3A_395] : memref<16384xf32, #tpu.memory_space<vmem>>[vector<16xi32>], vector<16xf32>,
        %gather3A_401 = tpu.vector_load_idx %arg18[%get3A_397] : memref<4096xf32, #tpu.memory_space<vmem>>[vector<16xi32>], vector<16xf32>,
        %sub3A_402 = arith.subf %get3A_399, %gather3A_400 : vector<16xf32>
        %sub3A_403 = arith.subf %sub3A_402, %gather3A_401 : vector<16xf32>
        %sub3A_404 = arith.subf %sub3A_403, %get3A_141 : vector<16xf32>
        tpu.vector_store_idx %arg19[%get3A_397], %sub3A_404 {add = true} : memref<4096xf32, #tpu.memory_space<vmem>>[vector<16xi32>], vector<16xf32>,
        %mul3A_405 = arith.constant 4 : i32
        %mul3A_406 = arith.muli %while3A_354, %mul3A_405 : i32
        %add3A_407 = arith.constant 3 : i32
        %add3A_408 = arith.addi %mul3A_406, %add3A_407 : i32
        %mul3A_409 = arith.constant 16 : i32
        %mul3A_410 = arith.muli %add3A_408, %mul3A_409 : i32
        %get3A_411 = arith.index_cast %mul3A_410 : i32 to index
        %get3A_412 = tpu.vector_load %arg27[%get3A_411] {strides = array<i32>} : memref<10240xi32, #tpu.memory_space<vmem>>, vector<16xi32>,
        %get3A_413 = arith.index_cast %mul3A_410 : i32 to index
        %get3A_414 = tpu.vector_load %arg29[%get3A_413] {strides = array<i32>} : memref<10240xi32, #tpu.memory_space<vmem>>, vector<16xi32>,
        %get3A_415 = arith.index_cast %mul3A_410 : i32 to index
        %get3A_416 = tpu.vector_load %arg31[%get3A_415] {strides = array<i32>} : memref<10240xf32, #tpu.memory_space<vmem>>, vector<16xf32>,
        %gather3A_417 = tpu.vector_load_idx %arg17[%get3A_412] : memref<16384xf32, #tpu.memory_space<vmem>>[vector<16xi32>], vector<16xf32>,
        %gather3A_418 = tpu.vector_load_idx %arg18[%get3A_414] : memref<4096xf32, #tpu.memory_space<vmem>>[vector<16xi32>], vector<16xf32>,
        %sub3A_419 = arith.subf %get3A_416, %gather3A_417 : vector<16xf32>
        %sub3A_420 = arith.subf %sub3A_419, %gather3A_418 : vector<16xf32>
        %sub3A_421 = arith.subf %sub3A_420, %get3A_141 : vector<16xf32>
        tpu.vector_store_idx %arg19[%get3A_414], %sub3A_421 {add = true} : memref<4096xf32, #tpu.memory_space<vmem>>[vector<16xi32>], vector<16xf32>,
      }
      %while3A_353 = arith.constant 1 : i32
      scf.for %while3A_354 = %while3A_351 to %while3A_347 step %while3A_353  : i32 {
        %mul3A_355 = arith.constant 4 : i32
        %mul3A_356 = arith.muli %while3A_354, %mul3A_355 : i32
        %add3A_357 = arith.constant 0 : i32
        %add3A_358 = arith.addi %mul3A_356, %add3A_357 : i32
        %mul3A_359 = arith.constant 16 : i32
        %mul3A_360 = arith.muli %add3A_358, %mul3A_359 : i32
        %get3A_361 = arith.index_cast %mul3A_360 : i32 to index
        %get3A_362 = tpu.vector_load %arg27[%get3A_361] {strides = array<i32>} : memref<10240xi32, #tpu.memory_space<vmem>>, vector<16xi32>,
        %get3A_363 = arith.index_cast %mul3A_360 : i32 to index
        %get3A_364 = tpu.vector_load %arg29[%get3A_363] {strides = array<i32>} : memref<10240xi32, #tpu.memory_space<vmem>>, vector<16xi32>,
        %get3A_365 = arith.index_cast %mul3A_360 : i32 to index
        %get3A_366 = tpu.vector_load %arg31[%get3A_365] {strides = array<i32>} : memref<10240xf32, #tpu.memory_space<vmem>>, vector<16xf32>,
        %gather3A_367 = tpu.vector_load_idx %arg17[%get3A_362] : memref<16384xf32, #tpu.memory_space<vmem>>[vector<16xi32>], vector<16xf32>,
        %gather3A_368 = tpu.vector_load_idx %arg18[%get3A_364] : memref<4096xf32, #tpu.memory_space<vmem>>[vector<16xi32>], vector<16xf32>,
        %sub3A = arith.subf %get3A_366, %gather3A_367 : vector<16xf32>
        %sub3A_369 = arith.subf %sub3A, %gather3A_368 : vector<16xf32>
        %sub3A_370 = arith.subf %sub3A_369, %get3A_141 : vector<16xf32>
        tpu.vector_store_idx %arg19[%get3A_364], %sub3A_370 {add = true} : memref<4096xf32, #tpu.memory_space<vmem>>[vector<16xi32>], vector<16xf32>,
        %mul3A_371 = arith.constant 4 : i32
        %mul3A_372 = arith.muli %while3A_354, %mul3A_371 : i32
        %add3A_373 = arith.constant 1 : i32
        %add3A_374 = arith.addi %mul3A_372, %add3A_373 : i32
        %mul3A_375 = arith.constant 16 : i32
        %mul3A_376 = arith.muli %add3A_374, %mul3A_375 : i32
        %get3A_377 = arith.index_cast %mul3A_376 : i32 to index
        %get3A_378 = tpu.vector_load %arg27[%get3A_377] {strides = array<i32>} : memref<10240xi32, #tpu.memory_space<vmem>>, vector<16xi32>,
        %get3A_379 = arith.index_cast %mul3A_376 : i32 to index
        %get3A_380 = tpu.vector_load %arg29[%get3A_379] {strides = array<i32>} : memref<10240xi32, #tpu.memory_space<vmem>>, vector<16xi32>,
        %get3A_381 = arith.index_cast %mul3A_376 : i32 to index
        %get3A_382 = tpu.vector_load %arg31[%get3A_381] {strides = array<i32>} : memref<10240xf32, #tpu.memory_space<vmem>>, vector<16xf32>,
        %gather3A_383 = tpu.vector_load_idx %arg17[%get3A_378] : memref<16384xf32, #tpu.memory_space<vmem>>[vector<16xi32>], vector<16xf32>,
        %gather3A_384 = tpu.vector_load_idx %arg18[%get3A_380] : memref<4096xf32, #tpu.memory_space<vmem>>[vector<16xi32>], vector<16xf32>,
        %sub3A_385 = arith.subf %get3A_382, %gather3A_383 : vector<16xf32>
        %sub3A_386 = arith.subf %sub3A_385, %gather3A_384 : vector<16xf32>
        %sub3A_387 = arith.subf %sub3A_386, %get3A_141 : vector<16xf32>
        tpu.vector_store_idx %arg19[%get3A_380], %sub3A_387 {add = true} : memref<4096xf32, #tpu.memory_space<vmem>>[vector<16xi32>], vector<16xf32>,
        %mul3A_388 = arith.constant 4 : i32
        %mul3A_389 = arith.muli %while3A_354, %mul3A_388 : i32
        %add3A_390 = arith.constant 2 : i32
        %add3A_391 = arith.addi %mul3A_389, %add3A_390 : i32
        %mul3A_392 = arith.constant 16 : i32
        %mul3A_393 = arith.muli %add3A_391, %mul3A_392 : i32
        %get3A_394 = arith.index_cast %mul3A_393 : i32 to index
        %get3A_395 = tpu.vector_load %arg27[%get3A_394] {strides = array<i32>} : memref<10240xi32, #tpu.memory_space<vmem>>, vector<16xi32>,
        %get3A_396 = arith.index_cast %mul3A_393 : i32 to index
        %get3A_397 = tpu.vector_load %arg29[%get3A_396] {strides = array<i32>} : memref<10240xi32, #tpu.memory_space<vmem>>, vector<16xi32>,
        %get3A_398 = arith.index_cast %mul3A_393 : i32 to index
        %get3A_399 = tpu.vector_load %arg31[%get3A_398] {strides = array<i32>} : memref<10240xf32, #tpu.memory_space<vmem>>, vector<16xf32>,
        %gather3A_400 = tpu.vector_load_idx %arg17[%get3A_395] : memref<16384xf32, #tpu.memory_space<vmem>>[vector<16xi32>], vector<16xf32>,
        %gather3A_401 = tpu.vector_load_idx %arg18[%get3A_397] : memref<4096xf32, #tpu.memory_space<vmem>>[vector<16xi32>], vector<16xf32>,
        %sub3A_402 = arith.subf %get3A_399, %gather3A_400 : vector<16xf32>
        %sub3A_403 = arith.subf %sub3A_402, %gather3A_401 : vector<16xf32>
        %sub3A_404 = arith.subf %sub3A_403, %get3A_141 : vector<16xf32>
        tpu.vector_store_idx %arg19[%get3A_397], %sub3A_404 {add = true} : memref<4096xf32, #tpu.memory_space<vmem>>[vector<16xi32>], vector<16xf32>,
        %mul3A_405 = arith.constant 4 : i32
        %mul3A_406 = arith.muli %while3A_354, %mul3A_405 : i32
        %add3A_407 = arith.constant 3 : i32
        %add3A_408 = arith.addi %mul3A_406, %add3A_407 : i32
        %mul3A_409 = arith.constant 16 : i32
        %mul3A_410 = arith.muli %add3A_408, %mul3A_409 : i32
        %get3A_411 = arith.index_cast %mul3A_410 : i32 to index
        %get3A_412 = tpu.vector_load %arg27[%get3A_411] {strides = array<i32>} : memref<10240xi32, #tpu.memory_space<vmem>>, vector<16xi32>,
        %get3A_413 = arith.index_cast %mul3A_410 : i32 to index
        %get3A_414 = tpu.vector_load %arg29[%get3A_413] {strides = array<i32>} : memref<10240xi32, #tpu.memory_space<vmem>>, vector<16xi32>,
        %get3A_415 = arith.index_cast %mul3A_410 : i32 to index
        %get3A_416 = tpu.vector_load %arg31[%get3A_415] {strides = array<i32>} : memref<10240xf32, #tpu.memory_space<vmem>>, vector<16xf32>,
        %gather3A_417 = tpu.vector_load_idx %arg17[%get3A_412] : memref<16384xf32, #tpu.memory_space<vmem>>[vector<16xi32>], vector<16xf32>,
        %gather3A_418 = tpu.vector_load_idx %arg18[%get3A_414] : memref<4096xf32, #tpu.memory_space<vmem>>[vector<16xi32>], vector<16xf32>,
        %sub3A_419 = arith.subf %get3A_416, %gather3A_417 : vector<16xf32>
        %sub3A_420 = arith.subf %sub3A_419, %gather3A_418 : vector<16xf32>
        %sub3A_421 = arith.subf %sub3A_420, %get3A_141 : vector<16xf32>
        tpu.vector_store_idx %arg19[%get3A_414], %sub3A_421 {add = true} : memref<4096xf32, #tpu.memory_space<vmem>>[vector<16xi32>], vector<16xf32>,
      }
    } else {
    }
    "tpu.region"() ({
      %run_scoped3A = tpu.sem_alloc : memref<!tpu.dma_semaphore, #tpu.memory_space<semaphore_mem>>
      %dma_start3A_343 = arith.constant 0 : i32
      %dma_start3A_344 = tpu.memref_slice %arg12[%add3A, %dma_start3A_343] : memref<32x4096xf32, #tpu.memory_space<hbm>> -> memref<1x4096xf32, #tpu.memory_space<hbm>>
      %dma_start3A_345 = tpu.memref_squeeze %dma_start3A_344 : memref<1x4096xf32, #tpu.memory_space<hbm>> -> memref<4096xf32, #tpu.memory_space<hbm>>
      %dma_start3A_346 = arith.constant 0 : i32
      %dma_start3A_347 = tpu.memref_slice %arg12[%add3A, %dma_start3A_346] : memref<32x4096xf32, #tpu.memory_space<hbm>> -> memref<1x4096xf32, #tpu.memory_space<hbm>>
      %dma_start3A_348 = tpu.memref_squeeze %dma_start3A_347 : memref<1x4096xf32, #tpu.memory_space<hbm>> -> memref<4096xf32, #tpu.memory_space<hbm>>
      tpu.enqueue_dma source(%arg19 : memref<4096xf32, #tpu.memory_space<vmem>>) target(%dma_start3A_348 : memref<4096xf32, #tpu.memory_space<hbm>>) target_semaphore(%run_scoped3A : memref<!tpu.dma_semaphore, #tpu.memory_space<semaphore_mem>>)
      %dma_wait3A_349 = arith.constant 0 : i32
      %dma_wait3A_350 = tpu.memref_slice %arg12[%add3A, %dma_wait3A_349] : memref<32x4096xf32, #tpu.memory_space<hbm>> -> memref<1x4096xf32, #tpu.memory_space<hbm>>
      %dma_wait3A_351 = tpu.memref_squeeze %dma_wait3A_350 : memref<1x4096xf32, #tpu.memory_space<hbm>> -> memref<4096xf32, #tpu.memory_space<hbm>>
      %dma_wait3A_352 = arith.constant 0 : i32
      %dma_wait3A_353 = tpu.memref_slice %arg12[%add3A, %dma_wait3A_352] : memref<32x4096xf32, #tpu.memory_space<hbm>> -> memref<1x4096xf32, #tpu.memory_space<hbm>>
      %dma_wait3A_354 = tpu.memref_squeeze %dma_wait3A_353 : memref<1x4096xf32, #tpu.memory_space<hbm>> -> memref<4096xf32, #tpu.memory_space<hbm>>
      tpu.wait_dma2 semaphore(%run_scoped3A : memref<!tpu.dma_semaphore, #tpu.memory_space<semaphore_mem>>) src(%arg19 : memref<4096xf32, #tpu.memory_space<vmem>>) dst(%dma_wait3A_354 : memref<4096xf32, #tpu.memory_space<hbm>>)
      tpu.yield
    }) : () -> ()
    %dma_wait3A_331 = tpu.memref_slice %arg13[%mul3A_2] : memref<4096xf32, #tpu.memory_space<hbm>> -> memref<128xf32, #tpu.memory_space<hbm>>
    %dma_wait3A_332 = tpu.memref_slice %arg13[%mul3A_2] : memref<4096xf32, #tpu.memory_space<hbm>> -> memref<128xf32, #tpu.memory_space<hbm>>
    tpu.wait_dma2 semaphore(%arg33 : memref<!tpu.dma_semaphore, #tpu.memory_space<semaphore_mem>>) src(%arg25 : memref<128xf32, #tpu.memory_space<vmem>>) dst(%dma_wait3A_332 : memref<128xf32, #tpu.memory_space<hbm>>)
    %dma_wait3A_333 = tpu.memref_slice %arg14[%mul3A_2] : memref<4096xf32, #tpu.memory_space<hbm>> -> memref<128xf32, #tpu.memory_space<hbm>>
    %dma_wait3A_334 = tpu.memref_slice %arg14[%mul3A_2] : memref<4096xf32, #tpu.memory_space<hbm>> -> memref<128xf32, #tpu.memory_space<hbm>>
    tpu.wait_dma2 semaphore(%arg33 : memref<!tpu.dma_semaphore, #tpu.memory_space<semaphore_mem>>) src(%arg26 : memref<128xf32, #tpu.memory_space<vmem>>) dst(%dma_wait3A_334 : memref<128xf32, #tpu.memory_space<hbm>>)
    %dma_wait3A_335 = arith.constant 0 : i32
    %dma_wait3A_336 = tpu.memref_slice %arg15[%mul3A_2, %dma_wait3A_335] : memref<4096x128xf32, #tpu.memory_space<hbm>> -> memref<128x128xf32, #tpu.memory_space<hbm>>
    %dma_wait3A_337 = arith.constant 0 : i32
    %dma_wait3A_338 = tpu.memref_slice %arg15[%mul3A_2, %dma_wait3A_337] : memref<4096x128xf32, #tpu.memory_space<hbm>> -> memref<128x128xf32, #tpu.memory_space<hbm>>
    tpu.wait_dma2 semaphore(%arg33 : memref<!tpu.dma_semaphore, #tpu.memory_space<semaphore_mem>>) src(%arg23 : memref<128x128xf32, #tpu.memory_space<vmem>>) dst(%dma_wait3A_338 : memref<128x128xf32, #tpu.memory_space<hbm>>)
    %dma_wait3A_339 = arith.constant 0 : i32
    %dma_wait3A_340 = tpu.memref_slice %arg16[%mul3A_2, %dma_wait3A_339] : memref<4096x128xf32, #tpu.memory_space<hbm>> -> memref<128x128xf32, #tpu.memory_space<hbm>>
    %dma_wait3A_341 = arith.constant 0 : i32
    %dma_wait3A_342 = tpu.memref_slice %arg16[%mul3A_2, %dma_wait3A_341] : memref<4096x128xf32, #tpu.memory_space<hbm>> -> memref<128x128xf32, #tpu.memory_space<hbm>>
    tpu.wait_dma2 semaphore(%arg33 : memref<!tpu.dma_semaphore, #tpu.memory_space<semaphore_mem>>) src(%arg24 : memref<128x128xf32, #tpu.memory_space<vmem>>) dst(%dma_wait3A_342 : memref<128x128xf32, #tpu.memory_space<hbm>>)
    return
  }
}

module attributes {stable_mosaic.version = 14 : i64} {
  func.func @_tc_body(%arg0: i32, %arg1: memref<512x128xf32, #tpu.memory_space<vmem>>, %arg2: memref<4096x128xf32, #tpu.memory_space<vmem>>, %arg3: memref<32x4096xf32, #tpu.memory_space<vmem>>, %arg4: memref<512x128xf32, #tpu.memory_space<vmem>>, %arg5: memref<512xf32, #tpu.memory_space<vmem>>, %arg6: memref<512xf32, #tpu.memory_space<vmem>>, %arg7: memref<1x1xf32, #tpu.memory_space<vmem>>, %arg8: memref<512xf32, #tpu.memory_space<vmem>>, %arg9: memref<1x1xf32, #tpu.memory_space<vmem>>) attributes {dimension_semantics = [#tpu.dimension_semantics<arbitrary>], iteration_bounds = array<i64: 8>, scalar_prefetch = 0 : i64, scratch_operands = 0 : i64, tpu.core_type = #tpu.core_type<tc>, window_params = [{transform_indices = @transform_0, window_bounds = array<i64: 512, 128>}, {pipeline_mode = #tpu.pipeline_mode<synchronous>, transform_indices = @transform_1, window_bounds = array<i64: 4096, 128>}, {pipeline_mode = #tpu.pipeline_mode<synchronous>, transform_indices = @transform_2, window_bounds = array<i64: 32, 4096>}, {transform_indices = @transform_3, window_bounds = array<i64: 512, 128>}, {transform_indices = @transform_4, window_bounds = array<i64: 512>}, {transform_indices = @transform_5, window_bounds = array<i64: 512>}, {pipeline_mode = #tpu.pipeline_mode<synchronous>, transform_indices = @transform_6, window_bounds = array<i64: 1, 1>}, {transform_indices = @transform_7, window_bounds = array<i64: 512>}, {pipeline_mode = #tpu.pipeline_mode<synchronous>, transform_indices = @transform_8, window_bounds = array<i64: 1, 1>}]} {
    %get3A = arith.constant 0 : index
    %get3A_0 = arith.constant 0 : index
    %get3A_1 = vector.load %arg3[%get3A, %get3A_0] : memref<32x4096xf32, #tpu.memory_space<vmem>>, vector<32x4096xf32>
    %reduce_sum3A = arith.constant dense<0.000000e+00> : vector<4096xf32>
    %reduce_sum3A_2 = vector.multi_reduction <add>, %get3A_1, %reduce_sum3A [0] : vector<32x4096xf32> to vector<4096xf32>
    %broadcast_in_dim3A = vector.shape_cast %reduce_sum3A_2 : vector<4096xf32> to vector<1x4096xf32>
    %get3A_3 = arith.constant 0 : index
    %get3A_4 = arith.constant 0 : index
    %get3A_5 = vector.load %arg1[%get3A_3, %get3A_4] : memref<512x128xf32, #tpu.memory_space<vmem>>, vector<512x128xf32>
    %get3A_6 = arith.constant 0 : index
    %get3A_7 = arith.constant 0 : index
    %get3A_8 = vector.load %arg2[%get3A_6, %get3A_7] : memref<4096x128xf32, #tpu.memory_space<vmem>>, vector<4096x128xf32>
    %dot_general3A = arith.constant dense<0.000000e+00> : vector<512x4096xf32>
    %dot_general3A_9 = tpu.matmul %get3A_5, %get3A_8, %dot_general3A {dimension_numbers = #tpu.dot_dimension_numbers<[1], [1], [0], [0], [0, 0, 1, 0], [], []>, transpose_lhs_hint = false} : vector<512x128xf32>, vector<4096x128xf32>, vector<512x4096xf32> -> vector<512x4096xf32>
    %bitcast_convert_type3A = tpu.bitcast %dot_general3A_9 : vector<512x4096xf32> -> vector<512x4096xi32>
    %lt3A = arith.constant 0 : i32
    %lt3A_10 = vector.broadcast %lt3A : i32 to vector<512x4096xi32>
    %lt3A_11 = arith.cmpi slt, %bitcast_convert_type3A, %lt3A_10 : vector<512x4096xi32>
    %xor3A = arith.constant 2147483647 : i32
    %xor3A_12 = vector.broadcast %xor3A : i32 to vector<512x4096xi32>
    %xor3A_13 = arith.xori %bitcast_convert_type3A, %xor3A_12 : vector<512x4096xi32>
    %select_n3A = arith.select %lt3A_11, %xor3A_13, %bitcast_convert_type3A : vector<512x4096xi1>, vector<512x4096xi32>
    %shift_right_arithmetic3A = arith.constant 16 : i32
    %shift_right_arithmetic3A_14 = vector.broadcast %shift_right_arithmetic3A : i32 to vector<512x4096xi32>
    %shift_right_arithmetic3A_15 = arith.shrsi %select_n3A, %shift_right_arithmetic3A_14 : vector<512x4096xi32>
    %convert_element_type3A = arith.trunci %shift_right_arithmetic3A_15 : vector<512x4096xi32> to vector<512x4096xi16>
    %broadcast_in_dim3A_16 = arith.constant -32768 : i32
    %broadcast_in_dim3A_17 = vector.broadcast %broadcast_in_dim3A_16 : i32 to vector<512x1xi32>
    %broadcast_in_dim3A_18 = arith.constant 32768 : i32
    %broadcast_in_dim3A_19 = vector.broadcast %broadcast_in_dim3A_18 : i32 to vector<512x1xi32>
    %broadcast_in_dim3A_20 = arith.constant 4096 : i32
    %broadcast_in_dim3A_21 = vector.broadcast %broadcast_in_dim3A_20 : i32 to vector<512x1xi32>
    %while3A = arith.constant 1 : i16
    %while3A_22 = arith.constant 0 : i16
    %while3A_23 = arith.constant 256 : i32
    %while3A_24 = arith.constant 0 : i32
    %while3A_25 = arith.constant 16 : i32
    %while3A_26 = arith.subi %while3A_25, %while3A_24 : i32
    %while3A_27 = arith.addi %while3A_24, %while3A_26 : i32
    %while3A_28 = arith.constant 1 : i32
    %while3A_29 = arith.divsi %while3A_26, %while3A_28 : i32
    %while3A_30 = arith.muli %while3A_29, %while3A_28 : i32
    %while3A_31 = arith.addi %while3A_24, %while3A_30 : i32
    %while3A_32 = arith.constant 1 : i32
    %while3A_33:3 = scf.for %while3A_156 = %while3A_24 to %while3A_31 step %while3A_32 iter_args(%while3A_157 = %broadcast_in_dim3A_17, %while3A_158 = %broadcast_in_dim3A_19, %while3A_159 = %broadcast_in_dim3A_21) -> (vector<512x1xi32>, vector<512x1xi32>, vector<512x1xi32>)  : i32 {
      %add3A_160 = arith.addi %while3A_157, %while3A_158 : vector<512x1xi32>
      %convert_element_type3A_161 = arith.trunci %add3A_160 : vector<512x1xi32> to vector<512x1xi16>
      %ge3A_162 = vector.broadcast %convert_element_type3A_161 : vector<512x1xi16> to vector<512x4096xi16>
      %ge3A_163 = arith.cmpi sge, %convert_element_type3A, %ge3A_162 : vector<512x4096xi16>
      %broadcast_in_dim3A_164 = vector.broadcast %while3A : i16 to vector<512x4096xi16>
      %broadcast_in_dim3A_165 = vector.broadcast %while3A_22 : i16 to vector<512x4096xi16>
      %select_n3A_166 = arith.select %ge3A_163, %broadcast_in_dim3A_164, %broadcast_in_dim3A_165 : vector<512x4096xi1>, vector<512x4096xi16>
      %slice3A_167 = vector.extract_strided_slice %select_n3A_166 {offsets = [0, 0], sizes = [512, 2048], strides = [1, 1]} : vector<512x4096xi16> to vector<512x2048xi16>
      %slice3A_168 = vector.extract_strided_slice %select_n3A_166 {offsets = [0, 2048], sizes = [512, 2048], strides = [1, 1]} : vector<512x4096xi16> to vector<512x2048xi16>
      %add3A_169 = arith.addi %slice3A_167, %slice3A_168 : vector<512x2048xi16>
      %slice3A_170 = vector.extract_strided_slice %add3A_169 {offsets = [0, 0], sizes = [512, 1024], strides = [1, 1]} : vector<512x2048xi16> to vector<512x1024xi16>
      %slice3A_171 = vector.extract_strided_slice %add3A_169 {offsets = [0, 1024], sizes = [512, 1024], strides = [1, 1]} : vector<512x2048xi16> to vector<512x1024xi16>
      %add3A_172 = arith.addi %slice3A_170, %slice3A_171 : vector<512x1024xi16>
      %slice3A_173 = vector.extract_strided_slice %add3A_172 {offsets = [0, 0], sizes = [512, 512], strides = [1, 1]} : vector<512x1024xi16> to vector<512x512xi16>
      %slice3A_174 = vector.extract_strided_slice %add3A_172 {offsets = [0, 512], sizes = [512, 512], strides = [1, 1]} : vector<512x1024xi16> to vector<512x512xi16>
      %add3A_175 = arith.addi %slice3A_173, %slice3A_174 : vector<512x512xi16>
      %slice3A_176 = vector.extract_strided_slice %add3A_175 {offsets = [0, 0], sizes = [512, 256], strides = [1, 1]} : vector<512x512xi16> to vector<512x256xi16>
      %slice3A_177 = vector.extract_strided_slice %add3A_175 {offsets = [0, 256], sizes = [512, 256], strides = [1, 1]} : vector<512x512xi16> to vector<512x256xi16>
      %add3A_178 = arith.addi %slice3A_176, %slice3A_177 : vector<512x256xi16>
      %slice3A_179 = vector.extract_strided_slice %add3A_178 {offsets = [0, 0], sizes = [512, 128], strides = [1, 1]} : vector<512x256xi16> to vector<512x128xi16>
      %slice3A_180 = vector.extract_strided_slice %add3A_178 {offsets = [0, 128], sizes = [512, 128], strides = [1, 1]} : vector<512x256xi16> to vector<512x128xi16>
      %add3A_181 = arith.addi %slice3A_179, %slice3A_180 : vector<512x128xi16>
      %convert_element_type3A_182 = arith.extsi %add3A_181 : vector<512x128xi16> to vector<512x128xi32>
      %reduce_sum3A_183 = arith.constant dense<0> : vector<512xi32>
      %reduce_sum3A_184 = vector.multi_reduction <add>, %convert_element_type3A_182, %reduce_sum3A_183 [1] : vector<512x128xi32> to vector<512xi32>
      %broadcast_in_dim3A_185 = vector.shape_cast %reduce_sum3A_184 : vector<512xi32> to vector<512x1xi32>
      %ge3A_186 = vector.broadcast %while3A_23 : i32 to vector<512x1xi32>
      %ge3A_187 = arith.cmpi sge, %broadcast_in_dim3A_185, %ge3A_186 : vector<512x1xi32>
      %select_n3A_188 = arith.select %ge3A_187, %add3A_160, %while3A_157 : vector<512x1xi1>, vector<512x1xi32>
      %shift_right_arithmetic3A_189 = arith.constant 1 : i32
      %shift_right_arithmetic3A_190 = vector.broadcast %shift_right_arithmetic3A_189 : i32 to vector<512x1xi32>
      %shift_right_arithmetic3A_191 = arith.shrsi %while3A_158, %shift_right_arithmetic3A_190 : vector<512x1xi32>
      %select_n3A_192 = arith.select %ge3A_187, %broadcast_in_dim3A_185, %while3A_159 : vector<512x1xi1>, vector<512x1xi32>
      scf.yield %select_n3A_188, %shift_right_arithmetic3A_191, %select_n3A_192 : vector<512x1xi32>, vector<512x1xi32>, vector<512x1xi32>
    }
    %while3A_34 = arith.constant 1 : i32
    %while3A_35:3 = scf.for %while3A_156 = %while3A_31 to %while3A_27 step %while3A_34 iter_args(%while3A_157 = %while3A_33#0, %while3A_158 = %while3A_33#1, %while3A_159 = %while3A_33#2) -> (vector<512x1xi32>, vector<512x1xi32>, vector<512x1xi32>)  : i32 {
      %add3A_160 = arith.addi %while3A_157, %while3A_158 : vector<512x1xi32>
      %convert_element_type3A_161 = arith.trunci %add3A_160 : vector<512x1xi32> to vector<512x1xi16>
      %ge3A_162 = vector.broadcast %convert_element_type3A_161 : vector<512x1xi16> to vector<512x4096xi16>
      %ge3A_163 = arith.cmpi sge, %convert_element_type3A, %ge3A_162 : vector<512x4096xi16>
      %broadcast_in_dim3A_164 = vector.broadcast %while3A : i16 to vector<512x4096xi16>
      %broadcast_in_dim3A_165 = vector.broadcast %while3A_22 : i16 to vector<512x4096xi16>
      %select_n3A_166 = arith.select %ge3A_163, %broadcast_in_dim3A_164, %broadcast_in_dim3A_165 : vector<512x4096xi1>, vector<512x4096xi16>
      %slice3A_167 = vector.extract_strided_slice %select_n3A_166 {offsets = [0, 0], sizes = [512, 2048], strides = [1, 1]} : vector<512x4096xi16> to vector<512x2048xi16>
      %slice3A_168 = vector.extract_strided_slice %select_n3A_166 {offsets = [0, 2048], sizes = [512, 2048], strides = [1, 1]} : vector<512x4096xi16> to vector<512x2048xi16>
      %add3A_169 = arith.addi %slice3A_167, %slice3A_168 : vector<512x2048xi16>
      %slice3A_170 = vector.extract_strided_slice %add3A_169 {offsets = [0, 0], sizes = [512, 1024], strides = [1, 1]} : vector<512x2048xi16> to vector<512x1024xi16>
      %slice3A_171 = vector.extract_strided_slice %add3A_169 {offsets = [0, 1024], sizes = [512, 1024], strides = [1, 1]} : vector<512x2048xi16> to vector<512x1024xi16>
      %add3A_172 = arith.addi %slice3A_170, %slice3A_171 : vector<512x1024xi16>
      %slice3A_173 = vector.extract_strided_slice %add3A_172 {offsets = [0, 0], sizes = [512, 512], strides = [1, 1]} : vector<512x1024xi16> to vector<512x512xi16>
      %slice3A_174 = vector.extract_strided_slice %add3A_172 {offsets = [0, 512], sizes = [512, 512], strides = [1, 1]} : vector<512x1024xi16> to vector<512x512xi16>
      %add3A_175 = arith.addi %slice3A_173, %slice3A_174 : vector<512x512xi16>
      %slice3A_176 = vector.extract_strided_slice %add3A_175 {offsets = [0, 0], sizes = [512, 256], strides = [1, 1]} : vector<512x512xi16> to vector<512x256xi16>
      %slice3A_177 = vector.extract_strided_slice %add3A_175 {offsets = [0, 256], sizes = [512, 256], strides = [1, 1]} : vector<512x512xi16> to vector<512x256xi16>
      %add3A_178 = arith.addi %slice3A_176, %slice3A_177 : vector<512x256xi16>
      %slice3A_179 = vector.extract_strided_slice %add3A_178 {offsets = [0, 0], sizes = [512, 128], strides = [1, 1]} : vector<512x256xi16> to vector<512x128xi16>
      %slice3A_180 = vector.extract_strided_slice %add3A_178 {offsets = [0, 128], sizes = [512, 128], strides = [1, 1]} : vector<512x256xi16> to vector<512x128xi16>
      %add3A_181 = arith.addi %slice3A_179, %slice3A_180 : vector<512x128xi16>
      %convert_element_type3A_182 = arith.extsi %add3A_181 : vector<512x128xi16> to vector<512x128xi32>
      %reduce_sum3A_183 = arith.constant dense<0> : vector<512xi32>
      %reduce_sum3A_184 = vector.multi_reduction <add>, %convert_element_type3A_182, %reduce_sum3A_183 [1] : vector<512x128xi32> to vector<512xi32>
      %broadcast_in_dim3A_185 = vector.shape_cast %reduce_sum3A_184 : vector<512xi32> to vector<512x1xi32>
      %ge3A_186 = vector.broadcast %while3A_23 : i32 to vector<512x1xi32>
      %ge3A_187 = arith.cmpi sge, %broadcast_in_dim3A_185, %ge3A_186 : vector<512x1xi32>
      %select_n3A_188 = arith.select %ge3A_187, %add3A_160, %while3A_157 : vector<512x1xi1>, vector<512x1xi32>
      %shift_right_arithmetic3A_189 = arith.constant 1 : i32
      %shift_right_arithmetic3A_190 = vector.broadcast %shift_right_arithmetic3A_189 : i32 to vector<512x1xi32>
      %shift_right_arithmetic3A_191 = arith.shrsi %while3A_158, %shift_right_arithmetic3A_190 : vector<512x1xi32>
      %select_n3A_192 = arith.select %ge3A_187, %broadcast_in_dim3A_185, %while3A_159 : vector<512x1xi1>, vector<512x1xi32>
      scf.yield %select_n3A_188, %shift_right_arithmetic3A_191, %select_n3A_192 : vector<512x1xi32>, vector<512x1xi32>, vector<512x1xi32>
    }
    %convert_element_type3A_36 = arith.trunci %select_n3A : vector<512x4096xi32> to vector<512x4096xi16>
    %xor3A_37 = arith.constant -32768 : i16
    %xor3A_38 = vector.broadcast %xor3A_37 : i16 to vector<512x4096xi16>
    %xor3A_39 = arith.xori %convert_element_type3A_36, %xor3A_38 : vector<512x4096xi16>
    %convert_element_type3A_40 = arith.trunci %while3A_35#0 : vector<512x1xi32> to vector<512x1xi16>
    %eq3A = vector.broadcast %convert_element_type3A_40 : vector<512x1xi16> to vector<512x4096xi16>
    %eq3A_41 = arith.cmpi eq, %convert_element_type3A, %eq3A : vector<512x4096xi16>
    %jit3A = arith.constant 1 : i16
    %jit3A_42 = arith.constant 0 : i16
    %broadcast_in_dim3A_43 = vector.broadcast %jit3A : i16 to vector<512x4096xi16>
    %broadcast_in_dim3A_44 = vector.broadcast %jit3A_42 : i16 to vector<512x4096xi16>
    %select_n3A_45 = arith.select %eq3A_41, %broadcast_in_dim3A_43, %broadcast_in_dim3A_44 : vector<512x4096xi1>, vector<512x4096xi16>
    %slice3A = vector.extract_strided_slice %select_n3A_45 {offsets = [0, 0], sizes = [512, 2048], strides = [1, 1]} : vector<512x4096xi16> to vector<512x2048xi16>
    %slice3A_46 = vector.extract_strided_slice %select_n3A_45 {offsets = [0, 2048], sizes = [512, 2048], strides = [1, 1]} : vector<512x4096xi16> to vector<512x2048xi16>
    %add3A = arith.addi %slice3A, %slice3A_46 : vector<512x2048xi16>
    %slice3A_47 = vector.extract_strided_slice %add3A {offsets = [0, 0], sizes = [512, 1024], strides = [1, 1]} : vector<512x2048xi16> to vector<512x1024xi16>
    %slice3A_48 = vector.extract_strided_slice %add3A {offsets = [0, 1024], sizes = [512, 1024], strides = [1, 1]} : vector<512x2048xi16> to vector<512x1024xi16>
    %add3A_49 = arith.addi %slice3A_47, %slice3A_48 : vector<512x1024xi16>
    %slice3A_50 = vector.extract_strided_slice %add3A_49 {offsets = [0, 0], sizes = [512, 512], strides = [1, 1]} : vector<512x1024xi16> to vector<512x512xi16>
    %slice3A_51 = vector.extract_strided_slice %add3A_49 {offsets = [0, 512], sizes = [512, 512], strides = [1, 1]} : vector<512x1024xi16> to vector<512x512xi16>
    %add3A_52 = arith.addi %slice3A_50, %slice3A_51 : vector<512x512xi16>
    %slice3A_53 = vector.extract_strided_slice %add3A_52 {offsets = [0, 0], sizes = [512, 256], strides = [1, 1]} : vector<512x512xi16> to vector<512x256xi16>
    %slice3A_54 = vector.extract_strided_slice %add3A_52 {offsets = [0, 256], sizes = [512, 256], strides = [1, 1]} : vector<512x512xi16> to vector<512x256xi16>
    %add3A_55 = arith.addi %slice3A_53, %slice3A_54 : vector<512x256xi16>
    %slice3A_56 = vector.extract_strided_slice %add3A_55 {offsets = [0, 0], sizes = [512, 128], strides = [1, 1]} : vector<512x256xi16> to vector<512x128xi16>
    %slice3A_57 = vector.extract_strided_slice %add3A_55 {offsets = [0, 128], sizes = [512, 128], strides = [1, 1]} : vector<512x256xi16> to vector<512x128xi16>
    %add3A_58 = arith.addi %slice3A_56, %slice3A_57 : vector<512x128xi16>
    %convert_element_type3A_59 = arith.extsi %add3A_58 : vector<512x128xi16> to vector<512x128xi32>
    %reduce_sum3A_60 = arith.constant dense<0> : vector<512xi32>
    %reduce_sum3A_61 = vector.multi_reduction <add>, %convert_element_type3A_59, %reduce_sum3A_60 [1] : vector<512x128xi32> to vector<512xi32>
    %broadcast_in_dim3A_62 = vector.shape_cast %reduce_sum3A_61 : vector<512xi32> to vector<512x1xi32>
    %sub3A = arith.subi %while3A_35#2, %broadcast_in_dim3A_62 : vector<512x1xi32>
    %jit3A_63 = arith.constant -32768 : i16
    %broadcast_in_dim3A_64 = vector.broadcast %jit3A_63 : i16 to vector<512x4096xi16>
    %select_n3A_65 = arith.select %eq3A_41, %xor3A_39, %broadcast_in_dim3A_64 : vector<512x4096xi1>, vector<512x4096xi16>
    %while3A_66 = arith.constant 1 : i16
    %while3A_67 = arith.constant 0 : i16
    %while3A_68 = arith.constant 256 : i32
    %while3A_69 = arith.constant 0 : i32
    %while3A_70 = arith.constant 16 : i32
    %while3A_71 = arith.subi %while3A_70, %while3A_69 : i32
    %while3A_72 = arith.addi %while3A_69, %while3A_71 : i32
    %while3A_73 = arith.constant 1 : i32
    %while3A_74 = arith.divsi %while3A_71, %while3A_73 : i32
    %while3A_75 = arith.muli %while3A_74, %while3A_73 : i32
    %while3A_76 = arith.addi %while3A_69, %while3A_75 : i32
    %while3A_77 = arith.constant 1 : i32
    %while3A_78:3 = scf.for %while3A_156 = %while3A_69 to %while3A_76 step %while3A_77 iter_args(%while3A_157 = %broadcast_in_dim3A_17, %while3A_158 = %broadcast_in_dim3A_19, %while3A_159 = %while3A_35#2) -> (vector<512x1xi32>, vector<512x1xi32>, vector<512x1xi32>)  : i32 {
      %add3A_160 = arith.addi %while3A_157, %while3A_158 : vector<512x1xi32>
      %convert_element_type3A_161 = arith.trunci %add3A_160 : vector<512x1xi32> to vector<512x1xi16>
      %ge3A_162 = vector.broadcast %convert_element_type3A_161 : vector<512x1xi16> to vector<512x4096xi16>
      %ge3A_163 = arith.cmpi sge, %select_n3A_65, %ge3A_162 : vector<512x4096xi16>
      %broadcast_in_dim3A_164 = vector.broadcast %while3A_66 : i16 to vector<512x4096xi16>
      %broadcast_in_dim3A_165 = vector.broadcast %while3A_67 : i16 to vector<512x4096xi16>
      %select_n3A_166 = arith.select %ge3A_163, %broadcast_in_dim3A_164, %broadcast_in_dim3A_165 : vector<512x4096xi1>, vector<512x4096xi16>
      %slice3A_167 = vector.extract_strided_slice %select_n3A_166 {offsets = [0, 0], sizes = [512, 2048], strides = [1, 1]} : vector<512x4096xi16> to vector<512x2048xi16>
      %slice3A_168 = vector.extract_strided_slice %select_n3A_166 {offsets = [0, 2048], sizes = [512, 2048], strides = [1, 1]} : vector<512x4096xi16> to vector<512x2048xi16>
      %add3A_169 = arith.addi %slice3A_167, %slice3A_168 : vector<512x2048xi16>
      %slice3A_170 = vector.extract_strided_slice %add3A_169 {offsets = [0, 0], sizes = [512, 1024], strides = [1, 1]} : vector<512x2048xi16> to vector<512x1024xi16>
      %slice3A_171 = vector.extract_strided_slice %add3A_169 {offsets = [0, 1024], sizes = [512, 1024], strides = [1, 1]} : vector<512x2048xi16> to vector<512x1024xi16>
      %add3A_172 = arith.addi %slice3A_170, %slice3A_171 : vector<512x1024xi16>
      %slice3A_173 = vector.extract_strided_slice %add3A_172 {offsets = [0, 0], sizes = [512, 512], strides = [1, 1]} : vector<512x1024xi16> to vector<512x512xi16>
      %slice3A_174 = vector.extract_strided_slice %add3A_172 {offsets = [0, 512], sizes = [512, 512], strides = [1, 1]} : vector<512x1024xi16> to vector<512x512xi16>
      %add3A_175 = arith.addi %slice3A_173, %slice3A_174 : vector<512x512xi16>
      %slice3A_176 = vector.extract_strided_slice %add3A_175 {offsets = [0, 0], sizes = [512, 256], strides = [1, 1]} : vector<512x512xi16> to vector<512x256xi16>
      %slice3A_177 = vector.extract_strided_slice %add3A_175 {offsets = [0, 256], sizes = [512, 256], strides = [1, 1]} : vector<512x512xi16> to vector<512x256xi16>
      %add3A_178 = arith.addi %slice3A_176, %slice3A_177 : vector<512x256xi16>
      %slice3A_179 = vector.extract_strided_slice %add3A_178 {offsets = [0, 0], sizes = [512, 128], strides = [1, 1]} : vector<512x256xi16> to vector<512x128xi16>
      %slice3A_180 = vector.extract_strided_slice %add3A_178 {offsets = [0, 128], sizes = [512, 128], strides = [1, 1]} : vector<512x256xi16> to vector<512x128xi16>
      %add3A_181 = arith.addi %slice3A_179, %slice3A_180 : vector<512x128xi16>
      %convert_element_type3A_182 = arith.extsi %add3A_181 : vector<512x128xi16> to vector<512x128xi32>
      %reduce_sum3A_183 = arith.constant dense<0> : vector<512xi32>
      %reduce_sum3A_184 = vector.multi_reduction <add>, %convert_element_type3A_182, %reduce_sum3A_183 [1] : vector<512x128xi32> to vector<512xi32>
      %broadcast_in_dim3A_185 = vector.shape_cast %reduce_sum3A_184 : vector<512xi32> to vector<512x1xi32>
      %add3A_186 = arith.addi %sub3A, %broadcast_in_dim3A_185 : vector<512x1xi32>
      %ge3A_187 = vector.broadcast %while3A_68 : i32 to vector<512x1xi32>
      %ge3A_188 = arith.cmpi sge, %add3A_186, %ge3A_187 : vector<512x1xi32>
      %select_n3A_189 = arith.select %ge3A_188, %add3A_160, %while3A_157 : vector<512x1xi1>, vector<512x1xi32>
      %shift_right_arithmetic3A_190 = arith.constant 1 : i32
      %shift_right_arithmetic3A_191 = vector.broadcast %shift_right_arithmetic3A_190 : i32 to vector<512x1xi32>
      %shift_right_arithmetic3A_192 = arith.shrsi %while3A_158, %shift_right_arithmetic3A_191 : vector<512x1xi32>
      %select_n3A_193 = arith.select %ge3A_188, %add3A_186, %while3A_159 : vector<512x1xi1>, vector<512x1xi32>
      scf.yield %select_n3A_189, %shift_right_arithmetic3A_192, %select_n3A_193 : vector<512x1xi32>, vector<512x1xi32>, vector<512x1xi32>
    }
    %while3A_79 = arith.constant 1 : i32
    %while3A_80:3 = scf.for %while3A_156 = %while3A_76 to %while3A_72 step %while3A_79 iter_args(%while3A_157 = %while3A_78#0, %while3A_158 = %while3A_78#1, %while3A_159 = %while3A_78#2) -> (vector<512x1xi32>, vector<512x1xi32>, vector<512x1xi32>)  : i32 {
      %add3A_160 = arith.addi %while3A_157, %while3A_158 : vector<512x1xi32>
      %convert_element_type3A_161 = arith.trunci %add3A_160 : vector<512x1xi32> to vector<512x1xi16>
      %ge3A_162 = vector.broadcast %convert_element_type3A_161 : vector<512x1xi16> to vector<512x4096xi16>
      %ge3A_163 = arith.cmpi sge, %select_n3A_65, %ge3A_162 : vector<512x4096xi16>
      %broadcast_in_dim3A_164 = vector.broadcast %while3A_66 : i16 to vector<512x4096xi16>
      %broadcast_in_dim3A_165 = vector.broadcast %while3A_67 : i16 to vector<512x4096xi16>
      %select_n3A_166 = arith.select %ge3A_163, %broadcast_in_dim3A_164, %broadcast_in_dim3A_165 : vector<512x4096xi1>, vector<512x4096xi16>
      %slice3A_167 = vector.extract_strided_slice %select_n3A_166 {offsets = [0, 0], sizes = [512, 2048], strides = [1, 1]} : vector<512x4096xi16> to vector<512x2048xi16>
      %slice3A_168 = vector.extract_strided_slice %select_n3A_166 {offsets = [0, 2048], sizes = [512, 2048], strides = [1, 1]} : vector<512x4096xi16> to vector<512x2048xi16>
      %add3A_169 = arith.addi %slice3A_167, %slice3A_168 : vector<512x2048xi16>
      %slice3A_170 = vector.extract_strided_slice %add3A_169 {offsets = [0, 0], sizes = [512, 1024], strides = [1, 1]} : vector<512x2048xi16> to vector<512x1024xi16>
      %slice3A_171 = vector.extract_strided_slice %add3A_169 {offsets = [0, 1024], sizes = [512, 1024], strides = [1, 1]} : vector<512x2048xi16> to vector<512x1024xi16>
      %add3A_172 = arith.addi %slice3A_170, %slice3A_171 : vector<512x1024xi16>
      %slice3A_173 = vector.extract_strided_slice %add3A_172 {offsets = [0, 0], sizes = [512, 512], strides = [1, 1]} : vector<512x1024xi16> to vector<512x512xi16>
      %slice3A_174 = vector.extract_strided_slice %add3A_172 {offsets = [0, 512], sizes = [512, 512], strides = [1, 1]} : vector<512x1024xi16> to vector<512x512xi16>
      %add3A_175 = arith.addi %slice3A_173, %slice3A_174 : vector<512x512xi16>
      %slice3A_176 = vector.extract_strided_slice %add3A_175 {offsets = [0, 0], sizes = [512, 256], strides = [1, 1]} : vector<512x512xi16> to vector<512x256xi16>
      %slice3A_177 = vector.extract_strided_slice %add3A_175 {offsets = [0, 256], sizes = [512, 256], strides = [1, 1]} : vector<512x512xi16> to vector<512x256xi16>
      %add3A_178 = arith.addi %slice3A_176, %slice3A_177 : vector<512x256xi16>
      %slice3A_179 = vector.extract_strided_slice %add3A_178 {offsets = [0, 0], sizes = [512, 128], strides = [1, 1]} : vector<512x256xi16> to vector<512x128xi16>
      %slice3A_180 = vector.extract_strided_slice %add3A_178 {offsets = [0, 128], sizes = [512, 128], strides = [1, 1]} : vector<512x256xi16> to vector<512x128xi16>
      %add3A_181 = arith.addi %slice3A_179, %slice3A_180 : vector<512x128xi16>
      %convert_element_type3A_182 = arith.extsi %add3A_181 : vector<512x128xi16> to vector<512x128xi32>
      %reduce_sum3A_183 = arith.constant dense<0> : vector<512xi32>
      %reduce_sum3A_184 = vector.multi_reduction <add>, %convert_element_type3A_182, %reduce_sum3A_183 [1] : vector<512x128xi32> to vector<512xi32>
      %broadcast_in_dim3A_185 = vector.shape_cast %reduce_sum3A_184 : vector<512xi32> to vector<512x1xi32>
      %add3A_186 = arith.addi %sub3A, %broadcast_in_dim3A_185 : vector<512x1xi32>
      %ge3A_187 = vector.broadcast %while3A_68 : i32 to vector<512x1xi32>
      %ge3A_188 = arith.cmpi sge, %add3A_186, %ge3A_187 : vector<512x1xi32>
      %select_n3A_189 = arith.select %ge3A_188, %add3A_160, %while3A_157 : vector<512x1xi1>, vector<512x1xi32>
      %shift_right_arithmetic3A_190 = arith.constant 1 : i32
      %shift_right_arithmetic3A_191 = vector.broadcast %shift_right_arithmetic3A_190 : i32 to vector<512x1xi32>
      %shift_right_arithmetic3A_192 = arith.shrsi %while3A_158, %shift_right_arithmetic3A_191 : vector<512x1xi32>
      %select_n3A_193 = arith.select %ge3A_188, %add3A_186, %while3A_159 : vector<512x1xi1>, vector<512x1xi32>
      scf.yield %select_n3A_189, %shift_right_arithmetic3A_192, %select_n3A_193 : vector<512x1xi32>, vector<512x1xi32>, vector<512x1xi32>
    }
    %shift_left3A = arith.constant 16 : i32
    %shift_left3A_81 = vector.broadcast %shift_left3A : i32 to vector<512x1xi32>
    %shift_left3A_82 = arith.shli %while3A_35#0, %shift_left3A_81 : vector<512x1xi32>
    %xor3A_83 = arith.constant 32768 : i32
    %xor3A_84 = vector.broadcast %xor3A_83 : i32 to vector<512x1xi32>
    %xor3A_85 = arith.xori %while3A_80#0, %xor3A_84 : vector<512x1xi32>
    %and3A = arith.constant 65535 : i32
    %and3A_86 = vector.broadcast %and3A : i32 to vector<512x1xi32>
    %and3A_87 = arith.andi %xor3A_85, %and3A_86 : vector<512x1xi32>
    %or3A = arith.ori %shift_left3A_82, %and3A_87 : vector<512x1xi32>
    %ge3A = vector.broadcast %or3A : vector<512x1xi32> to vector<512x4096xi32>
    %ge3A_88 = arith.cmpi sge, %select_n3A, %ge3A : vector<512x4096xi32>
    %mul3A = vector.broadcast %broadcast_in_dim3A : vector<1x4096xf32> to vector<512x4096xf32>
    %mul3A_89 = arith.mulf %dot_general3A_9, %mul3A : vector<512x4096xf32>
    %jit3A_90 = arith.constant 0.000000e+00 : f64
    %convert_element_type3A_91 = arith.truncf %jit3A_90 : f64 to f32
    %broadcast_in_dim3A_92 = vector.broadcast %convert_element_type3A_91 : f32 to vector<512x4096xf32>
    %select_n3A_93 = arith.select %ge3A_88, %mul3A_89, %broadcast_in_dim3A_92 : vector<512x4096xi1>, vector<512x4096xf32>
    %reduce_sum3A_94 = arith.constant dense<0.000000e+00> : vector<512xf32>
    %reduce_sum3A_95 = vector.multi_reduction <add>, %select_n3A_93, %reduce_sum3A_94 [1] : vector<512x4096xf32> to vector<512xf32>
    %get3A_96 = arith.constant 0 : index
    %get3A_97 = arith.constant 0 : index
    %get3A_98 = vector.load %arg4[%get3A_96, %get3A_97] : memref<512x128xf32, #tpu.memory_space<vmem>>, vector<512x128xf32>
    %mul3A_99 = arith.mulf %get3A_5, %get3A_98 : vector<512x128xf32>
    %reduce_sum3A_100 = arith.constant dense<0.000000e+00> : vector<512xf32>
    %reduce_sum3A_101 = vector.multi_reduction <add>, %mul3A_99, %reduce_sum3A_100 [1] : vector<512x128xf32> to vector<512xf32>
    %get3A_102 = arith.constant 0 : index
    %get3A_103 = vector.load %arg5[%get3A_102] : memref<512xf32, #tpu.memory_space<vmem>>, vector<512xf32>
    %get3A_104 = arith.constant 0 : index
    %get3A_105 = vector.load %arg6[%get3A_104] : memref<512xf32, #tpu.memory_space<vmem>>, vector<512xf32>
    %add3A_106 = arith.addf %get3A_103, %get3A_105 : vector<512xf32>
    %get3A_107 = arith.constant 0 : index
    %get3A_108 = arith.constant 0 : index
    %get3A_109 = vector.load %arg7[%get3A_107, %get3A_108] : memref<1x1xf32, #tpu.memory_space<vmem>>, vector<1x1xf32>
    %get3A_110 = vector.extract %get3A_109[0, 0] : f32 from vector<1x1xf32>
    %sub3A_111 = vector.broadcast %get3A_110 : f32 to vector<512xf32>
    %sub3A_112 = arith.subf %add3A_106, %sub3A_111 : vector<512xf32>
    %add3A_113 = arith.addf %sub3A_112, %reduce_sum3A_101 : vector<512xf32>
    %add3A_114 = arith.addf %add3A_113, %reduce_sum3A_95 : vector<512xf32>
    %max3A = arith.constant 0.000000e+00 : f32
    %max3A_115 = vector.broadcast %max3A : f32 to vector<512xf32>
    %max3A_116 = arith.maximumf %add3A_114, %max3A_115 : vector<512xf32>
    %swap3A = arith.constant 0 : index
    %swap3A_117 = vector.load %arg8[%swap3A] : memref<512xf32, #tpu.memory_space<vmem>>, vector<512xf32>
    tpu.vector_store %arg8[%swap3A], %max3A_116 {strides = array<i32>} : memref<512xf32, #tpu.memory_space<vmem>>, vector<512xf32>,
    %eq3A_118 = arith.constant 0 : i32
    %eq3A_119 = arith.cmpi eq, %arg0, %eq3A_118 : i32
    %convert_element_type3A_120 = arith.extui %eq3A_119 : i1 to i32
    %cond3A = arith.constant 0 : i32
    %cond3A_121 = arith.cmpi ne, %convert_element_type3A_120, %cond3A : i32
    scf.if %cond3A_121 {
      %broadcast_in_dim3A_156 = arith.constant 0.000000e+00 : f32
      %broadcast_in_dim3A_157 = vector.broadcast %broadcast_in_dim3A_156 : f32 to vector<1x1xf32>
      %swap3A_158 = arith.constant 0 : index
      %swap3A_159 = arith.constant 0 : index
      %swap3A_160 = vector.load %arg9[%swap3A_158, %swap3A_159] : memref<1x1xf32, #tpu.memory_space<vmem>>, vector<1x1xf32>
      tpu.vector_store %arg9[%swap3A_158, %swap3A_159], %broadcast_in_dim3A_157 {strides = array<i32>} : memref<1x1xf32, #tpu.memory_space<vmem>>, vector<1x1xf32>,
    } else {
    }
    %get3A_122 = arith.constant 0 : index
    %get3A_123 = arith.constant 0 : index
    %get3A_124 = vector.load %arg9[%get3A_122, %get3A_123] : memref<1x1xf32, #tpu.memory_space<vmem>>, vector<1x1xf32>
    %mul3A_125 = arith.mulf %get3A_98, %get3A_98 : vector<512x128xf32>
    %reduce_sum3A_126 = vector.shape_cast %mul3A_125 : vector<512x128xf32> to vector<1x512x128xf32>
    %reduce_sum3A_127 = arith.constant dense<0.000000e+00> : vector<1xf32>
    %reduce_sum3A_128 = vector.multi_reduction <add>, %reduce_sum3A_126, %reduce_sum3A_127 [1, 2] : vector<1x512x128xf32> to vector<1xf32>
    %reduce_sum3A_129 = vector.shape_cast %reduce_sum3A_128 : vector<1xf32> to vector<1x1x1xf32>
    %reduce_sum3A_130 = vector.extract %reduce_sum3A_129[0, 0, 0] : f32 from vector<1x1x1xf32>
    %mul3A_131 = arith.constant 1.000000e-01 : f32
    %mul3A_132 = arith.mulf %mul3A_131, %reduce_sum3A_130 : f32
    %mul3A_133 = arith.mulf %get3A_5, %get3A_5 : vector<512x128xf32>
    %reduce_sum3A_134 = vector.shape_cast %mul3A_133 : vector<512x128xf32> to vector<1x512x128xf32>
    %reduce_sum3A_135 = arith.constant dense<0.000000e+00> : vector<1xf32>
    %reduce_sum3A_136 = vector.multi_reduction <add>, %reduce_sum3A_134, %reduce_sum3A_135 [1, 2] : vector<1x512x128xf32> to vector<1xf32>
    %reduce_sum3A_137 = vector.shape_cast %reduce_sum3A_136 : vector<1xf32> to vector<1x1x1xf32>
    %reduce_sum3A_138 = vector.extract %reduce_sum3A_137[0, 0, 0] : f32 from vector<1x1x1xf32>
    %mul3A_139 = arith.constant 1.000000e-01 : f32
    %mul3A_140 = arith.mulf %mul3A_139, %reduce_sum3A_138 : f32
    %add3A_141 = arith.addf %mul3A_132, %mul3A_140 : f32
    %add3A_142 = vector.broadcast %add3A_141 : f32 to vector<1x1xf32>
    %add3A_143 = arith.addf %get3A_124, %add3A_142 : vector<1x1xf32>
    %swap3A_144 = arith.constant 0 : index
    %swap3A_145 = arith.constant 0 : index
    %swap3A_146 = vector.load %arg9[%swap3A_144, %swap3A_145] : memref<1x1xf32, #tpu.memory_space<vmem>>, vector<1x1xf32>
    tpu.vector_store %arg9[%swap3A_144, %swap3A_145], %add3A_143 {strides = array<i32>} : memref<1x1xf32, #tpu.memory_space<vmem>>, vector<1x1xf32>,
    %reduce_max3A = vector.shape_cast %while3A_80#2 : vector<512x1xi32> to vector<1x512x1xi32>
    %reduce_max3A_147 = arith.constant dense<-2147483648> : vector<1xi32>
    %reduce_max3A_148 = vector.multi_reduction <maxsi>, %reduce_max3A, %reduce_max3A_147 [1, 2] : vector<1x512x1xi32> to vector<1xi32>
    %reduce_max3A_149 = vector.shape_cast %reduce_max3A_148 : vector<1xi32> to vector<1x1x1xi32>
    %reduce_max3A_150 = vector.extract %reduce_max3A_149[0, 0, 0] : i32 from vector<1x1x1xi32>
    %gt3A = arith.constant 256 : i32
    %gt3A_151 = arith.cmpi sgt, %reduce_max3A_150, %gt3A : i32
    %convert_element_type3A_152 = arith.extui %gt3A_151 : i1 to i32
    %cond3A_153 = arith.constant 256 : i32
    %cond3A_154 = arith.constant 0 : i32
    %cond3A_155 = arith.cmpi ne, %convert_element_type3A_152, %cond3A_154 : i32
    scf.if %cond3A_155 {
      %gt3A_156 = vector.broadcast %or3A : vector<512x1xi32> to vector<512x4096xi32>
      %gt3A_157 = arith.cmpi sgt, %select_n3A, %gt3A_156 : vector<512x4096xi32>
      %convert_element_type3A_158 = arith.extui %gt3A_157 : vector<512x4096xi1> to vector<512x4096xi32>
      %reduce_sum3A_159 = arith.constant dense<0> : vector<512xi32>
      %reduce_sum3A_160 = vector.multi_reduction <add>, %convert_element_type3A_158, %reduce_sum3A_159 [1] : vector<512x4096xi32> to vector<512xi32>
      %broadcast_in_dim3A_161 = vector.shape_cast %reduce_sum3A_160 : vector<512xi32> to vector<512x1xi32>
      %sub3A_162 = vector.broadcast %cond3A_153 : i32 to vector<512x1xi32>
      %sub3A_163 = arith.subi %sub3A_162, %broadcast_in_dim3A_161 : vector<512x1xi32>
      %not3A = arith.constant dense<true> : vector<512x4096xi1>
      %not3A_164 = arith.xori %gt3A_157, %not3A : vector<512x4096xi1>
      %and3A_165 = arith.andi %ge3A_88, %not3A_164 : vector<512x4096xi1>
      %iota3A = tpu.iota {dimensions = array<i32: 1>} : vector<1x4096xi32>
      %broadcast_in_dim3A_166 = arith.constant 0 : i32
      %broadcast_in_dim3A_167 = vector.broadcast %broadcast_in_dim3A_166 : i32 to vector<512x1xi32>
      %broadcast_in_dim3A_168 = arith.constant 2048 : i32
      %broadcast_in_dim3A_169 = vector.broadcast %broadcast_in_dim3A_168 : i32 to vector<512x1xi32>
      %while3A_170 = arith.constant 0 : i32
      %while3A_171 = arith.constant 12 : i32
      %while3A_172 = arith.subi %while3A_171, %while3A_170 : i32
      %while3A_173 = arith.addi %while3A_170, %while3A_172 : i32
      %while3A_174 = arith.constant 1 : i32
      %while3A_175 = arith.divsi %while3A_172, %while3A_174 : i32
      %while3A_176 = arith.muli %while3A_175, %while3A_174 : i32
      %while3A_177 = arith.addi %while3A_170, %while3A_176 : i32
      %while3A_178 = arith.constant 1 : i32
      %while3A_179:2 = scf.for %while3A_199 = %while3A_170 to %while3A_177 step %while3A_178 iter_args(%while3A_200 = %broadcast_in_dim3A_167, %while3A_201 = %broadcast_in_dim3A_169) -> (vector<512x1xi32>, vector<512x1xi32>)  : i32 {
        %add3A_202 = arith.addi %while3A_200, %while3A_201 : vector<512x1xi32>
        %lt3A_203 = vector.broadcast %iota3A : vector<1x4096xi32> to vector<512x4096xi32>
        %lt3A_204 = vector.broadcast %add3A_202 : vector<512x1xi32> to vector<512x4096xi32>
        %lt3A_205 = arith.cmpi slt, %lt3A_203, %lt3A_204 : vector<512x4096xi32>
        %and3A_206 = arith.andi %and3A_165, %lt3A_205 : vector<512x4096xi1>
        %convert_element_type3A_207 = arith.extui %and3A_206 : vector<512x4096xi1> to vector<512x4096xi32>
        %reduce_sum3A_208 = arith.constant dense<0> : vector<512xi32>
        %reduce_sum3A_209 = vector.multi_reduction <add>, %convert_element_type3A_207, %reduce_sum3A_208 [1] : vector<512x4096xi32> to vector<512xi32>
        %broadcast_in_dim3A_210 = vector.shape_cast %reduce_sum3A_209 : vector<512xi32> to vector<512x1xi32>
        %lt3A_211 = arith.cmpi slt, %broadcast_in_dim3A_210, %sub3A_163 : vector<512x1xi32>
        %select_n3A_212 = arith.select %lt3A_211, %add3A_202, %while3A_200 : vector<512x1xi1>, vector<512x1xi32>
        %shift_right_logical3A = arith.constant 1 : i32
        %shift_right_logical3A_213 = vector.broadcast %shift_right_logical3A : i32 to vector<512x1xi32>
        %shift_right_logical3A_214 = arith.shrui %while3A_201, %shift_right_logical3A_213 : vector<512x1xi32>
        scf.yield %select_n3A_212, %shift_right_logical3A_214 : vector<512x1xi32>, vector<512x1xi32>
      }
      %while3A_180 = arith.constant 1 : i32
      %while3A_181:2 = scf.for %while3A_199 = %while3A_177 to %while3A_173 step %while3A_180 iter_args(%while3A_200 = %while3A_179#0, %while3A_201 = %while3A_179#1) -> (vector<512x1xi32>, vector<512x1xi32>)  : i32 {
        %add3A_202 = arith.addi %while3A_200, %while3A_201 : vector<512x1xi32>
        %lt3A_203 = vector.broadcast %iota3A : vector<1x4096xi32> to vector<512x4096xi32>
        %lt3A_204 = vector.broadcast %add3A_202 : vector<512x1xi32> to vector<512x4096xi32>
        %lt3A_205 = arith.cmpi slt, %lt3A_203, %lt3A_204 : vector<512x4096xi32>
        %and3A_206 = arith.andi %and3A_165, %lt3A_205 : vector<512x4096xi1>
        %convert_element_type3A_207 = arith.extui %and3A_206 : vector<512x4096xi1> to vector<512x4096xi32>
        %reduce_sum3A_208 = arith.constant dense<0> : vector<512xi32>
        %reduce_sum3A_209 = vector.multi_reduction <add>, %convert_element_type3A_207, %reduce_sum3A_208 [1] : vector<512x4096xi32> to vector<512xi32>
        %broadcast_in_dim3A_210 = vector.shape_cast %reduce_sum3A_209 : vector<512xi32> to vector<512x1xi32>
        %lt3A_211 = arith.cmpi slt, %broadcast_in_dim3A_210, %sub3A_163 : vector<512x1xi32>
        %select_n3A_212 = arith.select %lt3A_211, %add3A_202, %while3A_200 : vector<512x1xi1>, vector<512x1xi32>
        %shift_right_logical3A = arith.constant 1 : i32
        %shift_right_logical3A_213 = vector.broadcast %shift_right_logical3A : i32 to vector<512x1xi32>
        %shift_right_logical3A_214 = arith.shrui %while3A_201, %shift_right_logical3A_213 : vector<512x1xi32>
        scf.yield %select_n3A_212, %shift_right_logical3A_214 : vector<512x1xi32>, vector<512x1xi32>
      }
      %le3A = vector.broadcast %iota3A : vector<1x4096xi32> to vector<512x4096xi32>
      %le3A_182 = vector.broadcast %while3A_181#0 : vector<512x1xi32> to vector<512x4096xi32>
      %le3A_183 = arith.cmpi sle, %le3A, %le3A_182 : vector<512x4096xi32>
      %and3A_184 = arith.andi %and3A_165, %le3A_183 : vector<512x4096xi1>
      %or3A_185 = arith.ori %gt3A_157, %and3A_184 : vector<512x4096xi1>
      %jit3A_186 = arith.constant 0.000000e+00 : f64
      %convert_element_type3A_187 = arith.truncf %jit3A_186 : f64 to f32
      %broadcast_in_dim3A_188 = vector.broadcast %convert_element_type3A_187 : f32 to vector<512x4096xf32>
      %select_n3A_189 = arith.select %or3A_185, %mul3A_89, %broadcast_in_dim3A_188 : vector<512x4096xi1>, vector<512x4096xf32>
      %reduce_sum3A_190 = arith.constant dense<0.000000e+00> : vector<512xf32>
      %reduce_sum3A_191 = vector.multi_reduction <add>, %select_n3A_189, %reduce_sum3A_190 [1] : vector<512x4096xf32> to vector<512xf32>
      %add3A_192 = arith.addf %sub3A_112, %reduce_sum3A_101 : vector<512xf32>
      %add3A_193 = arith.addf %add3A_192, %reduce_sum3A_191 : vector<512xf32>
      %max3A_194 = arith.constant 0.000000e+00 : f32
      %max3A_195 = vector.broadcast %max3A_194 : f32 to vector<512xf32>
      %max3A_196 = arith.maximumf %add3A_193, %max3A_195 : vector<512xf32>
      %swap3A_197 = arith.constant 0 : index
      %swap3A_198 = vector.load %arg8[%swap3A_197] : memref<512xf32, #tpu.memory_space<vmem>>, vector<512xf32>
      tpu.vector_store %arg8[%swap3A_197], %max3A_196 {strides = array<i32>} : memref<512xf32, #tpu.memory_space<vmem>>, vector<512xf32>,
    } else {
    }
    return
  }
  func.func @transform_0(%arg0: i32) -> (i32, i32) {
    %c0_i32 = arith.constant 0 : i32
    %c0_i32_0 = arith.constant 0 : i32
    return %arg0, %c0_i32 : i32, i32
  }
  func.func @transform_1(%arg0: i32) -> (i32, i32) {
    %c0_i32 = arith.constant 0 : i32
    %c0_i32_0 = arith.constant 0 : i32
    %c0_i32_1 = arith.constant 0 : i32
    return %c0_i32, %c0_i32_0 : i32, i32
  }
  func.func @transform_2(%arg0: i32) -> (i32, i32) {
    %c0_i32 = arith.constant 0 : i32
    %c0_i32_0 = arith.constant 0 : i32
    %c0_i32_1 = arith.constant 0 : i32
    return %c0_i32, %c0_i32_0 : i32, i32
  }
  func.func @transform_3(%arg0: i32) -> (i32, i32) {
    %c0_i32 = arith.constant 0 : i32
    %c0_i32_0 = arith.constant 0 : i32
    return %arg0, %c0_i32 : i32, i32
  }
  func.func @transform_4(%arg0: i32) -> i32 {
    %c0_i32 = arith.constant 0 : i32
    return %arg0 : i32
  }
  func.func @transform_5(%arg0: i32) -> i32 {
    %c0_i32 = arith.constant 0 : i32
    return %arg0 : i32
  }
  func.func @transform_6(%arg0: i32) -> (i32, i32) {
    %c0_i32 = arith.constant 0 : i32
    %c0_i32_0 = arith.constant 0 : i32
    %c0_i32_1 = arith.constant 0 : i32
    return %c0_i32, %c0_i32_0 : i32, i32
  }
  func.func @transform_7(%arg0: i32) -> i32 {
    %c0_i32 = arith.constant 0 : i32
    return %arg0 : i32
  }
  func.func @transform_8(%arg0: i32) -> (i32, i32) {
    %c0_i32 = arith.constant 0 : i32
    %c0_i32_0 = arith.constant 0 : i32
    %c0_i32_1 = arith.constant 0 : i32
    return %c0_i32, %c0_i32_0 : i32, i32
  }
}

</mosaic_0001>

<sc_bundles>
// kernel: kernel.4.cloned.1.call-start
scs
__scs_entry_jumppad:
0x0: {  	(pc) =	sbr.rel $0x88, $3  }
0x1: {  	(tag) =	ssettag $0x0;
	lr =	simm.s32 $0x1  }
0x2: {  	[smem:$0x3F97] =	sst lr;
	_ =	strace $0xD0000000  }
0x3: {  	_ = 	snop  }
0x4: {  	_ = 	snop  }
0x5: {  	_ = 	snop  }
0x6: {  	_ = 	snop  }
0x7: {  	_ = 	snop  }
__scs_overlays_trampoline_lowered:
0x8: {  	[smem:$0x3FA6] =	sst s0  }
0x9: {  	[smem:$0x3FA7] =	sst s1  }
0xa: {  	[smem:$0x3FA8] =	sst s2  }
0xb: {  	[smem:$0x3FA9] =	sst s3  }
0xc: {  	[smem:$0x3FAA] =	sst s4  }
0xd: {  	[smem:$0x3FAB] =	sst s5  }
0xe: {  	[smem:$0x3FAC] =	sst s6  }
0xf: {  	[smem:$0x3FAD] =	sst s7  }
0x10: {  	[smem:$0x3FAE] =	sst s8  }
0x11: {  	[smem:$0x3FAF] =	sst s9;
	s0 =	simm.s32 @!p0 $0x0  }
0x12: {  	s1 =	sld [smem:$0x3F95];
	s0 =	simm.s32 @p0 $0x1  }
0x13: {  	[smem:$0x3FB0] =	sst s0;
	s0 =	simm.s32 @!p1 $0x0  }
0x14: {  	s2 =	sld [smem:$0x3F94];
	s0 =	simm.s32 @p1 $0x1  }
0x15: {  	[smem:$0x3FB1] =	sst s0;
	s0 =	simm.s32 @!p2 $0x0  }
0x16: {  	s3 =	sld [smem:$0x3FDB];
	s0 =	simm.s32 @p2 $0x1  }
0x17: {  	s4 =	simm.s32 $0x1BF5;
	[smem:$0x3FB3] =	sst s0  }
0x18: {  	s0 =	sld [smem:$0x3F96];
	_ =	swait.ge [sflag:s4], $0x0  }
0x19: {  	s7 =	sld [smem:$0x3F97]  }
0x1a: {  	s8 =	sadd.s32 $0xFFFFE003, lr  }
0x1b: {  	s9 =	sadd.s32 $0xFFFFFEF7, lr;
	s5 =	simm.s32 $0xFFFFFFFF;
	p2 =	slt.u32 s8, $0xFFFFF086  }
0x1c: {  	p1 =	slt.u32 s9, $0xF7A;
	s5 =	simm.s32 @!p2 $0x0  }
0x1d: {  	s5 =	simm.s32 @p1 $0x1;
	p0 =	seq.s32 s7, s2  }
0x1e: {  	s7 =	smul.u32 @!p0 $0xF7A, s2;
	p2 =	seq.s32 @!p0 s5, $0x0  }
0x1f: {  	s9 =	smul.u32 $0xF7A, s1;
	s8 =	simm.s32 @!p0 $0x1BF5;
	p2 =	por !p2, p0  }
0x20: {  	[sflag:s8] =	ssyncset.s32 @!p0 $0xFFFFF086;
	s6 =	sadd.s32 @!p0 s3, s7;
	s7 =	simm.s32 @!p0 $0x108  }
0x21: {  	s3 =	sadd.s32 s3, s9;
	s6 =	sadd.s32 @!p0 $0x88, s6;
	s7 =	simm.s32 @p2 $0x1082  }
0x22: {  	[simem:s7], [sflag:s8] =	dma.local @!p0 [hbm:s6], $0xF7A  }
0x23: {  	s9 =	sor.u32 $0xD0000000, s2;
	s6 =	simm.s32 $0x108;
	_ =	swait.ge @!p0 [sflag:s8], $0x0  }
0x24: {  	s3 =	sadd.s32 $0x88, s3;
	s6 =	simm.s32 @!p1 $0x1082;
	[sflag:s4] =	ssyncset.s32 $0xFFFFF086  }
0x25: {  	[simem:s6], [sflag:s4] =	dma.local [hbm:s3], $0xF7A  }
0x26: {  	[smem:$0x3F97] =	sst s1;
	(tag) =	ssettag s2;
	_ =	strace s9  }
0x27: {  	s1 =	sld [smem:$0x3FA7]  }
0x28: {  	s2 =	sld [smem:$0x3FA8]  }
0x29: {  	s4 =	sld [smem:$0x3FAA]  }
0x2a: {  	p0 =	seq.s32 s5, $0x0;
	s5 =	sld [smem:$0x3FAB]  }
0x2b: {  	s6 =	sld [smem:$0x3FAC]  }
0x2c: {  	s7 =	sld [smem:$0x3FAD]  }
0x2d: {  	s3 =	simm.s32 $0x108;
	s8 =	sld [smem:$0x3FAE]  }
0x2e: {  	s3 =	simm.s32 @!p0 $0x1082;
	s9 =	sld [smem:$0x3FAF]  }
0x2f: {  	lr =	sadd.s32 s0, s3;
	s0 =	sld [smem:$0x3FA6]  }
0x30: {  	s3 =	sld [smem:$0x3FA9]  }
0x31: {  	[smem:$0x3FB2] =	sst s10  }
0x32: {  	s10 =	sld [smem:$0x3FB0];
	_ =	sdelay $0x3  }
0x33: {  	p0 =	seq.s32 s10, $0x1;
	s10 =	sld [smem:$0x3FB2];
	_ =	sdelay $0x3  }
0x34: {  	[smem:$0x3FB2] =	sst s10  }
0x35: {  	s10 =	sld [smem:$0x3FB1];
	_ =	sdelay $0x3  }
0x36: {  	p1 =	seq.s32 s10, $0x1;
	s10 =	sld [smem:$0x3FB2];
	_ =	sdelay $0x3  }
0x37: {  	[smem:$0x3FB2] =	sst s10  }
0x38: {  	s10 =	sld [smem:$0x3FB3]  }
0x39: {  	_ = 	snop;
	(pc) =	sbr.ind lr, $3  }
0x3a: {  	_ = 	snop  }
0x3b: {  	_ = 	snop  }
0x3c: {  	p2 =	seq.s32 s10, $0x1;
	s10 =	sld [smem:$0x3FB2]  }
0x3d: {  	_ =	shalt  }
0x3e: {  	_ =	shalt  }
0x3f: {  	_ =	shalt  }
0x40: {  	_ =	shalt  }
0x41: {  	_ =	shalt  }
0x42: {  	_ =	shalt  }
0x43: {  	_ =	shalt  }
0x44: {  	_ =	shalt  }
0x45: {  	_ =	shalt  }
0x46: {  	_ =	shalt  }
0x47: {  	_ =	shalt  }
0x48: {  	_ =	shalt  }
0x49: {  	_ =	shalt  }
0x4a: {  	_ =	shalt  }
0x4b: {  	_ =	shalt  }
0x4c: {  	_ =	shalt  }
0x4d: {  	_ =	shalt  }
0x4e: {  	_ =	shalt  }
0x4f: {  	_ =	shalt  }
0x50: {  	_ =	shalt  }
0x51: {  	_ =	shalt  }
0x52: {  	_ =	shalt  }
0x53: {  	_ =	shalt  }
0x54: {  	_ =	shalt  }
0x55: {  	_ =	shalt  }
0x56: {  	_ =	shalt  }
0x57: {  	_ =	shalt  }
0x58: {  	_ =	shalt  }
0x59: {  	_ =	shalt  }
0x5a: {  	_ =	shalt  }
0x5b: {  	_ =	shalt  }
0x5c: {  	_ =	shalt  }
0x5d: {  	_ =	shalt  }
0x5e: {  	_ =	shalt  }
0x5f: {  	_ =	shalt  }
0x60: {  	_ =	shalt  }
0x61: {  	_ =	shalt  }
0x62: {  	_ =	shalt  }
0x63: {  	_ =	shalt  }
0x64: {  	_ =	shalt  }
0x65: {  	_ =	shalt  }
0x66: {  	_ =	shalt  }
0x67: {  	_ =	shalt  }
0x68: {  	_ =	shalt  }
0x69: {  	_ =	shalt  }
0x6a: {  	_ =	shalt  }
0x6b: {  	_ =	shalt  }
0x6c: {  	_ =	shalt  }
0x6d: {  	_ =	shalt  }
0x6e: {  	_ =	shalt  }
0x6f: {  	_ =	shalt  }
0x70: {  	_ =	shalt  }
0x71: {  	_ =	shalt  }
0x72: {  	_ =	shalt  }
0x73: {  	_ =	shalt  }
0x74: {  	_ =	shalt  }
0x75: {  	_ =	shalt  }
0x76: {  	_ =	shalt  }
0x77: {  	_ =	shalt  }
0x78: {  	_ =	shalt  }
0x79: {  	_ =	shalt  }
0x7a: {  	_ =	shalt  }
0x7b: {  	_ =	shalt  }
0x7c: {  	_ =	shalt  }
0x7d: {  	_ =	shalt  }
0x7e: {  	_ =	shalt  }
0x7f: {  	_ =	shalt  }
0x80: {  	_ =	shalt  }
0x81: {  	_ =	shalt  }
0x82: {  	_ =	shalt  }
0x83: {  	_ =	shalt  }
0x84: {  	_ =	shalt  }
0x85: {  	_ =	shalt  }
0x86: {  	_ =	shalt  }
0x87: {  	_ =	shalt  }
.Lfunc_end0:
.L_simem_size_0:
called_computation_lowered:
.L_overlay_start_0:
0x88: {  	s2 =	sld [smem:$0x3FD9]  }
0x89: {  	s3 =	sld [smem:$0x3FFE];
	_ =	sdelay $0x1  }
0x8a: {  	s1 =	srdreg.scid  }
0x8b: {  	s0 =	sand.u32 $0x1, s1  }
0x8c: {  	s14 =	sshll.u32 s0, $0xA;
	s2 =	sadd.s32 s3, s2  }
0x8d: {  	s2 =	sadd.s32 s2, s14  }
0x8e: {  	[smem:$0x3FBE] =	sst s2  }
0x8f: {  	_ = 	snop  }
0x90: {  	s2 =	sld [smem:$0x3FD0]  }
0x91: {  	s15 =	sld [smem:$0x3FC5]  }
0x92: {  	s4 =	sld [smem:$0x3FC2]  }
0x93: {  	s6 =	simm.s32 $0xA;
	s7 =	simm.s32 $0x10;
	s5 =	sld [smem:$0x3FC1]  }
0x94: {  	[smem:s7], [sflag:s6] =	dma.local [hbm:s2], $0x1  }
0x95: {  	_ =	swait.eq [sflag:s6], $0x1  }
0x96: {  	[sflag:s6] =	ssyncset.done $0x0  }
0x97: {  	s16 =	sld [smem:$0x10];
	[sflag:s6] =	ssyncadd.s32 $0xFFFFFFFF  }
0x98: {  	s17 =	sld [smem:$0x11];
	(tm) =	ssettm $0x1  }
0x99: {  	s18 =	sld [smem:$0x3FFB];
	_ =	sdelay $0x3  }
0x9a: {  	_ =	strace s18  }
0x9b: {  	s7 =	sld [smem:$0x3FFC];
	_ =	sdelay $0x3  }
0x9c: {  	_ =	strace s7  }
0x9d: {  	s7 =	sld [smem:$0x3FFD];
	_ =	sdelay $0x3  }
0x9e: {  	_ =	strace s7  }
0x9f: {  	_ =	strace $0x8FFFFFFF  }
0xa0: {  	s19 =	sld [smem:$0x3FDB];
	_ =	sdelay $0x1  }
0xa1: {  	s8 =	simm.s32 $_scs_section_size  }
0xa2: {  	s9 =	simm.s32 $_size__tile_overlayer_lowered;
	s10 =	simm.s32 $_tile_overlayer_lowered  }
0xa3: {  	s22 =	simm.s32 $0x1BFF;
	s21 =	sshll.u32 s10, $0x1;
	s7 =	sadd.s32 s8, s19  }
0xa4: {  	s11 =	simm.s32 $0x0;
	s20 =	sshll.u32 s9, $0x1;
	s9 =	sadd.s32 s21, s7  }
0xa5: {  	[timem:s11], [sflag:s22] =	dma.local [hbm:s9], s20  }
0xa6: {  	_ =	swait.ge [sflag:s22], s20  }
0xa7: {  	s8 =	ssub.s32 $0x0, s20;
	[sflag:s22] =	ssyncset.done $0x0  }
0xa8: {  	[sflag:s22] =	ssyncadd.s32 s8;
	_ =	sdelay $0x1  }
0xa9: {  	s23 =	simm.s32 $0x1B8B  }
0xaa: {  	_ =	swait.ge [sflag:s23], $0x1  }
0xab: {  	[sflag:s23] =	ssyncset.done $0x0  }
0xac: {  	s25 =	simm.s32 $0x1B8E;
	s24 =	sld [smem:$0x3FFE];
	[sflag:s23] =	ssyncadd.s32 $0xFFFFFFFF  }
0xad: {  	s26 =	simm.s32 $execute0_lowered;
	[smem:$0x3FD2] =	sst s25  }
0xae: {  	s9 =	sshll.u32 s26, $0x1;
	_ =	strace $0x80000046;
	[dreg:$0x1] =	wrdreg $0xFFFFFFFF  }
0xaf: {  	s28 =	simm.s32 $_size_execute0_lowered;
	s7 =	sadd.s32 s7, s9;
	[dreg:$0x0] =	wrdreg $0x0  }
0xb0: {  	s9 =	sshll.u32 s28, $0x1;
	[dreg:$0x2] =	wrdreg s7  }
0xb1: {  	[dreg:$0x3] =	wrdreg s9  }
0xb2: {  	[dreg:$0x4] =	wrdreg $0xC0  }
0xb3: {  	_ =	task [dreg:s11], $0x5FFFF  }
0xb4: {  	[dreg:$0x1] =	wrdreg $0xFFFFFFFF  }
0xb5: {  	[dreg:$0x0] =	wrdreg $0x60  }
0xb6: {  	[dreg:$0x2] =	wrdreg s16  }
0xb7: {  	[dreg:$0x3] =	wrdreg s24  }
0xb8: {  	[dreg:$0x4] =	wrdreg s15  }
0xb9: {  	[dreg:$0x5] =	wrdreg s4  }
0xba: {  	[dreg:$0x6] =	wrdreg s5  }
0xbb: {  	[dreg:$0x7] =	wrdreg s17  }
0xbc: {  	[dreg:$0x8] =	wrdreg $0x9  }
0xbd: {  	_ =	task.clear_ibuf [dreg:s11], $0x9FFFF;
	_ =	strace $0x90000046  }
0xbe: {  	s29 =	simm.s32 $0x9;
	_ =	strace $0x80000048  }
0xbf: {  	_ =	swait.ge [sflag:s29], $0x1  }
0xc0: {  	[sflag:s29] =	ssyncadd.s32 $0xFFFFFFFF  }
0xc1: {  	_ =	strace $0x90000048  }
0xc2: {  	_ =	sfence  }
0xc3: {  	s30 =	sld [smem:$0x0];
	_ =	sdelay $0x2  }
0xc4: {  	s31 =	sshll.u32 s1, $0xD;
	s1 =	sshrl.u32 s1, $0x2  }
0xc5: {  	s3 =	sand.u32 $0x4000, s31;
	s1 =	sadd.s32 s1, s30  }
0xc6: {  	s0 =	sor.u32 s3, s0;
	s1 =	sshll.u32 s1, $0x11  }
0xc7: {  	s0 =	sor.u32 s1, s0  }
0xc8: {  	s0 =	sadd.s32 $0x8F2B, s0  }
0xc9: {  	[sflag:s0] =	ssyncadd.remote.s32 $0x1  }
0xca: {  	_ =	sfence.sel $0xFFFF  }
0xcb: {  	[dreg:$0x0] =	wrdreg $0xFFFFFFFF;
	(pc) =	sbr.abs _section_cstart, $3  }
0xcc: {  	[dreg:$0x1] =	wrdreg $0xFFFFFFFF  }
0xcd: {  	_ =	task.clear_ibuf [dreg:s11], $0x2FFFF;
	_ =	strace $0x9FFFFFFF  }
0xce: {  	(tm) =	ssettm $0x7FFFFFFF  }
0xcf: {  	_ =	shalt  }
tec
execute0_lowered:
.L_overlay_start_1:
0x0: {  	(tag) =	ssettag $0x1  }
0x1: {  	s0 =	rddreg [dreg:$0x0]  }
0x2: {  	s1 =	rddreg [dreg:$0x1]  }
0x3: {  	s2 =	rddreg [dreg:$0x2];
	s5 =	simm.s32 $0x0;
	s6 =	stileid.u32  }
0x4: {  	s3 =	srdreg.scid;
	[smem:$0x7FF] =	sst s5  }
0x5: {  	s4 =	sshll.u32 s6, $0xA;
	s3 =	sand.u32 $0x1, s3;
	s6 =	sshll.u32 s6, $0x1  }
0x6: {  	s7 =	sadd.s32 $0x51800, s1;
	s8 =	sadd.s32 $0x70200, s1;
	s28 =	sadd.s32 $0x8EA40, s1  }
0x7: {  	s29 =	sadd.s32 $0x1E840, s2;
	_ =	strace $0x80000047;
	s4 =	sand.u32 $0x3000, s4  }
0x8: {  	s6 =	sor.u32 s3, s6;
	s3 =	ssub.s32 $0x2, s3;
	s4 =	sadd.s32 s4, s1  }
0x9: {  	s9 =	sshll.u32 s6, $0x4;
	s10 =	sshll.u32 s6, $0xB;
	s11 =	smul.u32 $0x7A10, s6  }
0xa: {  	s13 =	sshrl.u32 s3, $0x1;
	p0 =	sne.s32 s6, $0x0;
	s12 =	sadd.s32 s9, s1  }
0xb: {  	s10 =	sadd.s32 s10, s1;
	s3 =	ssub.s32 s3, s13;
	s0 =	sadd.s32 s0, s9  }
0xc: {  	s9 =	sand.u32 $0x70, s9;
	[dreg:$0x7] =	wrdreg s0;
	s26 =	sshrl.u32 s11, $0x3  }
0xd: {  	s13 =	sadd.s32 $0x8EC00, s12;
	s17 =	sadd.s32 $0xB2E00, s12;
	s18 =	sadd.s32 $0xB3000, s12  }
0xe: {  	s19 =	sadd.s32 $0x8EE00, s10;
	s10 =	sadd.s32 $0x9EE00, s10;
	s4 =	sadd.s32 s9, s4  }
0xf: {  	s31 =	smax.u32 s3, $0x1;
	s3 =	simm.s32 $0xE280;
	[dreg:$0x8] =	wrdreg s13  }
0x10: {  	s9 =	simm.s32 $0x6180;
	s11 =	simm.s32 $0x2;
	[dreg:$0xc] =	wrdreg s17  }
0x11: {  	s12 =	simm.s32 $0x10A80;
	s14 =	sadd.s32 s7, s26;
	[dreg:$0xd] =	wrdreg s18  }
0x12: {  	s15 =	sadd.s32 s8, s26;
	s16 =	sadd.s32 s2, s26;
	[dreg:$0xe] =	wrdreg s19  }
0x13: {  	s20 =	sadd.s32 $0x500, s26;
	[dreg:$0xf] =	wrdreg s10;
	s23 =	sadd.s32 $0xA00, s26  }
0x14: {  	s0 =	sadd.s32 $0xF00, s26;
	s30 =	sadd.s32 $0xAEE00, s4;
	[dreg:$0x9] =	wrdreg s14  }
0x15: {  	s4 =	simm.s32 $0x13280;
	s10 =	simm.s32 $0xA180;
	[dreg:$0xa] =	wrdreg s15  }
0x16: {  	s13 =	simm.s32 $0x15A80;
	[dreg:$0xb] =	wrdreg s16;
	s21 =	sadd.s32 s7, s20  }
0x17: {  	s17 =	simm.s32 $0x0;
	s22 =	sadd.s32 s8, s20;
	[dreg:$0x10] =	wrdreg s21  }
0x18: {  	s24 =	sadd.s32 s2, s20;
	s25 =	sadd.s32 s7, s23;
	[dreg:$0x11] =	wrdreg s22  }
0x19: {  	s26 =	sadd.s32 s8, s23;
	s6 =	sadd.s32 s2, s23;
	[dreg:$0x12] =	wrdreg s24  }
0x1a: {  	s23 =	sadd.s32 s2, s0;
	s2 =	simm.s32 $0x6100;
	[dreg:$0x13] =	wrdreg s25  }
0x1b: {  	s14 =	simm.s32 $0x1AA80;
	s15 =	simm.s32 $0x5000;
	[dreg:$0x14] =	wrdreg s26  }
0x1c: {  	s16 =	simm.s32 $0x3;
	[dreg:$0x15] =	wrdreg s6;
	s21 =	sadd.s32 s7, s0  }
0x1d: {  	s22 =	sadd.s32 s8, s0;
	s24 =	sadd.s32 $0x11800, s1;
	s25 =	sadd.s32 $0x1800, s1  }
0x1e: {  	s26 =	sadd.s32 $0x70040, s1;
	s0 =	simm.s32 $0x4000;
	s1 =	simm.s32 $0x6080  }
0x1f: {  	v0 =	vimm.f32 $0.0e+00;
	s6 =	simm.s32 $0x18280;
	s7 =	simm.s32 $0x1;
	s8 =	simm.s32 $0x80  }
.LBB2_1:
0x20: {  	s18 =	rddreg [dreg:$0x3]  }
0x21: {  	[tilespmem:s5], [sflag:$0x1] =	stream.linear.gather [hbm4b:s18+s5], $0x4000, $0x38;
	[tilespmem:$0x1D280] =	vst v63  }
0x22: {  	s19 =	rddreg [dreg:$0x4]  }
0x23: {  	[tilespmem:s0], [sflag:$0x1] =	stream.linear.gather [hbm4b:s19+s5], $0x1000, $0x38;
	[tilespmem:$0x1D280] =	vst v63  }
0x24: {  	s20 =	rddreg [dreg:$0x5];
	s19 =	simm.s32 $0x6000  }
0x25: {  	[tilespmem:s19], [sflag:$0x1] =	stream.linear.gather [hbm4b:s20+s5], $0x80, $0x38;
	[tilespmem:$0x1D280] =	vst v63  }
0x26: {  	s20 =	rddreg [dreg:$0x7]  }
0x27: {  	[tilespmem:s1], [sflag:$0x1] =	stream.linear.gather [hbm4b:s20+s5], $0x80, $0x38;
	[tilespmem:$0x1D280] =	vst v63  }
0x28: {  	s19 =	rddreg [dreg:$0x8]  }
0x29: {  	[tilespmem:s2], [sflag:$0x1] =	stream.linear.gather [hbm4b:s19+s5], $0x80, $0x38;
	[tilespmem:$0x1D280] =	vst v63  }
0x2a: {  	s20 =	rddreg [dreg:$0x9]  }
0x2b: {  	[tilespmem:s3], [sflag:$0x2] =	stream.linear.gather [hbm4b:s20+s5], $0x2800, $0x38;
	[tilespmem:$0x1D280] =	vst v63  }
0x2c: {  	s19 =	rddreg [dreg:$0xa]  }
0x2d: {  	[tilespmem:s4], [sflag:$0x2] =	stream.linear.gather [hbm4b:s19+s5], $0x2800, $0x38;
	[tilespmem:$0x1D280] =	vst v63  }
0x2e: {  	s20 =	rddreg [dreg:$0xb]  }
0x2f: {  	[tilespmem:s6], [sflag:$0x2] =	stream.linear.gather [hbm4b:s20+s5], $0x2800, $0x38;
	[tilespmem:$0x1D280] =	vst v63  }
0x30: {  	_ =	swait.ge [sflag:s7], $0x4000  }
0x31: {  	[sflag:s7] =	ssyncset.done $0x0  }
0x32: {  	[sflag:s7] =	ssyncadd.s32 $0xFFFFC000  }
0x33: {  	_ =	swait.ge [sflag:s7], $0x1000  }
0x34: {  	[sflag:s7] =	ssyncset.done $0x0  }
0x35: {  	[sflag:s7] =	ssyncadd.s32 $0xFFFFF000  }
0x36: {  	_ =	swait.ge [sflag:s7], $0x80  }
0x37: {  	[sflag:s7] =	ssyncset.done $0x0  }
0x38: {  	[sflag:s7] =	ssyncadd.s32 $0xFFFFFF80  }
0x39: {  	_ =	swait.ge [sflag:s7], $0x80  }
0x3a: {  	[sflag:s7] =	ssyncset.done $0x0  }
0x3b: {  	[sflag:s7] =	ssyncadd.s32 $0xFFFFFF80  }
0x3c: {  	_ =	swait.ge [sflag:s7], $0x80  }
0x3d: {  	[sflag:s7] =	ssyncset.done $0x0  }
0x3e: {  	[sflag:s7] =	ssyncadd.s32 $0xFFFFFF80  }
0x3f: {  	[tilespmem:s9], [sflag:$0x1] =	stream.indirect.gather [hbm4b:s24+s8], $0x80, s1, s8, $0xb8;
	[tilespmem:$0x1D280] =	vst v63  }
0x40: {  	_ = 	snop  }
0x41: {  	[tilespmem:s10], [sflag:$0x1] =	stream.indirect.gather [hbm4b:s25+s8], $0x80, s2, s8, $0xb8;
	[tilespmem:$0x1D280] =	vst v63  }
0x42: {  	v1 =	vld [tilespmem:$0x6080];
	_ =	sdelay $0x5  }
0x43: {  	v2 =	vld [tilespmem:$0x6100];
	_ =	sdelay $0x1  }
0x44: {  	v1 =	vld.idx.msk [tilespmem:v1+s5+$0x0], $0xffff;
	_ =	sdelay $0x3  }
0x45: {  	v3 =	vld [tilespmem:$0x6090]  }
0x46: {  	[tilespmem:$0xE180] =	vst v1  }
0x47: {  	v1 =	vld.idx.msk [tilespmem:v2+s0+$0x0], $0xffff;
	_ =	sdelay $0x3  }
0x48: {  	v2 =	vld [tilespmem:$0x6110]  }
0x49: {  	[tilespmem:$0xE200] =	vst v1  }
0x4a: {  	v1 =	vld.idx.msk [tilespmem:v3+s5+$0x0], $0xffff;
	_ =	sdelay $0x3  }
0x4b: {  	v3 =	vld [tilespmem:$0x60A0]  }
0x4c: {  	[tilespmem:$0xE190] =	vst v1  }
0x4d: {  	v1 =	vld.idx.msk [tilespmem:v2+s0+$0x0], $0xffff;
	_ =	sdelay $0x3  }
0x4e: {  	v2 =	vld [tilespmem:$0x6120]  }
0x4f: {  	[tilespmem:$0xE210] =	vst v1  }
0x50: {  	v1 =	vld.idx.msk [tilespmem:v3+s5+$0x0], $0xffff;
	_ =	sdelay $0x3  }
0x51: {  	v3 =	vld [tilespmem:$0x60B0]  }
0x52: {  	[tilespmem:$0xE1A0] =	vst v1  }
0x53: {  	v1 =	vld.idx.msk [tilespmem:v2+s0+$0x0], $0xffff;
	_ =	sdelay $0x3  }
0x54: {  	v2 =	vld [tilespmem:$0x6130]  }
0x55: {  	[tilespmem:$0xE220] =	vst v1  }
0x56: {  	v1 =	vld.idx.msk [tilespmem:v3+s5+$0x0], $0xffff;
	_ =	sdelay $0x3  }
0x57: {  	v3 =	vld [tilespmem:$0x60C0]  }
0x58: {  	[tilespmem:$0xE1B0] =	vst v1  }
0x59: {  	v1 =	vld.idx.msk [tilespmem:v2+s0+$0x0], $0xffff;
	_ =	sdelay $0x3  }
0x5a: {  	v2 =	vld [tilespmem:$0x6140]  }
0x5b: {  	[tilespmem:$0xE230] =	vst v1  }
0x5c: {  	v1 =	vld.idx.msk [tilespmem:v3+s5+$0x0], $0xffff;
	_ =	sdelay $0x3  }
0x5d: {  	v3 =	vld [tilespmem:$0x60D0]  }
0x5e: {  	[tilespmem:$0xE1C0] =	vst v1  }
0x5f: {  	v1 =	vld.idx.msk [tilespmem:v2+s0+$0x0], $0xffff;
	_ =	sdelay $0x3  }
0x60: {  	v2 =	vld [tilespmem:$0x6150]  }
0x61: {  	[tilespmem:$0xE240] =	vst v1  }
0x62: {  	v1 =	vld.idx.msk [tilespmem:v3+s5+$0x0], $0xffff;
	_ =	sdelay $0x3  }
0x63: {  	v3 =	vld [tilespmem:$0x60E0]  }
0x64: {  	[tilespmem:$0xE1D0] =	vst v1  }
0x65: {  	v1 =	vld.idx.msk [tilespmem:v2+s0+$0x0], $0xffff;
	_ =	sdelay $0x3  }
0x66: {  	v2 =	vld [tilespmem:$0x6160]  }
0x67: {  	[tilespmem:$0xE250] =	vst v1  }
0x68: {  	v1 =	vld.idx.msk [tilespmem:v3+s5+$0x0], $0xffff;
	_ =	sdelay $0x3  }
0x69: {  	v3 =	vld [tilespmem:$0x60F0]  }
0x6a: {  	[tilespmem:$0xE1E0] =	vst v1  }
0x6b: {  	v1 =	vld.idx.msk [tilespmem:v2+s0+$0x0], $0xffff;
	_ =	sdelay $0x3  }
0x6c: {  	v2 =	vld [tilespmem:$0x6170]  }
0x6d: {  	[tilespmem:$0xE260] =	vst v1  }
0x6e: {  	v1 =	vld.idx.msk [tilespmem:v3+s5+$0x0], $0xffff;
	_ =	sdelay $0x4  }
0x6f: {  	[tilespmem:$0xE1F0] =	vst v1  }
0x70: {  	v1 =	vld.idx.msk [tilespmem:v2+s0+$0x0], $0xffff;
	_ =	sdelay $0x4  }
0x71: {  	s20 =	simm.s32 $0xE180;
	s19 =	rddreg [dreg:$0xc];
	[tilespmem:$0xE270] =	vst v1  }
0x72: {  	[hbm4b:s19+s5] =	stream.linear.scatter [tilespmem:s20], [sflag:$0x1], $0x80, $0x38;
	[tilespmem:$0x1D280] =	vst v63  }
0x73: {  	s19 =	rddreg [dreg:$0xd];
	s20 =	simm.s32 $0xE200  }
0x74: {  	[hbm4b:s19+s5] =	stream.linear.scatter [tilespmem:s20], [sflag:$0x1], $0x80, $0x38;
	[tilespmem:$0x1D280] =	vst v63  }
0x75: {  	_ =	swait.ge [sflag:s7], $0x4000  }
0x76: {  	[sflag:s7] =	ssyncset.done $0x0  }
0x77: {  	[sflag:s7] =	ssyncadd.s32 $0xFFFFC000  }
0x78: {  	_ =	swait.ge [sflag:s7], $0x4000  }
0x79: {  	[sflag:s7] =	ssyncset.done $0x0  }
0x7a: {  	s19 =	rddreg [dreg:$0xe];
	[sflag:s7] =	ssyncadd.s32 $0xFFFFC000  }
0x7b: {  	[hbm4b:s19+s5] =	stream.linear.scatter [tilespmem:s9], [sflag:$0x1], $0x4000, $0x38;
	[tilespmem:$0x1D280] =	vst v63  }
0x7c: {  	s18 =	simm.s32 $0x40;
	s20 =	rddreg [dreg:$0xf];
	s19 =	simm.s32 $0x0  }
0x7d: {  	[hbm4b:s20+s5] =	stream.linear.scatter [tilespmem:s10], [sflag:$0x1], $0x4000, $0x38;
	[tilespmem:$0x1D280] =	vst v63  }
.LBB2_2:
0x7e: {  	p1 =	sne.s32 s18, $0x3FC0;
	[tilespmem:s19+$0x5000] =	vst v0;
	s19 =	smov.u32 s18;
	s18 =	sadd.s32 $0x40, s18  }
.Ltmp0:
0x7f: {  	(pc) =	sbr.rel @p1 .LBB2_2-.Ltmp0, $2  }
0x80: {  	_ =	sdelay $0x2  }
0x81: {  	s19 =	sshra.s32 s19, $0x2  }
0x82: {  	[tilespmem:s19+$0x5000] =	vst v0  }
0x83: {  	v1 =	vld [tilespmem:$0x6000];
	_ =	swait.ge [sflag:s11], $0x2800  }
0x84: {  	[sflag:s11] =	ssyncset.done $0x0  }
0x85: {  	[sflag:s11] =	ssyncadd.s32 $0xFFFFD800  }
0x86: {  	_ =	swait.ge [sflag:s11], $0x2800  }
0x87: {  	[sflag:s11] =	ssyncset.done $0x0  }
0x88: {  	[sflag:s11] =	ssyncadd.s32 $0xFFFFD800  }
0x89: {  	_ =	swait.ge [sflag:s11], $0x2800  }
0x8a: {  	[sflag:s11] =	ssyncset.done $0x0  }
0x8b: {  	s18 =	simm.s32 $0x0;
	s20 =	rddreg [dreg:$0x10];
	[sflag:s11] =	ssyncadd.s32 $0xFFFFD800  }
0x8c: {  	[tilespmem:s12], [sflag:$0x2] =	stream.linear.gather [hbm4b:s20+s18], $0x2800, $0x38;
	[tilespmem:$0x1D280] =	vst v63  }
0x8d: {  	s20 =	rddreg [dreg:$0x11]  }
0x8e: {  	[tilespmem:s13], [sflag:$0x2] =	stream.linear.gather [hbm4b:s20+s18], $0x2800, $0x38;
	[tilespmem:$0x1D280] =	vst v63  }
0x8f: {  	s20 =	rddreg [dreg:$0x12]  }
0x90: {  	[tilespmem:s14], [sflag:$0x2] =	stream.linear.gather [hbm4b:s20+s18], $0x2800, $0x38;
	[tilespmem:$0x1D280] =	vst v63  }
.LBB2_4:
0x91: {  	s19 =	sshra.s32 s18, $0x2  }
0x92: {  	v2 =	vld [tilespmem:s19+$0xE280];
	_ =	sdelay $0x1  }
0x93: {  	v3 =	vld [tilespmem:s19+$0x13280];
	_ =	sdelay $0x4  }
0x94: {  	v4 =	vld [tilespmem:s19+$0x18280]  }
0x95: {  	v2 =	vld.idx.msk [tilespmem:v2+s5+$0x0], $0xffff;
	_ =	sdelay $0x1  }
0x96: {  	v5 =	vld.idx.msk [tilespmem:v3+s0+$0x0], $0xffff;
	_ =	sdelay $0x2  }
0x97: {  	v2 =	vsub.f32 v4, v2;
	_ =	sdelay $0x1  }
0x98: {  	v2 =	vsub.f32 v2, v5;
	_ =	sdelay $0x1  }
0x99: {  	v2 =	vsub.f32 v2, v1;
	_ =	sdelay $0x1  }
0x9a: {  	[tilespmem:v3+s15+$0x0] =	vst.idx.add.f32.msk $0xffff, v2  }
0x9b: {  	v2 =	vld [tilespmem:s19+$0xE290];
	_ =	sdelay $0x1  }
0x9c: {  	v3 =	vld [tilespmem:s19+$0x13290];
	_ =	sdelay $0x4  }
0x9d: {  	v58 =	vld [tilespmem:s19+$0x18290]  }
0x9e: {  	v2 =	vld.idx.msk [tilespmem:v2+s5+$0x0], $0xffff;
	_ =	sdelay $0x1  }
0x9f: {  	v59 =	vld.idx.msk [tilespmem:v3+s0+$0x0], $0xffff;
	_ =	sdelay $0x2  }
0xa0: {  	v2 =	vsub.f32 v58, v2;
	_ =	sdelay $0x1  }
0xa1: {  	v2 =	vsub.f32 v2, v59;
	_ =	sdelay $0x1  }
0xa2: {  	v2 =	vsub.f32 v2, v1;
	_ =	sdelay $0x1  }
0xa3: {  	[tilespmem:v3+s15+$0x0] =	vst.idx.add.f32.msk $0xffff, v2  }
0xa4: {  	v2 =	vld [tilespmem:s19+$0xE2A0];
	_ =	sdelay $0x1  }
0xa5: {  	v3 =	vld [tilespmem:s19+$0x132A0];
	_ =	sdelay $0x4  }
0xa6: {  	v60 =	vld [tilespmem:s19+$0x182A0]  }
0xa7: {  	v2 =	vld.idx.msk [tilespmem:v2+s5+$0x0], $0xffff;
	_ =	sdelay $0x1  }
0xa8: {  	v61 =	vld.idx.msk [tilespmem:v3+s0+$0x0], $0xffff;
	_ =	sdelay $0x2  }
0xa9: {  	v2 =	vsub.f32 v60, v2;
	_ =	sdelay $0x1  }
0xaa: {  	v2 =	vsub.f32 v2, v61;
	_ =	sdelay $0x1  }
0xab: {  	v2 =	vsub.f32 v2, v1;
	_ =	sdelay $0x1  }
0xac: {  	[tilespmem:v3+s15+$0x0] =	vst.idx.add.f32.msk $0xffff, v2  }
0xad: {  	v2 =	vld [tilespmem:s19+$0xE2B0];
	_ =	sdelay $0x1  }
0xae: {  	v3 =	vld [tilespmem:s19+$0x132B0];
	_ =	sdelay $0x4  }
0xaf: {  	v62 =	vld [tilespmem:s19+$0x182B0]  }
0xb0: {  	v2 =	vld.idx.msk [tilespmem:v2+s5+$0x0], $0xffff;
	_ =	sdelay $0x1  }
0xb1: {  	v63 =	vld.idx.msk [tilespmem:v3+s0+$0x0], $0xffff;
	_ =	sdelay $0x2  }
0xb2: {  	v2 =	vsub.f32 v62, v2  }
0xb3: {  	p1 =	sne.s32 s18, $0x9F00  }
.Ltmp1:
0xb4: {  	v2 =	vsub.f32 v2, v63;
	(pc) =	sbr.rel @p1 .LBB2_4-.Ltmp1, $3  }
0xb5: {  	_ = 	snop  }
0xb6: {  	v2 =	vsub.f32 v2, v1;
	_ =	sdelay $0x1  }
0xb7: {  	s18 =	sadd.s32 $0x100, s18;
	[tilespmem:v3+s15+$0x0] =	vst.idx.add.f32.msk $0xffff, v2  }
0xb8: {  	_ =	swait.ge [sflag:s11], $0x2800  }
0xb9: {  	[sflag:s11] =	ssyncset.done $0x0  }
0xba: {  	[sflag:s11] =	ssyncadd.s32 $0xFFFFD800  }
0xbb: {  	_ =	swait.ge [sflag:s11], $0x2800  }
0xbc: {  	[sflag:s11] =	ssyncset.done $0x0  }
0xbd: {  	[sflag:s11] =	ssyncadd.s32 $0xFFFFD800  }
0xbe: {  	_ =	swait.ge [sflag:s11], $0x2800  }
0xbf: {  	[sflag:s11] =	ssyncset.done $0x0  }
0xc0: {  	s18 =	simm.s32 $0x0;
	s19 =	rddreg [dreg:$0x13];
	[sflag:s11] =	ssyncadd.s32 $0xFFFFD800  }
0xc1: {  	[tilespmem:s3], [sflag:$0x2] =	stream.linear.gather [hbm4b:s19+s18], $0x2800, $0x38;
	[tilespmem:$0x1D280] =	vst v63  }
0xc2: {  	s20 =	rddreg [dreg:$0x14]  }
0xc3: {  	[tilespmem:s4], [sflag:$0x2] =	stream.linear.gather [hbm4b:s20+s18], $0x2800, $0x38;
	[tilespmem:$0x1D280] =	vst v63  }
0xc4: {  	s20 =	rddreg [dreg:$0x15]  }
0xc5: {  	[tilespmem:s6], [sflag:$0x2] =	stream.linear.gather [hbm4b:s20+s18], $0x2800, $0x38;
	[tilespmem:$0x1D280] =	vst v63  }
.LBB2_6:
0xc6: {  	s19 =	sshra.s32 s18, $0x2  }
0xc7: {  	v2 =	vld [tilespmem:s19+$0x10A80];
	_ =	sdelay $0x1  }
0xc8: {  	v3 =	vld [tilespmem:s19+$0x15A80];
	_ =	sdelay $0x4  }
0xc9: {  	v4 =	vld [tilespmem:s19+$0x1AA80]  }
0xca: {  	v2 =	vld.idx.msk [tilespmem:v2+s5+$0x0], $0xffff;
	_ =	sdelay $0x1  }
0xcb: {  	v5 =	vld.idx.msk [tilespmem:v3+s0+$0x0], $0xffff;
	_ =	sdelay $0x2  }
0xcc: {  	v2 =	vsub.f32 v4, v2;
	_ =	sdelay $0x1  }
0xcd: {  	v2 =	vsub.f32 v2, v5;
	_ =	sdelay $0x1  }
0xce: {  	v2 =	vsub.f32 v2, v1;
	_ =	sdelay $0x1  }
0xcf: {  	[tilespmem:v3+s15+$0x0] =	vst.idx.add.f32.msk $0xffff, v2  }
0xd0: {  	v2 =	vld [tilespmem:s19+$0x10A90];
	_ =	sdelay $0x1  }
0xd1: {  	v3 =	vld [tilespmem:s19+$0x15A90];
	_ =	sdelay $0x4  }
0xd2: {  	v58 =	vld [tilespmem:s19+$0x1AA90]  }
0xd3: {  	v2 =	vld.idx.msk [tilespmem:v2+s5+$0x0], $0xffff;
	_ =	sdelay $0x1  }
0xd4: {  	v59 =	vld.idx.msk [tilespmem:v3+s0+$0x0], $0xffff;
	_ =	sdelay $0x2  }
0xd5: {  	v2 =	vsub.f32 v58, v2;
	_ =	sdelay $0x1  }
0xd6: {  	v2 =	vsub.f32 v2, v59;
	_ =	sdelay $0x1  }
0xd7: {  	v2 =	vsub.f32 v2, v1;
	_ =	sdelay $0x1  }
0xd8: {  	[tilespmem:v3+s15+$0x0] =	vst.idx.add.f32.msk $0xffff, v2  }
0xd9: {  	v2 =	vld [tilespmem:s19+$0x10AA0];
	_ =	sdelay $0x1  }
0xda: {  	v3 =	vld [tilespmem:s19+$0x15AA0];
	_ =	sdelay $0x4  }
0xdb: {  	v60 =	vld [tilespmem:s19+$0x1AAA0]  }
0xdc: {  	v2 =	vld.idx.msk [tilespmem:v2+s5+$0x0], $0xffff;
	_ =	sdelay $0x1  }
0xdd: {  	v61 =	vld.idx.msk [tilespmem:v3+s0+$0x0], $0xffff;
	_ =	sdelay $0x2  }
0xde: {  	v2 =	vsub.f32 v60, v2;
	_ =	sdelay $0x1  }
0xdf: {  	v2 =	vsub.f32 v2, v61;
	_ =	sdelay $0x1  }
0xe0: {  	v2 =	vsub.f32 v2, v1;
	_ =	sdelay $0x1  }
0xe1: {  	[tilespmem:v3+s15+$0x0] =	vst.idx.add.f32.msk $0xffff, v2  }
0xe2: {  	v2 =	vld [tilespmem:s19+$0x10AB0];
	_ =	sdelay $0x1  }
0xe3: {  	v3 =	vld [tilespmem:s19+$0x15AB0];
	_ =	sdelay $0x4  }
0xe4: {  	v62 =	vld [tilespmem:s19+$0x1AAB0]  }
0xe5: {  	v2 =	vld.idx.msk [tilespmem:v2+s5+$0x0], $0xffff;
	_ =	sdelay $0x1  }
0xe6: {  	v63 =	vld.idx.msk [tilespmem:v3+s0+$0x0], $0xffff;
	_ =	sdelay $0x2  }
0xe7: {  	v2 =	vsub.f32 v62, v2  }
0xe8: {  	p1 =	sne.s32 s18, $0x9F00  }
.Ltmp2:
0xe9: {  	v2 =	vsub.f32 v2, v63;
	(pc) =	sbr.rel @p1 .LBB2_6-.Ltmp2, $3  }
0xea: {  	_ = 	snop  }
0xeb: {  	v2 =	vsub.f32 v2, v1;
	_ =	sdelay $0x1  }
0xec: {  	s18 =	sadd.s32 $0x100, s18;
	[tilespmem:v3+s15+$0x0] =	vst.idx.add.f32.msk $0xffff, v2  }
0xed: {  	_ =	swait.ge [sflag:s11], $0x2800  }
0xee: {  	[sflag:s11] =	ssyncset.done $0x0  }
0xef: {  	[sflag:s11] =	ssyncadd.s32 $0xFFFFD800  }
0xf0: {  	_ =	swait.ge [sflag:s11], $0x2800  }
0xf1: {  	[sflag:s11] =	ssyncset.done $0x0  }
0xf2: {  	[sflag:s11] =	ssyncadd.s32 $0xFFFFD800  }
0xf3: {  	_ =	swait.ge [sflag:s11], $0x2800  }
0xf4: {  	[sflag:s11] =	ssyncset.done $0x0  }
0xf5: {  	s18 =	simm.s32 $0x0;
	[sflag:s11] =	ssyncadd.s32 $0xFFFFD800  }
0xf6: {  	[tilespmem:s12], [sflag:$0x2] =	stream.linear.gather [hbm4b:s21+s18], $0x210, $0x38;
	[tilespmem:$0x1D280] =	vst v63  }
0xf7: {  	_ = 	snop  }
0xf8: {  	[tilespmem:s13], [sflag:$0x2] =	stream.linear.gather [hbm4b:s22+s18], $0x210, $0x38;
	[tilespmem:$0x1D280] =	vst v63  }
0xf9: {  	_ = 	snop  }
0xfa: {  	[tilespmem:s14], [sflag:$0x2] =	stream.linear.gather [hbm4b:s23+s18], $0x210, $0x38;
	[tilespmem:$0x1D280] =	vst v63  }
.LBB2_8:
0xfb: {  	s19 =	sshra.s32 s18, $0x2  }
0xfc: {  	v2 =	vld [tilespmem:s19+$0xE280];
	_ =	sdelay $0x1  }
0xfd: {  	v3 =	vld [tilespmem:s19+$0x13280];
	_ =	sdelay $0x4  }
0xfe: {  	v4 =	vld [tilespmem:s19+$0x18280]  }
0xff: {  	v2 =	vld.idx.msk [tilespmem:v2+s5+$0x0], $0xffff;
	_ =	sdelay $0x1  }
0x100: {  	v5 =	vld.idx.msk [tilespmem:v3+s0+$0x0], $0xffff;
	_ =	sdelay $0x2  }
0x101: {  	v2 =	vsub.f32 v4, v2;
	_ =	sdelay $0x1  }
0x102: {  	v2 =	vsub.f32 v2, v5;
	_ =	sdelay $0x1  }
0x103: {  	v2 =	vsub.f32 v2, v1;
	_ =	sdelay $0x1  }
0x104: {  	[tilespmem:v3+s15+$0x0] =	vst.idx.add.f32.msk $0xffff, v2  }
0x105: {  	v2 =	vld [tilespmem:s19+$0xE290];
	_ =	sdelay $0x1  }
0x106: {  	v3 =	vld [tilespmem:s19+$0x13290];
	_ =	sdelay $0x4  }
0x107: {  	v58 =	vld [tilespmem:s19+$0x18290]  }
0x108: {  	v2 =	vld.idx.msk [tilespmem:v2+s5+$0x0], $0xffff;
	_ =	sdelay $0x1  }
0x109: {  	v59 =	vld.idx.msk [tilespmem:v3+s0+$0x0], $0xffff;
	_ =	sdelay $0x2  }
0x10a: {  	v2 =	vsub.f32 v58, v2;
	_ =	sdelay $0x1  }
0x10b: {  	v2 =	vsub.f32 v2, v59;
	_ =	sdelay $0x1  }
0x10c: {  	v2 =	vsub.f32 v2, v1;
	_ =	sdelay $0x1  }
0x10d: {  	[tilespmem:v3+s15+$0x0] =	vst.idx.add.f32.msk $0xffff, v2  }
0x10e: {  	v2 =	vld [tilespmem:s19+$0xE2A0];
	_ =	sdelay $0x1  }
0x10f: {  	v3 =	vld [tilespmem:s19+$0x132A0];
	_ =	sdelay $0x4  }
0x110: {  	v60 =	vld [tilespmem:s19+$0x182A0]  }
0x111: {  	v2 =	vld.idx.msk [tilespmem:v2+s5+$0x0], $0xffff;
	_ =	sdelay $0x1  }
0x112: {  	v61 =	vld.idx.msk [tilespmem:v3+s0+$0x0], $0xffff;
	_ =	sdelay $0x2  }
0x113: {  	v2 =	vsub.f32 v60, v2;
	_ =	sdelay $0x1  }
0x114: {  	v2 =	vsub.f32 v2, v61;
	_ =	sdelay $0x1  }
0x115: {  	v2 =	vsub.f32 v2, v1;
	_ =	sdelay $0x1  }
0x116: {  	[tilespmem:v3+s15+$0x0] =	vst.idx.add.f32.msk $0xffff, v2  }
0x117: {  	v2 =	vld [tilespmem:s19+$0xE2B0];
	_ =	sdelay $0x1  }
0x118: {  	v3 =	vld [tilespmem:s19+$0x132B0];
	_ =	sdelay $0x4  }
0x119: {  	v62 =	vld [tilespmem:s19+$0x182B0]  }
0x11a: {  	v2 =	vld.idx.msk [tilespmem:v2+s5+$0x0], $0xffff;
	_ =	sdelay $0x1  }
0x11b: {  	v63 =	vld.idx.msk [tilespmem:v3+s0+$0x0], $0xffff;
	_ =	sdelay $0x2  }
0x11c: {  	v2 =	vsub.f32 v62, v2  }
0x11d: {  	p1 =	sne.s32 s18, $0x9F00  }
.Ltmp3:
0x11e: {  	v2 =	vsub.f32 v2, v63;
	(pc) =	sbr.rel @p1 .LBB2_8-.Ltmp3, $3  }
0x11f: {  	_ = 	snop  }
0x120: {  	v2 =	vsub.f32 v2, v1;
	_ =	sdelay $0x1  }
0x121: {  	s18 =	sadd.s32 $0x100, s18;
	[tilespmem:v3+s15+$0x0] =	vst.idx.add.f32.msk $0xffff, v2  }
0x122: {  	_ =	swait.ge [sflag:s11], $0x210  }
0x123: {  	[sflag:s11] =	ssyncset.done $0x0  }
0x124: {  	[sflag:s11] =	ssyncadd.s32 $0xFFFFFDF0  }
0x125: {  	_ =	swait.ge [sflag:s11], $0x210  }
0x126: {  	[sflag:s11] =	ssyncset.done $0x0  }
0x127: {  	[sflag:s11] =	ssyncadd.s32 $0xFFFFFDF0  }
0x128: {  	_ =	swait.ge [sflag:s11], $0x210  }
0x129: {  	[sflag:s11] =	ssyncset.done $0x0  }
0x12a: {  	s18 =	simm.s32 $0x0;
	[sflag:s11] =	ssyncadd.s32 $0xFFFFFDF0  }
.LBB2_10:
0x12b: {  	s19 =	sshra.s32 s18, $0x2  }
0x12c: {  	v2 =	vld [tilespmem:s19+$0x10A80];
	_ =	sdelay $0x1  }
0x12d: {  	v3 =	vld [tilespmem:s19+$0x15A80];
	_ =	sdelay $0x4  }
0x12e: {  	v4 =	vld [tilespmem:s19+$0x1AA80]  }
0x12f: {  	v2 =	vld.idx.msk [tilespmem:v2+s5+$0x0], $0xffff;
	_ =	sdelay $0x1  }
0x130: {  	v5 =	vld.idx.msk [tilespmem:v3+s0+$0x0], $0xffff;
	_ =	sdelay $0x2  }
0x131: {  	v2 =	vsub.f32 v4, v2;
	_ =	sdelay $0x1  }
0x132: {  	v2 =	vsub.f32 v2, v5;
	_ =	sdelay $0x1  }
0x133: {  	v2 =	vsub.f32 v2, v1;
	_ =	sdelay $0x1  }
0x134: {  	[tilespmem:v3+s15+$0x0] =	vst.idx.add.f32.msk $0xffff, v2  }
0x135: {  	v2 =	vld [tilespmem:s19+$0x10A90];
	_ =	sdelay $0x1  }
0x136: {  	v3 =	vld [tilespmem:s19+$0x15A90];
	_ =	sdelay $0x4  }
0x137: {  	v58 =	vld [tilespmem:s19+$0x1AA90]  }
0x138: {  	v2 =	vld.idx.msk [tilespmem:v2+s5+$0x0], $0xffff;
	_ =	sdelay $0x1  }
0x139: {  	v59 =	vld.idx.msk [tilespmem:v3+s0+$0x0], $0xffff;
	_ =	sdelay $0x2  }
0x13a: {  	v2 =	vsub.f32 v58, v2;
	_ =	sdelay $0x1  }
0x13b: {  	v2 =	vsub.f32 v2, v59;
	_ =	sdelay $0x1  }
0x13c: {  	v2 =	vsub.f32 v2, v1;
	_ =	sdelay $0x1  }
0x13d: {  	[tilespmem:v3+s15+$0x0] =	vst.idx.add.f32.msk $0xffff, v2  }
0x13e: {  	v2 =	vld [tilespmem:s19+$0x10AA0];
	_ =	sdelay $0x1  }
0x13f: {  	v3 =	vld [tilespmem:s19+$0x15AA0];
	_ =	sdelay $0x4  }
0x140: {  	v60 =	vld [tilespmem:s19+$0x1AAA0]  }
0x141: {  	v2 =	vld.idx.msk [tilespmem:v2+s5+$0x0], $0xffff;
	_ =	sdelay $0x1  }
0x142: {  	v61 =	vld.idx.msk [tilespmem:v3+s0+$0x0], $0xffff;
	_ =	sdelay $0x2  }
0x143: {  	v2 =	vsub.f32 v60, v2;
	_ =	sdelay $0x1  }
0x144: {  	v2 =	vsub.f32 v2, v61;
	_ =	sdelay $0x1  }
0x145: {  	v2 =	vsub.f32 v2, v1;
	_ =	sdelay $0x1  }
0x146: {  	[tilespmem:v3+s15+$0x0] =	vst.idx.add.f32.msk $0xffff, v2  }
0x147: {  	v2 =	vld [tilespmem:s19+$0x10AB0];
	_ =	sdelay $0x1  }
0x148: {  	v3 =	vld [tilespmem:s19+$0x15AB0];
	_ =	sdelay $0x4  }
0x149: {  	v62 =	vld [tilespmem:s19+$0x1AAB0]  }
0x14a: {  	v2 =	vld.idx.msk [tilespmem:v2+s5+$0x0], $0xffff;
	_ =	sdelay $0x1  }
0x14b: {  	v63 =	vld.idx.msk [tilespmem:v3+s0+$0x0], $0xffff;
	_ =	sdelay $0x2  }
0x14c: {  	v2 =	vsub.f32 v62, v2  }
0x14d: {  	p1 =	sne.s32 s18, $0x700  }
.Ltmp4:
0x14e: {  	v2 =	vsub.f32 v2, v63;
	(pc) =	sbr.rel @p1 .LBB2_10-.Ltmp4, $3  }
0x14f: {  	_ = 	snop  }
0x150: {  	v2 =	vsub.f32 v2, v1;
	_ =	sdelay $0x1  }
0x151: {  	s18 =	sadd.s32 $0x100, s18;
	[tilespmem:v3+s15+$0x0] =	vst.idx.add.f32.msk $0xffff, v2  }
0x152: {  	v2 =	vld [tilespmem:$0x10C80];
	_ =	sdelay $0x1  }
0x153: {  	v3 =	vld [tilespmem:$0x15C80];
	_ =	sdelay $0x4  }
0x154: {  	v4 =	vld [tilespmem:$0x1AC80]  }
0x155: {  	v2 =	vld.idx.msk [tilespmem:v2+s5+$0x0], $0xffff;
	_ =	sdelay $0x1  }
0x156: {  	v5 =	vld.idx.msk [tilespmem:v3+s0+$0x0], $0xffff;
	_ =	sdelay $0x2  }
0x157: {  	v2 =	vsub.f32 v4, v2;
	_ =	sdelay $0x1  }
0x158: {  	v2 =	vsub.f32 v2, v5;
	_ =	sdelay $0x1  }
0x159: {  	v2 =	vsub.f32 v2, v1;
	_ =	sdelay $0x1  }
0x15a: {  	s18 =	simm.s32 @!p0 $0x0;
	s19 =	simm.s32 @!p0 $0xE280;
	[tilespmem:v3+s15+$0x0] =	vst.idx.add.f32.msk $0xffff, v2  }
0x15b: {  	[tilespmem:s19], [sflag:$0x3] =	stream.linear.gather @!p0 [hbm4b:s26+s18], $0x40, $0x38;
	[tilespmem:$0x1D280] =	vst v63  }
0x15c: {  	s19 =	simm.s32 @!p0 $0x3  }
0x15d: {  	_ =	swait.ge @!p0 [sflag:s19], $0x40  }
0x15e: {  	[sflag:s19] =	ssyncset.done @!p0 $0x0  }
0x15f: {  	s20 =	simm.s32 @!p0 $0x13280;
	[sflag:s19] =	ssyncadd.s32 @!p0 $0xFFFFFFC0  }
0x160: {  	[tilespmem:s20], [sflag:$0x3] =	stream.linear.gather @!p0 [hbm4b:s28+s18], $0x40, $0x38;
	[tilespmem:$0x1D280] =	vst v63  }
0x161: {  	_ =	swait.ge @!p0 [sflag:s19], $0x40  }
0x162: {  	[sflag:s19] =	ssyncset.done @!p0 $0x0  }
0x163: {  	s20 =	simm.s32 @!p0 $0x18280;
	[sflag:s19] =	ssyncadd.s32 @!p0 $0xFFFFFFC0  }
0x164: {  	[tilespmem:s20], [sflag:$0x3] =	stream.linear.gather @!p0 [hbm4b:s29+s18], $0x40, $0x38;
	[tilespmem:$0x1D280] =	vst v63  }
0x165: {  	_ =	swait.ge @!p0 [sflag:s19], $0x40  }
0x166: {  	[sflag:s19] =	ssyncset.done @!p0 $0x0  }
0x167: {  	[sflag:s19] =	ssyncadd.s32 @!p0 $0xFFFFFFC0  }
0x168: {  	v2 =	vld @!p0 [tilespmem:$0xE280];
	_ =	sdelay $0x1  }
0x169: {  	v3 =	vld @!p0 [tilespmem:$0x13280];
	_ =	sdelay $0x4  }
0x16a: {  	v4 =	vld @!p0 [tilespmem:$0x18280]  }
0x16b: {  	v2 =	vld.idx.msk @!p0 [tilespmem:v2+s18+$0x0], $0xffff  }
0x16c: {  	s19 =	simm.s32 @!p0 $0x4000  }
0x16d: {  	v5 =	vld.idx.msk @!p0 [tilespmem:v3+s19+$0x0], $0xffff;
	_ =	sdelay $0x2  }
0x16e: {  	v2 =	vsub.f32 @!p0 v4, v2;
	_ =	sdelay $0x1  }
0x16f: {  	v2 =	vsub.f32 @!p0 v2, v5;
	_ =	sdelay $0x1  }
0x170: {  	v2 =	vsub.f32 @!p0 v2, v1  }
0x171: {  	s20 =	simm.s32 @!p0 $0x5000  }
0x172: {  	[tilespmem:v3+s20+$0x0] =	vst.idx.add.f32.msk @!p0 $0xffff, v2  }
0x173: {  	v2 =	vld @!p0 [tilespmem:$0xE290];
	_ =	sdelay $0x1  }
0x174: {  	v3 =	vld @!p0 [tilespmem:$0x13290];
	_ =	sdelay $0x4  }
0x175: {  	v4 =	vld @!p0 [tilespmem:$0x18290]  }
0x176: {  	v2 =	vld.idx.msk @!p0 [tilespmem:v2+s18+$0x0], $0xffff;
	_ =	sdelay $0x1  }
0x177: {  	v5 =	vld.idx.msk @!p0 [tilespmem:v3+s19+$0x0], $0xffff;
	_ =	sdelay $0x2  }
0x178: {  	v2 =	vsub.f32 @!p0 v4, v2;
	_ =	sdelay $0x1  }
0x179: {  	v2 =	vsub.f32 @!p0 v2, v5;
	_ =	sdelay $0x1  }
0x17a: {  	v2 =	vsub.f32 @!p0 v2, v1;
	_ =	sdelay $0x1  }
0x17b: {  	[tilespmem:v3+s20+$0x0] =	vst.idx.add.f32.msk @!p0 $0xffff, v2  }
0x17c: {  	v2 =	vld @!p0 [tilespmem:$0xE2A0];
	_ =	sdelay $0x1  }
0x17d: {  	v3 =	vld @!p0 [tilespmem:$0x132A0];
	_ =	sdelay $0x4  }
0x17e: {  	v4 =	vld @!p0 [tilespmem:$0x182A0]  }
0x17f: {  	v2 =	vld.idx.msk @!p0 [tilespmem:v2+s18+$0x0], $0xffff;
	_ =	sdelay $0x1  }
0x180: {  	v5 =	vld.idx.msk @!p0 [tilespmem:v3+s19+$0x0], $0xffff;
	_ =	sdelay $0x2  }
0x181: {  	v2 =	vsub.f32 @!p0 v4, v2;
	_ =	sdelay $0x1  }
0x182: {  	v2 =	vsub.f32 @!p0 v2, v5;
	_ =	sdelay $0x1  }
0x183: {  	v2 =	vsub.f32 @!p0 v2, v1;
	_ =	sdelay $0x1  }
0x184: {  	[tilespmem:v3+s20+$0x0] =	vst.idx.add.f32.msk @!p0 $0xffff, v2  }
0x185: {  	v2 =	vld @!p0 [tilespmem:$0xE2B0];
	_ =	sdelay $0x1  }
0x186: {  	v3 =	vld @!p0 [tilespmem:$0x132B0];
	_ =	sdelay $0x4  }
0x187: {  	v4 =	vld @!p0 [tilespmem:$0x182B0]  }
0x188: {  	v2 =	vld.idx.msk @!p0 [tilespmem:v2+s18+$0x0], $0xffff;
	_ =	sdelay $0x1  }
0x189: {  	v5 =	vld.idx.msk @!p0 [tilespmem:v3+s19+$0x0], $0xffff;
	_ =	sdelay $0x2  }
0x18a: {  	v2 =	vsub.f32 @!p0 v4, v2;
	_ =	sdelay $0x1  }
0x18b: {  	v2 =	vsub.f32 @!p0 v2, v5;
	_ =	sdelay $0x1  }
0x18c: {  	v1 =	vsub.f32 @!p0 v2, v1;
	_ =	sdelay $0x1  }
0x18d: {  	[tilespmem:v3+s20+$0x0] =	vst.idx.add.f32.msk @!p0 $0xffff, v1;
	s20 =	simm.s32 $0x400  }
0x18e: {  	[hbm4b:s30+s8] =	stream.strided.scatter [tilespmem:s15], [sflag:$0x3], $0x1000, s20, s8, $0x38;
	[tilespmem:$0x1D280] =	vst v63  }
0x18f: {  	_ =	swait.ge [sflag:s16], $0x1000  }
0x190: {  	[sflag:s16] =	ssyncset.done $0x0  }
0x191: {  	[sflag:s16] =	ssyncadd.s32 $0xFFFFF000  }
0x192: {  	_ =	swait.ge [sflag:s7], $0x80  }
0x193: {  	[sflag:s7] =	ssyncset.done $0x0  }
0x194: {  	[sflag:s7] =	ssyncadd.s32 $0xFFFFFF80  }
0x195: {  	_ =	swait.ge [sflag:s7], $0x80  }
0x196: {  	[sflag:s7] =	ssyncset.done $0x0  }
0x197: {  	s17 =	sadd.s32 $0x1, s17;
	[sflag:s7] =	ssyncadd.s32 $0xFFFFFF80  }
0x198: {  	p1 =	sne.s32 s17, s31;
	_ =	swait.ge [sflag:s7], $0x4000  }
.Ltmp5:
0x199: {  	[sflag:s7] =	ssyncset.done $0x0;
	(pc) =	sbr.rel @p1 .LBB2_1-.Ltmp5, $4  }
0x19a: {  	[sflag:s7] =	ssyncadd.s32 $0xFFFFC000  }
0x19b: {  	_ =	swait.ge [sflag:s7], $0x4000  }
0x19c: {  	[sflag:s7] =	ssyncset.done $0x0  }
0x19d: {  	[sflag:s7] =	ssyncadd.s32 $0xFFFFC000  }
0x19e: {  	_ =	sfence.sel $0x180000  }
0x19f: {  	[bflag:$0x0] =	sbarrier.arrive $0xFFFF  }
0x1a0: {  	_ =	strace $0x90000047  }
0x1a1: {  	s0 =	stileid.u32;
	[bflag:$0x2] =	sbarrier.arrive $0xFFFF  }
0x1a2: {  	p0 =	sne.s32 s0, $0x0;
	s0 =	rddreg [dreg:$0x6]  }
0x1a3: {  	s0 =	sadd.s32 @!p0 $0x100000, s0  }
0x1a4: {  	[sflag:s0] =	ssyncadd.tile.s32 @!p0 $0x1;
	_ =	shalt  }
.Lfunc_end2:
_tile_overlayer_lowered:
.L_overlay_start_2:
0x1a5: {  	(tag) =	ssettag $0x2  }
0x1a6: {  	s0 =	rddreg [dreg:$0x0];
	s2 =	stileid.u32  }
0x1a7: {  	s1 =	rddreg [dreg:$0x1];
	p0 =	sne.s32 s2, $0x0  }
0x1a8: {  	s3 =	rddreg [dreg:$0x2];
	[bflag:$0x3] =	sbarrier.arrive $0xFFFF;
	s2 =	simm.s32 @!p0 $0x1C03  }
0x1a9: {  	[timem:s3], [sflag:s2] =	dma.local @!p0 [hbm:s0], s1  }
0x1aa: {  	s0 =	simm.s32 @!p0 $0x3  }
0x1ab: {  	_ =	swait.ge @!p0 [sflag:s0], s1  }
0x1ac: {  	s1 =	ssub.s32 @!p0 $0x0, s1;
	[sflag:s0] =	ssyncset.done @!p0 $0x0  }
0x1ad: {  	[sflag:s0] =	ssyncadd.s32 @!p0 s1  }
0x1ae: {  	[bflag:$0x3] =	sbarrier.arrive $0xFFFF  }
0x1af: {  	_ =	shalt  }

</sc_bundles>
